<compile_context>
chip_gen: v7x
topology: tpu7x:2x2x1
jax: 0.10.2.dev20260603
libtpu: 0.0.44.dev20260713+nightly
codegen_flags: <defaults>
</compile_context>

<pallas_src>
import functools
import math

import jax
import jax.numpy as jnp
from jax import lax
from jax.experimental import pallas as pl
from jax.experimental.pallas import tpu as pltpu
from jax.experimental.pallas import tpu_sc as plsc

NHID = 128
RATIO = 0.2
NC, NS, NW = 2, 16, 32
EC = 128
Q = 4
ECB = EC * Q
QA = 2
ECA = EC * QA


def _rps(n):
    r = -(-(n + EC) // NS)
    return -(-r // 8) * 8


@functools.partial(jax.jit, static_argnums=(5,))
def _sc_aggregate(h, src, dst, mask, counts, n):
    e_pad = src.shape[0]
    epw = e_pad // NW
    rps = _rps(n)
    n_pad = rps * NS
    dummy = n
    mesh = plsc.VectorSubcoreMesh(core_axis_name="c", subcore_axis_name="s")

    @functools.partial(
        pl.kernel, mesh=mesh,
        out_type=[
            jax.ShapeDtypeStruct((NC, n_pad, NHID), jnp.float32),
            jax.ShapeDtypeStruct((NC * n_pad,), jnp.float32),
        ],
        scratch_types=[
            pltpu.VMEM((ECA,), jnp.int32),
            pltpu.VMEM((QA, EC), jnp.int32),
            pltpu.VMEM((ECA,), jnp.float32),
            pltpu.VMEM((ECA, NHID), jnp.float32),
            pltpu.VMEM((-(-rps // 16) * 16,), jnp.float32),
            pltpu.VMEM_SHARED((n_pad, NHID), jnp.float32),
            pltpu.VMEM_SHARED((n_pad,), jnp.float32),
            pltpu.VMEM((16,), jnp.int32),
            pltpu.SemaphoreType.DMA,
            pltpu.SemaphoreType.DMA,
            pltpu.SemaphoreType.DMA,
        ],
    )
    def agg(h_hbm, src_hbm, dst_hbm, mask_hbm, counts_hbm,
            s_out, cnt_out, srcv, dstv2, maskv, rows, cvec, s_sh, cnt_sh,
            cnts, sem, semi, semg):
        cid = lax.axis_index("c")
        sid = lax.axis_index("s")
        wid = sid * NC + cid
        r0 = sid * rps
        pltpu.sync_copy(counts_hbm.at[pl.ds(wid * 16, 16)], cnts)
        cv = cnts[...]
        nch = (cv[0] + (ECA - 1)) // ECA
        base = pl.multiple_of(cv[1], EC)

        def zrow(r, _):
            for j in range(NHID // 16):
                rows[r, pl.ds(j * 16, 16)] = jnp.zeros((16,), jnp.float32)
            return ()
        lax.fori_loop(0, ECA, zrow, ())
        for j in range(-(-rps // 16)):
            cvec[pl.ds(j * 16, 16)] = jnp.zeros((16,), jnp.float32)
        off = 0
        while off < rps:
            c = min(ECA, rps - off)
            pltpu.sync_copy(rows.at[pl.ds(0, c)],
                            s_sh.at[pl.ds(r0 + off, c)])
            off += c
        pltpu.sync_copy(cvec.at[pl.ds(0, rps)], cnt_sh.at[pl.ds(r0, rps)])
        plsc.subcore_barrier()

        def body(i, _):
            off = pl.multiple_of(base + i * ECA, EC)
            hsrc = pltpu.async_copy(src_hbm.at[pl.ds(off, ECA)], srcv, sem)
            hs = [pltpu.async_copy(mask_hbm.at[pl.ds(off, ECA)], maskv, semi)]
            for q in range(QA):
                hs.append(pltpu.async_copy(
                    dst_hbm.at[pl.ds(off + q * EC, EC)], dstv2.at[q], semi))
            hsrc.wait()
            gs = [pltpu.async_copy(h_hbm.at[srcv.at[pl.ds(q * EC, EC)]],
                                   rows.at[pl.ds(q * EC, EC)], semg)
                  for q in range(QA)]
            for hh in hs:
                hh.wait()
            lane = lax.iota(jnp.int32, 16)
            for q in range(QA):
                for j in range(EC // 16):
                    m = maskv[pl.ds(q * EC + j * 16, 16)]
                    d = dstv2[q, pl.ds(j * 16, 16)]
                    dstv2[q, pl.ds(j * 16, 16)] = jnp.where(
                        m > 0.0, d, dummy + j * 16 + lane)
            for q in range(QA):
                gs[q].wait()
                pltpu.sync_copy(rows.at[pl.ds(q * EC, EC)],
                                s_sh.at[dstv2.at[q]], add=True)
                pltpu.sync_copy(maskv.at[pl.ds(q * EC, EC)],
                                cnt_sh.at[dstv2.at[q]], add=True)
            return ()

        lax.fori_loop(0, nch, body, ())
        plsc.subcore_barrier()
        off = 0
        while off < rps:
            c = min(ECA, rps - off)
            pltpu.sync_copy(s_sh.at[pl.ds(r0 + off, c)], rows.at[pl.ds(0, c)])
            pltpu.sync_copy(rows.at[pl.ds(0, c)],
                            s_out.at[cid, pl.ds(r0 + off, c)])
            off += c
        pltpu.sync_copy(cnt_sh.at[pl.ds(r0, rps)], cvec.at[pl.ds(0, rps)])
        pltpu.sync_copy(cvec.at[pl.ds(0, rps)],
                        cnt_out.at[pl.ds(cid * n_pad + r0, rps)])

    s, cnt = agg(h, src, dst, mask, counts)
    return s[:, :n], cnt.reshape(NC, n_pad)[:, :n]


@functools.partial(jax.jit, static_argnums=(5,))
def _sc_gscatter(a, src, dst, mask, counts, n):
    e_pad = src.shape[0]
    epw = e_pad // NW
    rps = _rps(n)
    n_pad = rps * NS
    dummy = n
    mesh = plsc.VectorSubcoreMesh(core_axis_name="c", subcore_axis_name="s")

    @functools.partial(
        pl.kernel, mesh=mesh,
        out_type=jax.ShapeDtypeStruct((NC * n_pad,), jnp.float32),
        scratch_types=[
            pltpu.VMEM((ECB,), jnp.int32),
            pltpu.VMEM((Q, EC), jnp.int32),
            pltpu.VMEM((ECB,), jnp.float32),
            pltpu.VMEM((ECB,), jnp.float32),
            pltpu.VMEM((-(-rps // 16) * 16,), jnp.float32),
            pltpu.VMEM_SHARED((n_pad,), jnp.float32),
            pltpu.VMEM((16,), jnp.int32),
            pltpu.SemaphoreType.DMA,
            pltpu.SemaphoreType.DMA,
            pltpu.SemaphoreType.DMA,
        ],
    )
    def gsc(a_hbm, src_hbm, dst_hbm, mask_hbm, counts_hbm,
            g_out, srcv, dstv2, maskv, valsv, cvec, g_sh, cnts,
            sem, semi, semg):
        cid = lax.axis_index("c")
        sid = lax.axis_index("s")
        wid = sid * NC + cid
        r0 = sid * rps
        pltpu.sync_copy(counts_hbm.at[pl.ds(wid * 16, 16)], cnts)
        cv = cnts[...]
        nch = (cv[0] + (ECB - 1)) // ECB
        base = pl.multiple_of(cv[1], EC)
        for j in range(-(-rps // 16)):
            cvec[pl.ds(j * 16, 16)] = jnp.zeros((16,), jnp.float32)
        pltpu.sync_copy(cvec.at[pl.ds(0, rps)], g_sh.at[pl.ds(r0, rps)])
        plsc.subcore_barrier()

        def body(i, _):
            off = pl.multiple_of(base + i * ECB, EC)
            hsrc = pltpu.async_copy(src_hbm.at[pl.ds(off, ECB)], srcv, sem)
            hs = [pltpu.async_copy(mask_hbm.at[pl.ds(off, ECB)], maskv, semi)]
            for q in range(Q):
                hs.append(pltpu.async_copy(
                    dst_hbm.at[pl.ds(off + q * EC, EC)], dstv2.at[q], semi))
            hsrc.wait()
            gs = [pltpu.async_copy(a_hbm.at[srcv.at[pl.ds(q * EC, EC)]],
                                   valsv.at[pl.ds(q * EC, EC)], semg)
                  for q in range(Q)]
            for hh in hs:
                hh.wait()
            lane = lax.iota(jnp.int32, 16)
            for q in range(Q):
                for j in range(EC // 16):
                    m = maskv[pl.ds(q * EC + j * 16, 16)]
                    d = dstv2[q, pl.ds(j * 16, 16)]
                    dstv2[q, pl.ds(j * 16, 16)] = jnp.where(
                        m > 0.0, d, dummy + j * 16 + lane)
            for q in range(Q):
                gs[q].wait()
                pltpu.sync_copy(valsv.at[pl.ds(q * EC, EC)],
                                g_sh.at[dstv2.at[q]], add=True)
            return ()

        lax.fori_loop(0, nch, body, ())
        plsc.subcore_barrier()
        pltpu.sync_copy(g_sh.at[pl.ds(r0, rps)], cvec.at[pl.ds(0, rps)])
        pltpu.sync_copy(cvec.at[pl.ds(0, rps)],
                        g_out.at[pl.ds(cid * n_pad + r0, rps)])

    g = gsc(a, src, dst, mask, counts)
    return g.reshape(NC, n_pad)[:, :n]


def _sc_edgemap(src, dst, mask, counts, mapping):
    e_pad = src.shape[0]
    epw = e_pad // NW
    mesh = plsc.VectorSubcoreMesh(core_axis_name="c", subcore_axis_name="s")

    @functools.partial(
        pl.kernel, mesh=mesh,
        out_type=[
            jax.ShapeDtypeStruct((e_pad,), jnp.int32),
            jax.ShapeDtypeStruct((e_pad,), jnp.int32),
            jax.ShapeDtypeStruct((e_pad,), jnp.float32),
        ],
        scratch_types=[
            pltpu.VMEM((ECB,), jnp.int32),
            pltpu.VMEM((ECB,), jnp.int32),
            pltpu.VMEM((ECB,), jnp.int32),
            pltpu.VMEM((ECB,), jnp.int32),
            pltpu.VMEM((ECB,), jnp.float32),
            pltpu.VMEM((ECB,), jnp.float32),
            pltpu.VMEM((16,), jnp.int32),
            pltpu.SemaphoreType.DMA,
        ],
    )
    def emap(src_hbm, dst_hbm, mask_hbm, counts_hbm, map_hbm,
             ms_out, md_out, nm_out,
             msv, mdv, srcv, dstv, maskv, nmv, cnts, sem):
        cid = lax.axis_index("c")
        sid = lax.axis_index("s")
        wid = sid * NC + cid
        pltpu.sync_copy(counts_hbm.at[pl.ds(wid * 16, 16)], cnts)
        cv = cnts[...]
        nch = (cv[0] + (ECB - 1)) // ECB
        base = pl.multiple_of(cv[1], EC)

        def body(i, _):
            off = pl.multiple_of(base + i * ECB, EC)
            hs = [pltpu.async_copy(src_hbm.at[pl.ds(off, ECB)], srcv, sem),
                  pltpu.async_copy(dst_hbm.at[pl.ds(off, ECB)], dstv, sem),
                  pltpu.async_copy(mask_hbm.at[pl.ds(off, ECB)], maskv, sem)]
            for hh in hs:
                hh.wait()
            gs = []
            for q in range(Q):
                sl = pl.ds(q * EC, EC)
                gs.append(pltpu.async_copy(map_hbm.at[srcv.at[sl]],
                                           msv.at[sl], sem))
                gs.append(pltpu.async_copy(map_hbm.at[dstv.at[sl]],
                                           mdv.at[sl], sem))
            for hh in gs:
                hh.wait()
            for j in range(ECB // 16):
                sl = pl.ds(j * 16, 16)
                ms = msv[sl]
                md = mdv[sl]
                valid = (ms >= 0) & (md >= 0) & (maskv[sl] > 0.0)
                msv[sl] = jnp.where(valid, ms, 0)
                mdv[sl] = jnp.where(valid, md, 0)
                nmv[sl] = jnp.where(valid, 1.0, 0.0)
            pltpu.sync_copy(msv, ms_out.at[pl.ds(off, ECB)])
            pltpu.sync_copy(mdv, md_out.at[pl.ds(off, ECB)])
            pltpu.sync_copy(nmv, nm_out.at[pl.ds(off, ECB)])
            return ()

        lax.fori_loop(0, nch, body, ())

    return emap(src, dst, mask, counts, mapping)


def _compact(ms, md, nm, prev_mask):
    e_pad = ms.shape[0]
    nmf = jnp.where(prev_mask > 0, nm, 0.0)
    cs = jnp.cumsum(nmf)
    total = cs[-1].astype(jnp.int32)
    pos = jnp.where(nmf > 0, cs.astype(jnp.int32) - 1, e_pad + 16)
    src2 = jnp.zeros((e_pad,), jnp.int32).at[pos].add(ms, mode="drop")
    dst2 = jnp.zeros((e_pad,), jnp.int32).at[pos].add(md, mode="drop")
    mask2 = (jnp.arange(e_pad) < total).astype(jnp.float32)
    w = jnp.arange(NW)
    starts = ((w * total) // NW) // ECB * ECB
    ends = jnp.concatenate([starts[1:], total[None]])
    cw = jnp.maximum(ends - starts, 0)
    counts2 = (jnp.zeros((NW, 16), jnp.int32)
               .at[:, 0].set(cw).at[:, 1].set(starts).reshape(-1))
    return src2, dst2, mask2, counts2


def _dense_body(s_ref, cnt_ref, h_ref, wl_ref, bl_ref, wr_ref, pw_ref, pb_ref,
                h1_ref, a_ref, dinv_ref, base_ref):
    s = s_ref[0] + s_ref[1]
    cnt = cnt_ref[0] + cnt_ref[1]
    h = h_ref[...]
    mean = s / jnp.maximum(cnt, 1.0)
    h1 = jnp.dot(mean, wl_ref[...], preferred_element_type=jnp.float32)
    h1 = h1 + bl_ref[...] + jnp.dot(h, wr_ref[...],
                                    preferred_element_type=jnp.float32)
    h1 = jnp.maximum(h1, 0.0)
    h1_ref[...] = h1
    xw = jnp.dot(h1, pw_ref[...], preferred_element_type=jnp.float32)
    deg = cnt + 1.0
    dinv = jax.lax.rsqrt(deg)
    a_ref[...] = xw * dinv
    dinv_ref[...] = dinv
    base_ref[...] = xw / deg + pb_ref[...]


def _dense_stage(s2, cnt2, h, Wl, bl, Wr, pW, pb):
    n = h.shape[0]
    R = 400
    grid = (n // R,)
    row = pl.BlockSpec((R, NHID), lambda i: (i, 0))
    prow = pl.BlockSpec((2, R, NHID), lambda i: (0, i, 0))
    pcol = pl.BlockSpec((2, R, 1), lambda i: (0, i, 0))
    col = pl.BlockSpec((R, 1), lambda i: (i, 0))
    full = pl.BlockSpec((NHID, NHID), lambda i: (0, 0))
    vec = pl.BlockSpec((1, NHID), lambda i: (0, 0))
    pws = pl.BlockSpec((NHID, 1), lambda i: (0, 0))
    pbs = pl.BlockSpec((1, 1), lambda i: (0, 0))
    h1, a, dinv, base = pl.pallas_call(
        _dense_body,
        grid=grid,
        in_specs=[prow, pcol, row, full, vec, full, pws, pbs],
        out_specs=[row, col, col, col],
        out_shape=[
            jax.ShapeDtypeStruct((n, NHID), jnp.float32),
            jax.ShapeDtypeStruct((n, 1), jnp.float32),
            jax.ShapeDtypeStruct((n, 1), jnp.float32),
            jax.ShapeDtypeStruct((n, 1), jnp.float32),
        ],
    )(s2, cnt2[..., None], h, Wl, bl.reshape(1, NHID), Wr, pW,
      pb.reshape(1, 1))
    return h1, a[:, 0], dinv[:, 0], base[:, 0]


def _head_body(x1_ref, x2_ref, x3_ref, w1_ref, b1_ref, w2_ref, b2_ref,
               w3_ref, b3_ref, feats_ref, out_ref):
    def readout(ref):
        v = ref[...]
        mx = jnp.max(v, axis=0, keepdims=True)
        mn = jnp.mean(v, axis=0, keepdims=True)
        return jnp.concatenate([mx, mn], axis=1)

    z = readout(x1_ref) + readout(x2_ref) + readout(x3_ref)
    z = jnp.dot(z, w1_ref[...], preferred_element_type=jnp.float32)
    z = jnp.maximum(z + b1_ref[...], 0.0)
    f = jnp.dot(z, w2_ref[...], preferred_element_type=jnp.float32)
    f = jnp.maximum(f + b2_ref[...], 0.0)
    feats_ref[...] = f
    out_ref[...] = jnp.dot(f, w3_ref[...],
                           preferred_element_type=jnp.float32) + b3_ref[...]


def _head(xk1, xk2, xk3, w1, b1, w2, b2, w3, b3):
    ncls = w3.shape[1]
    grph = w2.shape[1]
    feats, out = pl.pallas_call(
        _head_body,
        out_shape=[
            jax.ShapeDtypeStruct((1, grph), jnp.float32),
            jax.ShapeDtypeStruct((1, ncls), jnp.float32),
        ],
    )(xk1, xk2, xk3, w1, b1.reshape(1, -1), w2, b2.reshape(1, -1), w3,
      b3.reshape(1, -1))
    return feats, out


def _level(h, src, dst, mask, counts, Wl, bl, Wr, pW, pb, k, last=False):
    n = h.shape[0]
    s2, cnt2 = _sc_aggregate(h, src, dst, mask, counts, n)
    h1, a, dinv, base = _dense_stage(s2, cnt2, h, Wl, bl, Wr, pW, pb)
    g2 = _sc_gscatter(a, src, dst, mask, counts, n)
    score = jnp.tanh(dinv * (g2[0] + g2[1]) + base)
    top_scores, perm = jax.lax.top_k(score, k)
    xk = h1[perm] * top_scores[:, None]
    if last:
        return xk, None, None, None, None
    mapping = jnp.full((n,), -1, jnp.int32).at[perm].set(
        jnp.arange(k, dtype=jnp.int32))
    ms, md, nm = _sc_edgemap(src, dst, mask, counts, mapping)
    src2, dst2, mask2, counts2 = _compact(ms, md, nm, mask)
    return xk, src2, dst2, mask2, counts2


def kernel(x, edge_index, edge_attr, batch,
           conv1_Wl, conv1_bl, conv1_Wr, pool1_W, pool1_b,
           conv2_Wl, conv2_bl, conv2_Wr, pool2_W, pool2_b,
           conv3_Wl, conv3_bl, conv3_Wr, pool3_W, pool3_b,
           lin1_W, lin1_b, lin2_W, lin2_b, lin3_W, lin3_b):
    n = batch.shape[0]
    x = x[:n]
    e = edge_attr.shape[0]
    e_pad = -(-e // (NW * ECB)) * (NW * ECB)
    pad = e_pad - e
    epw = e_pad // NW
    src = jnp.concatenate([edge_index[0], jnp.zeros((pad,), jnp.int32)])
    dst = jnp.concatenate([edge_index[1], jnp.zeros((pad,), jnp.int32)])
    mask = jnp.concatenate([jnp.ones((e,), x.dtype),
                            jnp.zeros((pad,), x.dtype)])
    w = jnp.arange(NW)
    counts = (jnp.zeros((NW, 16), jnp.int32)
              .at[:, 0].set(epw).at[:, 1].set(w * epw).reshape(-1))
    k1 = int(math.ceil(RATIO * n))
    k2 = int(math.ceil(RATIO * k1))
    k3 = int(math.ceil(RATIO * k2))
    xk1, src, dst, mask, counts = _level(
        x, src, dst, mask, counts, conv1_Wl, conv1_bl, conv1_Wr,
        pool1_W, pool1_b, k1)
    xk2, src, dst, mask, counts = _level(
        xk1, src, dst, mask, counts, conv2_Wl, conv2_bl, conv2_Wr,
        pool2_W, pool2_b, k2)
    xk3, _, _, _, _ = _level(
        xk2, src, dst, mask, counts, conv3_Wl, conv3_bl, conv3_Wr,
        pool3_W, pool3_b, k3, last=True)
    return _head(xk1, xk2, xk3, lin1_W, lin1_b, lin2_W, lin2_b,
                 lin3_W, lin3_b)

# --- scband reference (transcript-rebuilt; emitter-appended) ---
"""Pipeline reference for scband-graph-net-multi-cls-86011015070502 (READ-ONLY COPY).

The authoritative reference and input builder live on the scoring server;
editing this copy changes nothing except your own understanding.
"""

import math
import jax
import jax.numpy as jnp
import numpy as np

N = 10000
E = 320000
FEAT = 128
NHID = 128
GRPH = 32
NCLS = 3
RATIO = 0.2


def setup_inputs(seed: int = 0):
    key = jax.random.key(seed)
    ks = jax.random.split(key, 32)
    inp = {}
    inp["x"] = jax.random.normal(ks[0], (N, FEAT), jnp.float32)
    inp["edge_index"] = jax.random.randint(ks[1], (2, E), 0, N, jnp.int32)
    inp["edge_attr"] = jax.random.normal(ks[2], (E, 4), jnp.float32)
    inp["batch"] = jnp.zeros((N,), jnp.int32)
    idx = [3]
    def p(name, shape, fan):
        inp[name] = jax.random.normal(ks[idx[0]], shape, jnp.float32) / math.sqrt(fan)
        idx[0] += 1
    for i, din in ((1, FEAT), (2, NHID), (3, NHID)):
        p("conv%d_Wl" % i, (din, NHID), din)
        p("conv%d_bl" % i, (NHID,), din)
        p("conv%d_Wr" % i, (din, NHID), din)
        p("pool%d_W" % i, (NHID, 1), NHID)
        p("pool%d_b" % i, (1,), NHID)
    p("lin1_W", (2 * NHID, NHID), 2 * NHID)
    p("lin1_b", (NHID,), 2 * NHID)
    p("lin2_W", (NHID, GRPH), NHID)
    p("lin2_b", (GRPH,), NHID)
    p("lin3_W", (GRPH, NCLS), GRPH)
    p("lin3_b", (NCLS,), GRPH)
    return inp


def _sage(x, src, dst, mask, Wl, bl, Wr):
    # PyG SAGEConv: lin_l(mean_{j in N(i)} x_j) + lin_r(x_i); masked edges excluded
    n = x.shape[0]
    msg = x[src] * mask[:, None]
    s = jnp.zeros((n, x.shape[1]), x.dtype).at[dst].add(msg)
    cnt = jnp.zeros((n,), x.dtype).at[dst].add(mask)
    mean = s / jnp.maximum(cnt, 1.0)[:, None]
    return mean @ Wl + bl + x @ Wr


def _gcn_score(x, src, dst, mask, W, b):
    # PyG GCNConv(nhid, 1) with add_self_loops + symmetric normalization; mask acts as edge weight
    n = x.shape[0]
    xw = x @ W
    deg = jnp.zeros((n,), x.dtype).at[dst].add(mask) + 1.0
    dinv = jax.lax.rsqrt(deg)
    norm = (dinv[src] * dinv[dst] * mask)[:, None]
    out = jnp.zeros((n, 1), x.dtype).at[dst].add(norm * xw[src])
    out = out + xw / deg[:, None] + b
    return out[:, 0]


def _sag_pool(x, src, dst, mask, W, b):
    # PyG SAGPooling: score = tanh(GCN(x)); perm = topk(score, ceil(ratio*n)); x = x[perm]*score[perm];
    # filter_adj implemented as edge masking (math-equivalent to edge removal)
    n = x.shape[0]
    score = jnp.tanh(_gcn_score(x, src, dst, mask, W, b))
    k = int(math.ceil(RATIO * n))
    top_scores, perm = jax.lax.top_k(score, k)
    xk = x[perm] * top_scores[:, None]
    mapping = jnp.full((n,), -1, jnp.int32).at[perm].set(jnp.arange(k, dtype=jnp.int32))
    ns = mapping[src]
    nd = mapping[dst]
    valid = (ns >= 0) & (nd >= 0)
    new_mask = mask * valid.astype(x.dtype)
    ns = jnp.where(valid, ns, 0)
    nd = jnp.where(valid, nd, 0)
    return xk, ns, nd, new_mask


def _readout(x):
    # gmp/gap with batch == all zeros (single graph)
    return jnp.concatenate([jnp.max(x, axis=0, keepdims=True), jnp.mean(x, axis=0, keepdims=True)], axis=1)


def _forward(x, edge_index, edge_attr, batch, prm):
    x = x[: batch.shape[0]]
    src = edge_index[0]
    dst = edge_index[1]
    mask = jnp.ones((edge_attr.shape[0],), x.dtype)
    h = jax.nn.relu(_sage(x, src, dst, mask, prm["conv1_Wl"], prm["conv1_bl"], prm["conv1_Wr"]))
    h, src, dst, mask = _sag_pool(h, src, dst, mask, prm["pool1_W"], prm["pool1_b"])
    x1 = _readout(h)
    h = jax.nn.relu(_sage(h, src, dst, mask, prm["conv2_Wl"], prm["conv2_bl"], prm["conv2_Wr"]))
    h, src, dst, mask = _sag_pool(h, src, dst, mask, prm["pool2_W"], prm["pool2_b"])
    x2 = _readout(h)
    h = jax.nn.relu(_sage(h, src, dst, mask, prm["conv3_Wl"], prm["conv3_bl"], prm["conv3_Wr"]))
    h, src, dst, mask = _sag_pool(h, src, dst, mask, prm["pool3_W"], prm["pool3_b"])
    x3 = _readout(h)
    z = x1 + x2 + x3
    z = jax.nn.relu(z @ prm["lin1_W"] + prm["lin1_b"])
    # F.dropout skipped (eval mode)
    feats = jax.nn.relu(z @ prm["lin2_W"] + prm["lin2_b"])
    out = feats @ prm["lin3_W"] + prm["lin3_b"]
    return (feats, out)


def reference(x, edge_index, edge_attr, batch,
              conv1_Wl, conv1_bl, conv1_Wr, pool1_W, pool1_b,
              conv2_Wl, conv2_bl, conv2_Wr, pool2_W, pool2_b,
              conv3_Wl, conv3_bl, conv3_Wr, pool3_W, pool3_b,
              lin1_W, lin1_b, lin2_W, lin2_b, lin3_W, lin3_b):
    prm = {
        "conv1_Wl": conv1_Wl, "conv1_bl": conv1_bl, "conv1_Wr": conv1_Wr,
        "pool1_W": pool1_W, "pool1_b": pool1_b,
        "conv2_Wl": conv2_Wl, "conv2_bl": conv2_bl, "conv2_Wr": conv2_Wr,
        "pool2_W": pool2_W, "pool2_b": pool2_b,
        "conv3_Wl": conv3_Wl, "conv3_bl": conv3_bl, "conv3_Wr": conv3_Wr,
        "pool3_W": pool3_W, "pool3_b": pool3_b,
        "lin1_W": lin1_W, "lin1_b": lin1_b,
        "lin2_W": lin2_W, "lin2_b": lin2_b,
        "lin3_W": lin3_W, "lin3_b": lin3_b,
    }
    return _forward(x, edge_index, edge_attr, batch, prm)

if __name__ == "__main__":
    import jax
    _d = setup_inputs()
    print(jax.jit(kernel)(*tuple(_d.values())))

</pallas_src>

<mosaic_0001>
#map = affine_map<(d0, d1) -> (0, 0)>
#map1 = affine_map<(d0, d1) -> (0)>
#map2 = affine_map<(d0, d1) -> (0, 0, 0)>
module attributes {stable_mosaic.version = 14 : i64} {
  func.func @agg(%arg0: i32, %arg1: i32, %arg2: memref<10000x128xf32, #tpu.memory_space<hbm>>, %arg3: memref<327680xi32, #tpu.memory_space<hbm>>, %arg4: memref<327680xi32, #tpu.memory_space<hbm>>, %arg5: memref<327680xf32, #tpu.memory_space<hbm>>, %arg6: memref<512xi32, #tpu.memory_space<hbm>>, %arg7: memref<2x10240x128xf32, #tpu.memory_space<hbm>>, %arg8: memref<20480xf32, #tpu.memory_space<hbm>>, %arg9: memref<256xi32, #tpu.memory_space<vmem>>, %arg10: memref<2x128xi32, #tpu.memory_space<vmem>>, %arg11: memref<256xf32, #tpu.memory_space<vmem>>, %arg12: memref<256x128xf32, #tpu.memory_space<vmem>>, %arg13: memref<640xf32, #tpu.memory_space<vmem>>, %arg14: memref<10240x128xf32, #tpu.memory_space<vmem_shared>>, %arg15: memref<10240xf32, #tpu.memory_space<vmem_shared>>, %arg16: memref<16xi32, #tpu.memory_space<vmem>>, %arg17: memref<!tpu.dma_semaphore, #tpu.memory_space<semaphore_mem>>, %arg18: memref<!tpu.dma_semaphore, #tpu.memory_space<semaphore_mem>>, %arg19: memref<!tpu.dma_semaphore, #tpu.memory_space<semaphore_mem>>) attributes {dimension_semantics = [#tpu.dimension_semantics<core_parallel>, #tpu.dimension_semantics<subcore_parallel>], iteration_bounds = array<i64: 2, 16>, scalar_prefetch = 0 : i64, scratch_operands = 11 : i64, tpu.core_type = #tpu.core_type<sc_vector_subcore>, window_params = [{transform_indices = #map}, {transform_indices = #map1}, {transform_indices = #map1}, {transform_indices = #map1}, {transform_indices = #map1}, {transform_indices = #map2}, {transform_indices = #map1}]} {
    %mul3A = arith.constant 2 : i32
    %mul3A_0 = arith.muli %arg1, %mul3A : i32
    %add3A = arith.addi %mul3A_0, %arg0 : i32
    %mul3A_1 = arith.constant 640 : i32
    %mul3A_2 = arith.muli %arg1, %mul3A_1 : i32
    %mul3A_3 = arith.constant 16 : i32
    %mul3A_4 = arith.muli %add3A, %mul3A_3 : i32
    "tpu.region"() ({
      %run_scoped3A = tpu.sem_alloc : memref<!tpu.dma_semaphore, #tpu.memory_space<semaphore_mem>>
      %dma_start3A = tpu.memref_slice %arg6[%mul3A_4] : memref<512xi32, #tpu.memory_space<hbm>> -> memref<16xi32, #tpu.memory_space<hbm>>
      %dma_start3A_299 = tpu.memref_slice %arg6[%mul3A_4] : memref<512xi32, #tpu.memory_space<hbm>> -> memref<16xi32, #tpu.memory_space<hbm>>
      tpu.enqueue_dma source(%dma_start3A_299 : memref<16xi32, #tpu.memory_space<hbm>>) target(%arg16 : memref<16xi32, #tpu.memory_space<vmem>>) target_semaphore(%run_scoped3A : memref<!tpu.dma_semaphore, #tpu.memory_space<semaphore_mem>>)
      %dma_wait3A = tpu.memref_slice %arg6[%mul3A_4] : memref<512xi32, #tpu.memory_space<hbm>> -> memref<16xi32, #tpu.memory_space<hbm>>
      %dma_wait3A_300 = tpu.memref_slice %arg6[%mul3A_4] : memref<512xi32, #tpu.memory_space<hbm>> -> memref<16xi32, #tpu.memory_space<hbm>>
      tpu.wait_dma2 semaphore(%run_scoped3A : memref<!tpu.dma_semaphore, #tpu.memory_space<semaphore_mem>>) src(%dma_wait3A_300 : memref<16xi32, #tpu.memory_space<hbm>>) dst(%arg16 : memref<16xi32, #tpu.memory_space<vmem>>)
      tpu.yield
    }) : () -> ()
    %get3A = arith.constant 0 : index
    %get3A_5 = tpu.vector_load %arg16[%get3A] {strides = array<i32>} : memref<16xi32, #tpu.memory_space<vmem>>, vector<16xi32>,
    %get3A_6 = vector.shape_cast %get3A_5 : vector<16xi32> to vector<16xi32>
    %slice3A = vector.extract_strided_slice %get3A_6 {offsets = [0], sizes = [1], strides = [1]} : vector<16xi32> to vector<1xi32>
    %squeeze3A = vector.extract %slice3A[0] : i32 from vector<1xi32>
    %add3A_7 = arith.constant 255 : i32
    %add3A_8 = arith.addi %squeeze3A, %add3A_7 : i32
    %jit3A = arith.constant 256 : i32
    %div3A = arith.divsi %add3A_8, %jit3A : i32
    %sign3A = arith.constant 0 : i32
    %sign3A_9 = arith.cmpi sgt, %add3A_8, %sign3A : i32
    %sign3A_10 = arith.extui %sign3A_9 : i1 to i32
    %sign3A_11 = arith.constant 0 : i32
    %sign3A_12 = arith.cmpi slt, %add3A_8, %sign3A_11 : i32
    %sign3A_13 = arith.extui %sign3A_12 : i1 to i32
    %sign3A_14 = arith.subi %sign3A_10, %sign3A_13 : i32
    %sign3A_15 = arith.constant 0 : i32
    %sign3A_16 = arith.cmpi sgt, %jit3A, %sign3A_15 : i32
    %sign3A_17 = arith.extui %sign3A_16 : i1 to i32
    %sign3A_18 = arith.constant 0 : i32
    %sign3A_19 = arith.cmpi slt, %jit3A, %sign3A_18 : i32
    %sign3A_20 = arith.extui %sign3A_19 : i1 to i32
    %sign3A_21 = arith.subi %sign3A_17, %sign3A_20 : i32
    %ne3A = arith.cmpi ne, %sign3A_14, %sign3A_21 : i32
    %rem3A = arith.remsi %add3A_8, %jit3A : i32
    %ne3A_22 = arith.constant 0 : i32
    %ne3A_23 = arith.cmpi ne, %rem3A, %ne3A_22 : i32
    %and3A = arith.andi %ne3A, %ne3A_23 : i1
    %sub3A = arith.constant 1 : i32
    %sub3A_24 = arith.subi %div3A, %sub3A : i32
    %select_n3A = arith.select %and3A, %sub3A_24, %div3A : i32
    %slice3A_25 = vector.extract_strided_slice %get3A_6 {offsets = [1], sizes = [1], strides = [1]} : vector<16xi32> to vector<1xi32>
    %squeeze3A_26 = vector.extract %slice3A_25[0] : i32 from vector<1xi32>
    %multiple_of3A = tpu.assume_multiple %squeeze3A_26, 128 : i32
    %scan3A = arith.constant 0 : i32
    %scan3A_27 = arith.constant 256 : i32
    %scan3A_28 = arith.addi %scan3A, %scan3A_27 : i32
    %scan3A_29 = arith.constant 1 : i32
    scf.for %scan3A_299 = %scan3A to %scan3A_28 step %scan3A_29  : i32 {
      %broadcast_in_dim3A_300 = arith.constant 0.000000e+00 : f32
      %broadcast_in_dim3A_301 = vector.broadcast %broadcast_in_dim3A_300 : f32 to vector<16xf32>
      %swap3A_302 = arith.index_cast %scan3A_299 : i32 to index
      %swap3A_303 = arith.constant 0 : index
      %swap3A_304 = tpu.vector_load %arg12[%swap3A_302, %swap3A_303] {strides = array<i32>} : memref<256x128xf32, #tpu.memory_space<vmem>>, vector<1x16xf32>,
      %swap3A_305 = vector.shape_cast %swap3A_304 : vector<1x16xf32> to vector<16xf32>
      %swap3A_306 = vector.shape_cast %broadcast_in_dim3A_301 : vector<16xf32> to vector<1x16xf32>
      tpu.vector_store %arg12[%swap3A_302, %swap3A_303], %swap3A_306 {strides = array<i32>} : memref<256x128xf32, #tpu.memory_space<vmem>>, vector<1x16xf32>,
      %broadcast_in_dim3A_307 = arith.constant 0.000000e+00 : f32
      %broadcast_in_dim3A_308 = vector.broadcast %broadcast_in_dim3A_307 : f32 to vector<16xf32>
      %swap3A_309 = arith.index_cast %scan3A_299 : i32 to index
      %swap3A_310 = arith.constant 16 : index
      %swap3A_311 = tpu.vector_load %arg12[%swap3A_309, %swap3A_310] {strides = array<i32>} : memref<256x128xf32, #tpu.memory_space<vmem>>, vector<1x16xf32>,
      %swap3A_312 = vector.shape_cast %swap3A_311 : vector<1x16xf32> to vector<16xf32>
      %swap3A_313 = vector.shape_cast %broadcast_in_dim3A_308 : vector<16xf32> to vector<1x16xf32>
      tpu.vector_store %arg12[%swap3A_309, %swap3A_310], %swap3A_313 {strides = array<i32>} : memref<256x128xf32, #tpu.memory_space<vmem>>, vector<1x16xf32>,
      %broadcast_in_dim3A_314 = arith.constant 0.000000e+00 : f32
      %broadcast_in_dim3A_315 = vector.broadcast %broadcast_in_dim3A_314 : f32 to vector<16xf32>
      %swap3A_316 = arith.index_cast %scan3A_299 : i32 to index
      %swap3A_317 = arith.constant 32 : index
      %swap3A_318 = tpu.vector_load %arg12[%swap3A_316, %swap3A_317] {strides = array<i32>} : memref<256x128xf32, #tpu.memory_space<vmem>>, vector<1x16xf32>,
      %swap3A_319 = vector.shape_cast %swap3A_318 : vector<1x16xf32> to vector<16xf32>
      %swap3A_320 = vector.shape_cast %broadcast_in_dim3A_315 : vector<16xf32> to vector<1x16xf32>
      tpu.vector_store %arg12[%swap3A_316, %swap3A_317], %swap3A_320 {strides = array<i32>} : memref<256x128xf32, #tpu.memory_space<vmem>>, vector<1x16xf32>,
      %broadcast_in_dim3A_321 = arith.constant 0.000000e+00 : f32
      %broadcast_in_dim3A_322 = vector.broadcast %broadcast_in_dim3A_321 : f32 to vector<16xf32>
      %swap3A_323 = arith.index_cast %scan3A_299 : i32 to index
      %swap3A_324 = arith.constant 48 : index
      %swap3A_325 = tpu.vector_load %arg12[%swap3A_323, %swap3A_324] {strides = array<i32>} : memref<256x128xf32, #tpu.memory_space<vmem>>, vector<1x16xf32>,
      %swap3A_326 = vector.shape_cast %swap3A_325 : vector<1x16xf32> to vector<16xf32>
      %swap3A_327 = vector.shape_cast %broadcast_in_dim3A_322 : vector<16xf32> to vector<1x16xf32>
      tpu.vector_store %arg12[%swap3A_323, %swap3A_324], %swap3A_327 {strides = array<i32>} : memref<256x128xf32, #tpu.memory_space<vmem>>, vector<1x16xf32>,
      %broadcast_in_dim3A_328 = arith.constant 0.000000e+00 : f32
      %broadcast_in_dim3A_329 = vector.broadcast %broadcast_in_dim3A_328 : f32 to vector<16xf32>
      %swap3A_330 = arith.index_cast %scan3A_299 : i32 to index
      %swap3A_331 = arith.constant 64 : index
      %swap3A_332 = tpu.vector_load %arg12[%swap3A_330, %swap3A_331] {strides = array<i32>} : memref<256x128xf32, #tpu.memory_space<vmem>>, vector<1x16xf32>,
      %swap3A_333 = vector.shape_cast %swap3A_332 : vector<1x16xf32> to vector<16xf32>
      %swap3A_334 = vector.shape_cast %broadcast_in_dim3A_329 : vector<16xf32> to vector<1x16xf32>
      tpu.vector_store %arg12[%swap3A_330, %swap3A_331], %swap3A_334 {strides = array<i32>} : memref<256x128xf32, #tpu.memory_space<vmem>>, vector<1x16xf32>,
      %broadcast_in_dim3A_335 = arith.constant 0.000000e+00 : f32
      %broadcast_in_dim3A_336 = vector.broadcast %broadcast_in_dim3A_335 : f32 to vector<16xf32>
      %swap3A_337 = arith.index_cast %scan3A_299 : i32 to index
      %swap3A_338 = arith.constant 80 : index
      %swap3A_339 = tpu.vector_load %arg12[%swap3A_337, %swap3A_338] {strides = array<i32>} : memref<256x128xf32, #tpu.memory_space<vmem>>, vector<1x16xf32>,
      %swap3A_340 = vector.shape_cast %swap3A_339 : vector<1x16xf32> to vector<16xf32>
      %swap3A_341 = vector.shape_cast %broadcast_in_dim3A_336 : vector<16xf32> to vector<1x16xf32>
      tpu.vector_store %arg12[%swap3A_337, %swap3A_338], %swap3A_341 {strides = array<i32>} : memref<256x128xf32, #tpu.memory_space<vmem>>, vector<1x16xf32>,
      %broadcast_in_dim3A_342 = arith.constant 0.000000e+00 : f32
      %broadcast_in_dim3A_343 = vector.broadcast %broadcast_in_dim3A_342 : f32 to vector<16xf32>
      %swap3A_344 = arith.index_cast %scan3A_299 : i32 to index
      %swap3A_345 = arith.constant 96 : index
      %swap3A_346 = tpu.vector_load %arg12[%swap3A_344, %swap3A_345] {strides = array<i32>} : memref<256x128xf32, #tpu.memory_space<vmem>>, vector<1x16xf32>,
      %swap3A_347 = vector.shape_cast %swap3A_346 : vector<1x16xf32> to vector<16xf32>
      %swap3A_348 = vector.shape_cast %broadcast_in_dim3A_343 : vector<16xf32> to vector<1x16xf32>
      tpu.vector_store %arg12[%swap3A_344, %swap3A_345], %swap3A_348 {strides = array<i32>} : memref<256x128xf32, #tpu.memory_space<vmem>>, vector<1x16xf32>,
      %broadcast_in_dim3A_349 = arith.constant 0.000000e+00 : f32
      %broadcast_in_dim3A_350 = vector.broadcast %broadcast_in_dim3A_349 : f32 to vector<16xf32>
      %swap3A_351 = arith.index_cast %scan3A_299 : i32 to index
      %swap3A_352 = arith.constant 112 : index
      %swap3A_353 = tpu.vector_load %arg12[%swap3A_351, %swap3A_352] {strides = array<i32>} : memref<256x128xf32, #tpu.memory_space<vmem>>, vector<1x16xf32>,
      %swap3A_354 = vector.shape_cast %swap3A_353 : vector<1x16xf32> to vector<16xf32>
      %swap3A_355 = vector.shape_cast %broadcast_in_dim3A_350 : vector<16xf32> to vector<1x16xf32>
      tpu.vector_store %arg12[%swap3A_351, %swap3A_352], %swap3A_355 {strides = array<i32>} : memref<256x128xf32, #tpu.memory_space<vmem>>, vector<1x16xf32>,
    }
    %scan3A_30 = arith.constant 256 : i32
    %broadcast_in_dim3A = arith.constant 0.000000e+00 : f32
    %broadcast_in_dim3A_31 = vector.broadcast %broadcast_in_dim3A : f32 to vector<16xf32>
    %swap3A = arith.constant 0 : index
    %swap3A_32 = tpu.vector_load %arg13[%swap3A] {strides = array<i32>} : memref<640xf32, #tpu.memory_space<vmem>>, vector<16xf32>,
    %swap3A_33 = vector.shape_cast %swap3A_32 : vector<16xf32> to vector<16xf32>
    %swap3A_34 = vector.shape_cast %broadcast_in_dim3A_31 : vector<16xf32> to vector<16xf32>
    tpu.vector_store %arg13[%swap3A], %swap3A_34 {strides = array<i32>} : memref<640xf32, #tpu.memory_space<vmem>>, vector<16xf32>,
    %broadcast_in_dim3A_35 = arith.constant 0.000000e+00 : f32
    %broadcast_in_dim3A_36 = vector.broadcast %broadcast_in_dim3A_35 : f32 to vector<16xf32>
    %swap3A_37 = arith.constant 16 : index
    %swap3A_38 = tpu.vector_load %arg13[%swap3A_37] {strides = array<i32>} : memref<640xf32, #tpu.memory_space<vmem>>, vector<16xf32>,
    %swap3A_39 = vector.shape_cast %swap3A_38 : vector<16xf32> to vector<16xf32>
    %swap3A_40 = vector.shape_cast %broadcast_in_dim3A_36 : vector<16xf32> to vector<16xf32>
    tpu.vector_store %arg13[%swap3A_37], %swap3A_40 {strides = array<i32>} : memref<640xf32, #tpu.memory_space<vmem>>, vector<16xf32>,
    %broadcast_in_dim3A_41 = arith.constant 0.000000e+00 : f32
    %broadcast_in_dim3A_42 = vector.broadcast %broadcast_in_dim3A_41 : f32 to vector<16xf32>
    %swap3A_43 = arith.constant 32 : index
    %swap3A_44 = tpu.vector_load %arg13[%swap3A_43] {strides = array<i32>} : memref<640xf32, #tpu.memory_space<vmem>>, vector<16xf32>,
    %swap3A_45 = vector.shape_cast %swap3A_44 : vector<16xf32> to vector<16xf32>
    %swap3A_46 = vector.shape_cast %broadcast_in_dim3A_42 : vector<16xf32> to vector<16xf32>
    tpu.vector_store %arg13[%swap3A_43], %swap3A_46 {strides = array<i32>} : memref<640xf32, #tpu.memory_space<vmem>>, vector<16xf32>,
    %broadcast_in_dim3A_47 = arith.constant 0.000000e+00 : f32
    %broadcast_in_dim3A_48 = vector.broadcast %broadcast_in_dim3A_47 : f32 to vector<16xf32>
    %swap3A_49 = arith.constant 48 : index
    %swap3A_50 = tpu.vector_load %arg13[%swap3A_49] {strides = array<i32>} : memref<640xf32, #tpu.memory_space<vmem>>, vector<16xf32>,
    %swap3A_51 = vector.shape_cast %swap3A_50 : vector<16xf32> to vector<16xf32>
    %swap3A_52 = vector.shape_cast %broadcast_in_dim3A_48 : vector<16xf32> to vector<16xf32>
    tpu.vector_store %arg13[%swap3A_49], %swap3A_52 {strides = array<i32>} : memref<640xf32, #tpu.memory_space<vmem>>, vector<16xf32>,
    %broadcast_in_dim3A_53 = arith.constant 0.000000e+00 : f32
    %broadcast_in_dim3A_54 = vector.broadcast %broadcast_in_dim3A_53 : f32 to vector<16xf32>
    %swap3A_55 = arith.constant 64 : index
    %swap3A_56 = tpu.vector_load %arg13[%swap3A_55] {strides = array<i32>} : memref<640xf32, #tpu.memory_space<vmem>>, vector<16xf32>,
    %swap3A_57 = vector.shape_cast %swap3A_56 : vector<16xf32> to vector<16xf32>
    %swap3A_58 = vector.shape_cast %broadcast_in_dim3A_54 : vector<16xf32> to vector<16xf32>
    tpu.vector_store %arg13[%swap3A_55], %swap3A_58 {strides = array<i32>} : memref<640xf32, #tpu.memory_space<vmem>>, vector<16xf32>,
    %broadcast_in_dim3A_59 = arith.constant 0.000000e+00 : f32
    %broadcast_in_dim3A_60 = vector.broadcast %broadcast_in_dim3A_59 : f32 to vector<16xf32>
    %swap3A_61 = arith.constant 80 : index
    %swap3A_62 = tpu.vector_load %arg13[%swap3A_61] {strides = array<i32>} : memref<640xf32, #tpu.memory_space<vmem>>, vector<16xf32>,
    %swap3A_63 = vector.shape_cast %swap3A_62 : vector<16xf32> to vector<16xf32>
    %swap3A_64 = vector.shape_cast %broadcast_in_dim3A_60 : vector<16xf32> to vector<16xf32>
    tpu.vector_store %arg13[%swap3A_61], %swap3A_64 {strides = array<i32>} : memref<640xf32, #tpu.memory_space<vmem>>, vector<16xf32>,
    %broadcast_in_dim3A_65 = arith.constant 0.000000e+00 : f32
    %broadcast_in_dim3A_66 = vector.broadcast %broadcast_in_dim3A_65 : f32 to vector<16xf32>
    %swap3A_67 = arith.constant 96 : index
    %swap3A_68 = tpu.vector_load %arg13[%swap3A_67] {strides = array<i32>} : memref<640xf32, #tpu.memory_space<vmem>>, vector<16xf32>,
    %swap3A_69 = vector.shape_cast %swap3A_68 : vector<16xf32> to vector<16xf32>
    %swap3A_70 = vector.shape_cast %broadcast_in_dim3A_66 : vector<16xf32> to vector<16xf32>
    tpu.vector_store %arg13[%swap3A_67], %swap3A_70 {strides = array<i32>} : memref<640xf32, #tpu.memory_space<vmem>>, vector<16xf32>,
    %broadcast_in_dim3A_71 = arith.constant 0.000000e+00 : f32
    %broadcast_in_dim3A_72 = vector.broadcast %broadcast_in_dim3A_71 : f32 to vector<16xf32>
    %swap3A_73 = arith.constant 112 : index
    %swap3A_74 = tpu.vector_load %arg13[%swap3A_73] {strides = array<i32>} : memref<640xf32, #tpu.memory_space<vmem>>, vector<16xf32>,
    %swap3A_75 = vector.shape_cast %swap3A_74 : vector<16xf32> to vector<16xf32>
    %swap3A_76 = vector.shape_cast %broadcast_in_dim3A_72 : vector<16xf32> to vector<16xf32>
    tpu.vector_store %arg13[%swap3A_73], %swap3A_76 {strides = array<i32>} : memref<640xf32, #tpu.memory_space<vmem>>, vector<16xf32>,
    %broadcast_in_dim3A_77 = arith.constant 0.000000e+00 : f32
    %broadcast_in_dim3A_78 = vector.broadcast %broadcast_in_dim3A_77 : f32 to vector<16xf32>
    %swap3A_79 = arith.constant 128 : index
    %swap3A_80 = tpu.vector_load %arg13[%swap3A_79] {strides = array<i32>} : memref<640xf32, #tpu.memory_space<vmem>>, vector<16xf32>,
    %swap3A_81 = vector.shape_cast %swap3A_80 : vector<16xf32> to vector<16xf32>
    %swap3A_82 = vector.shape_cast %broadcast_in_dim3A_78 : vector<16xf32> to vector<16xf32>
    tpu.vector_store %arg13[%swap3A_79], %swap3A_82 {strides = array<i32>} : memref<640xf32, #tpu.memory_space<vmem>>, vector<16xf32>,
    %broadcast_in_dim3A_83 = arith.constant 0.000000e+00 : f32
    %broadcast_in_dim3A_84 = vector.broadcast %broadcast_in_dim3A_83 : f32 to vector<16xf32>
    %swap3A_85 = arith.constant 144 : index
    %swap3A_86 = tpu.vector_load %arg13[%swap3A_85] {strides = array<i32>} : memref<640xf32, #tpu.memory_space<vmem>>, vector<16xf32>,
    %swap3A_87 = vector.shape_cast %swap3A_86 : vector<16xf32> to vector<16xf32>
    %swap3A_88 = vector.shape_cast %broadcast_in_dim3A_84 : vector<16xf32> to vector<16xf32>
    tpu.vector_store %arg13[%swap3A_85], %swap3A_88 {strides = array<i32>} : memref<640xf32, #tpu.memory_space<vmem>>, vector<16xf32>,
    %broadcast_in_dim3A_89 = arith.constant 0.000000e+00 : f32
    %broadcast_in_dim3A_90 = vector.broadcast %broadcast_in_dim3A_89 : f32 to vector<16xf32>
    %swap3A_91 = arith.constant 160 : index
    %swap3A_92 = tpu.vector_load %arg13[%swap3A_91] {strides = array<i32>} : memref<640xf32, #tpu.memory_space<vmem>>, vector<16xf32>,
    %swap3A_93 = vector.shape_cast %swap3A_92 : vector<16xf32> to vector<16xf32>
    %swap3A_94 = vector.shape_cast %broadcast_in_dim3A_90 : vector<16xf32> to vector<16xf32>
    tpu.vector_store %arg13[%swap3A_91], %swap3A_94 {strides = array<i32>} : memref<640xf32, #tpu.memory_space<vmem>>, vector<16xf32>,
    %broadcast_in_dim3A_95 = arith.constant 0.000000e+00 : f32
    %broadcast_in_dim3A_96 = vector.broadcast %broadcast_in_dim3A_95 : f32 to vector<16xf32>
    %swap3A_97 = arith.constant 176 : index
    %swap3A_98 = tpu.vector_load %arg13[%swap3A_97] {strides = array<i32>} : memref<640xf32, #tpu.memory_space<vmem>>, vector<16xf32>,
    %swap3A_99 = vector.shape_cast %swap3A_98 : vector<16xf32> to vector<16xf32>
    %swap3A_100 = vector.shape_cast %broadcast_in_dim3A_96 : vector<16xf32> to vector<16xf32>
    tpu.vector_store %arg13[%swap3A_97], %swap3A_100 {strides = array<i32>} : memref<640xf32, #tpu.memory_space<vmem>>, vector<16xf32>,
    %broadcast_in_dim3A_101 = arith.constant 0.000000e+00 : f32
    %broadcast_in_dim3A_102 = vector.broadcast %broadcast_in_dim3A_101 : f32 to vector<16xf32>
    %swap3A_103 = arith.constant 192 : index
    %swap3A_104 = tpu.vector_load %arg13[%swap3A_103] {strides = array<i32>} : memref<640xf32, #tpu.memory_space<vmem>>, vector<16xf32>,
    %swap3A_105 = vector.shape_cast %swap3A_104 : vector<16xf32> to vector<16xf32>
    %swap3A_106 = vector.shape_cast %broadcast_in_dim3A_102 : vector<16xf32> to vector<16xf32>
    tpu.vector_store %arg13[%swap3A_103], %swap3A_106 {strides = array<i32>} : memref<640xf32, #tpu.memory_space<vmem>>, vector<16xf32>,
    %broadcast_in_dim3A_107 = arith.constant 0.000000e+00 : f32
    %broadcast_in_dim3A_108 = vector.broadcast %broadcast_in_dim3A_107 : f32 to vector<16xf32>
    %swap3A_109 = arith.constant 208 : index
    %swap3A_110 = tpu.vector_load %arg13[%swap3A_109] {strides = array<i32>} : memref<640xf32, #tpu.memory_space<vmem>>, vector<16xf32>,
    %swap3A_111 = vector.shape_cast %swap3A_110 : vector<16xf32> to vector<16xf32>
    %swap3A_112 = vector.shape_cast %broadcast_in_dim3A_108 : vector<16xf32> to vector<16xf32>
    tpu.vector_store %arg13[%swap3A_109], %swap3A_112 {strides = array<i32>} : memref<640xf32, #tpu.memory_space<vmem>>, vector<16xf32>,
    %broadcast_in_dim3A_113 = arith.constant 0.000000e+00 : f32
    %broadcast_in_dim3A_114 = vector.broadcast %broadcast_in_dim3A_113 : f32 to vector<16xf32>
    %swap3A_115 = arith.constant 224 : index
    %swap3A_116 = tpu.vector_load %arg13[%swap3A_115] {strides = array<i32>} : memref<640xf32, #tpu.memory_space<vmem>>, vector<16xf32>,
    %swap3A_117 = vector.shape_cast %swap3A_116 : vector<16xf32> to vector<16xf32>
    %swap3A_118 = vector.shape_cast %broadcast_in_dim3A_114 : vector<16xf32> to vector<16xf32>
    tpu.vector_store %arg13[%swap3A_115], %swap3A_118 {strides = array<i32>} : memref<640xf32, #tpu.memory_space<vmem>>, vector<16xf32>,
    %broadcast_in_dim3A_119 = arith.constant 0.000000e+00 : f32
    %broadcast_in_dim3A_120 = vector.broadcast %broadcast_in_dim3A_119 : f32 to vector<16xf32>
    %swap3A_121 = arith.constant 240 : index
    %swap3A_122 = tpu.vector_load %arg13[%swap3A_121] {strides = array<i32>} : memref<640xf32, #tpu.memory_space<vmem>>, vector<16xf32>,
    %swap3A_123 = vector.shape_cast %swap3A_122 : vector<16xf32> to vector<16xf32>
    %swap3A_124 = vector.shape_cast %broadcast_in_dim3A_120 : vector<16xf32> to vector<16xf32>
    tpu.vector_store %arg13[%swap3A_121], %swap3A_124 {strides = array<i32>} : memref<640xf32, #tpu.memory_space<vmem>>, vector<16xf32>,
    %broadcast_in_dim3A_125 = arith.constant 0.000000e+00 : f32
    %broadcast_in_dim3A_126 = vector.broadcast %broadcast_in_dim3A_125 : f32 to vector<16xf32>
    %swap3A_127 = arith.constant 256 : index
    %swap3A_128 = tpu.vector_load %arg13[%swap3A_127] {strides = array<i32>} : memref<640xf32, #tpu.memory_space<vmem>>, vector<16xf32>,
    %swap3A_129 = vector.shape_cast %swap3A_128 : vector<16xf32> to vector<16xf32>
    %swap3A_130 = vector.shape_cast %broadcast_in_dim3A_126 : vector<16xf32> to vector<16xf32>
    tpu.vector_store %arg13[%swap3A_127], %swap3A_130 {strides = array<i32>} : memref<640xf32, #tpu.memory_space<vmem>>, vector<16xf32>,
    %broadcast_in_dim3A_131 = arith.constant 0.000000e+00 : f32
    %broadcast_in_dim3A_132 = vector.broadcast %broadcast_in_dim3A_131 : f32 to vector<16xf32>
    %swap3A_133 = arith.constant 272 : index
    %swap3A_134 = tpu.vector_load %arg13[%swap3A_133] {strides = array<i32>} : memref<640xf32, #tpu.memory_space<vmem>>, vector<16xf32>,
    %swap3A_135 = vector.shape_cast %swap3A_134 : vector<16xf32> to vector<16xf32>
    %swap3A_136 = vector.shape_cast %broadcast_in_dim3A_132 : vector<16xf32> to vector<16xf32>
    tpu.vector_store %arg13[%swap3A_133], %swap3A_136 {strides = array<i32>} : memref<640xf32, #tpu.memory_space<vmem>>, vector<16xf32>,
    %broadcast_in_dim3A_137 = arith.constant 0.000000e+00 : f32
    %broadcast_in_dim3A_138 = vector.broadcast %broadcast_in_dim3A_137 : f32 to vector<16xf32>
    %swap3A_139 = arith.constant 288 : index
    %swap3A_140 = tpu.vector_load %arg13[%swap3A_139] {strides = array<i32>} : memref<640xf32, #tpu.memory_space<vmem>>, vector<16xf32>,
    %swap3A_141 = vector.shape_cast %swap3A_140 : vector<16xf32> to vector<16xf32>
    %swap3A_142 = vector.shape_cast %broadcast_in_dim3A_138 : vector<16xf32> to vector<16xf32>
    tpu.vector_store %arg13[%swap3A_139], %swap3A_142 {strides = array<i32>} : memref<640xf32, #tpu.memory_space<vmem>>, vector<16xf32>,
    %broadcast_in_dim3A_143 = arith.constant 0.000000e+00 : f32
    %broadcast_in_dim3A_144 = vector.broadcast %broadcast_in_dim3A_143 : f32 to vector<16xf32>
    %swap3A_145 = arith.constant 304 : index
    %swap3A_146 = tpu.vector_load %arg13[%swap3A_145] {strides = array<i32>} : memref<640xf32, #tpu.memory_space<vmem>>, vector<16xf32>,
    %swap3A_147 = vector.shape_cast %swap3A_146 : vector<16xf32> to vector<16xf32>
    %swap3A_148 = vector.shape_cast %broadcast_in_dim3A_144 : vector<16xf32> to vector<16xf32>
    tpu.vector_store %arg13[%swap3A_145], %swap3A_148 {strides = array<i32>} : memref<640xf32, #tpu.memory_space<vmem>>, vector<16xf32>,
    %broadcast_in_dim3A_149 = arith.constant 0.000000e+00 : f32
    %broadcast_in_dim3A_150 = vector.broadcast %broadcast_in_dim3A_149 : f32 to vector<16xf32>
    %swap3A_151 = arith.constant 320 : index
    %swap3A_152 = tpu.vector_load %arg13[%swap3A_151] {strides = array<i32>} : memref<640xf32, #tpu.memory_space<vmem>>, vector<16xf32>,
    %swap3A_153 = vector.shape_cast %swap3A_152 : vector<16xf32> to vector<16xf32>
    %swap3A_154 = vector.shape_cast %broadcast_in_dim3A_150 : vector<16xf32> to vector<16xf32>
    tpu.vector_store %arg13[%swap3A_151], %swap3A_154 {strides = array<i32>} : memref<640xf32, #tpu.memory_space<vmem>>, vector<16xf32>,
    %broadcast_in_dim3A_155 = arith.constant 0.000000e+00 : f32
    %broadcast_in_dim3A_156 = vector.broadcast %broadcast_in_dim3A_155 : f32 to vector<16xf32>
    %swap3A_157 = arith.constant 336 : index
    %swap3A_158 = tpu.vector_load %arg13[%swap3A_157] {strides = array<i32>} : memref<640xf32, #tpu.memory_space<vmem>>, vector<16xf32>,
    %swap3A_159 = vector.shape_cast %swap3A_158 : vector<16xf32> to vector<16xf32>
    %swap3A_160 = vector.shape_cast %broadcast_in_dim3A_156 : vector<16xf32> to vector<16xf32>
    tpu.vector_store %arg13[%swap3A_157], %swap3A_160 {strides = array<i32>} : memref<640xf32, #tpu.memory_space<vmem>>, vector<16xf32>,
    %broadcast_in_dim3A_161 = arith.constant 0.000000e+00 : f32
    %broadcast_in_dim3A_162 = vector.broadcast %broadcast_in_dim3A_161 : f32 to vector<16xf32>
    %swap3A_163 = arith.constant 352 : index
    %swap3A_164 = tpu.vector_load %arg13[%swap3A_163] {strides = array<i32>} : memref<640xf32, #tpu.memory_space<vmem>>, vector<16xf32>,
    %swap3A_165 = vector.shape_cast %swap3A_164 : vector<16xf32> to vector<16xf32>
    %swap3A_166 = vector.shape_cast %broadcast_in_dim3A_162 : vector<16xf32> to vector<16xf32>
    tpu.vector_store %arg13[%swap3A_163], %swap3A_166 {strides = array<i32>} : memref<640xf32, #tpu.memory_space<vmem>>, vector<16xf32>,
    %broadcast_in_dim3A_167 = arith.constant 0.000000e+00 : f32
    %broadcast_in_dim3A_168 = vector.broadcast %broadcast_in_dim3A_167 : f32 to vector<16xf32>
    %swap3A_169 = arith.constant 368 : index
    %swap3A_170 = tpu.vector_load %arg13[%swap3A_169] {strides = array<i32>} : memref<640xf32, #tpu.memory_space<vmem>>, vector<16xf32>,
    %swap3A_171 = vector.shape_cast %swap3A_170 : vector<16xf32> to vector<16xf32>
    %swap3A_172 = vector.shape_cast %broadcast_in_dim3A_168 : vector<16xf32> to vector<16xf32>
    tpu.vector_store %arg13[%swap3A_169], %swap3A_172 {strides = array<i32>} : memref<640xf32, #tpu.memory_space<vmem>>, vector<16xf32>,
    %broadcast_in_dim3A_173 = arith.constant 0.000000e+00 : f32
    %broadcast_in_dim3A_174 = vector.broadcast %broadcast_in_dim3A_173 : f32 to vector<16xf32>
    %swap3A_175 = arith.constant 384 : index
    %swap3A_176 = tpu.vector_load %arg13[%swap3A_175] {strides = array<i32>} : memref<640xf32, #tpu.memory_space<vmem>>, vector<16xf32>,
    %swap3A_177 = vector.shape_cast %swap3A_176 : vector<16xf32> to vector<16xf32>
    %swap3A_178 = vector.shape_cast %broadcast_in_dim3A_174 : vector<16xf32> to vector<16xf32>
    tpu.vector_store %arg13[%swap3A_175], %swap3A_178 {strides = array<i32>} : memref<640xf32, #tpu.memory_space<vmem>>, vector<16xf32>,
    %broadcast_in_dim3A_179 = arith.constant 0.000000e+00 : f32
    %broadcast_in_dim3A_180 = vector.broadcast %broadcast_in_dim3A_179 : f32 to vector<16xf32>
    %swap3A_181 = arith.constant 400 : index
    %swap3A_182 = tpu.vector_load %arg13[%swap3A_181] {strides = array<i32>} : memref<640xf32, #tpu.memory_space<vmem>>, vector<16xf32>,
    %swap3A_183 = vector.shape_cast %swap3A_182 : vector<16xf32> to vector<16xf32>
    %swap3A_184 = vector.shape_cast %broadcast_in_dim3A_180 : vector<16xf32> to vector<16xf32>
    tpu.vector_store %arg13[%swap3A_181], %swap3A_184 {strides = array<i32>} : memref<640xf32, #tpu.memory_space<vmem>>, vector<16xf32>,
    %broadcast_in_dim3A_185 = arith.constant 0.000000e+00 : f32
    %broadcast_in_dim3A_186 = vector.broadcast %broadcast_in_dim3A_185 : f32 to vector<16xf32>
    %swap3A_187 = arith.constant 416 : index
    %swap3A_188 = tpu.vector_load %arg13[%swap3A_187] {strides = array<i32>} : memref<640xf32, #tpu.memory_space<vmem>>, vector<16xf32>,
    %swap3A_189 = vector.shape_cast %swap3A_188 : vector<16xf32> to vector<16xf32>
    %swap3A_190 = vector.shape_cast %broadcast_in_dim3A_186 : vector<16xf32> to vector<16xf32>
    tpu.vector_store %arg13[%swap3A_187], %swap3A_190 {strides = array<i32>} : memref<640xf32, #tpu.memory_space<vmem>>, vector<16xf32>,
    %broadcast_in_dim3A_191 = arith.constant 0.000000e+00 : f32
    %broadcast_in_dim3A_192 = vector.broadcast %broadcast_in_dim3A_191 : f32 to vector<16xf32>
    %swap3A_193 = arith.constant 432 : index
    %swap3A_194 = tpu.vector_load %arg13[%swap3A_193] {strides = array<i32>} : memref<640xf32, #tpu.memory_space<vmem>>, vector<16xf32>,
    %swap3A_195 = vector.shape_cast %swap3A_194 : vector<16xf32> to vector<16xf32>
    %swap3A_196 = vector.shape_cast %broadcast_in_dim3A_192 : vector<16xf32> to vector<16xf32>
    tpu.vector_store %arg13[%swap3A_193], %swap3A_196 {strides = array<i32>} : memref<640xf32, #tpu.memory_space<vmem>>, vector<16xf32>,
    %broadcast_in_dim3A_197 = arith.constant 0.000000e+00 : f32
    %broadcast_in_dim3A_198 = vector.broadcast %broadcast_in_dim3A_197 : f32 to vector<16xf32>
    %swap3A_199 = arith.constant 448 : index
    %swap3A_200 = tpu.vector_load %arg13[%swap3A_199] {strides = array<i32>} : memref<640xf32, #tpu.memory_space<vmem>>, vector<16xf32>,
    %swap3A_201 = vector.shape_cast %swap3A_200 : vector<16xf32> to vector<16xf32>
    %swap3A_202 = vector.shape_cast %broadcast_in_dim3A_198 : vector<16xf32> to vector<16xf32>
    tpu.vector_store %arg13[%swap3A_199], %swap3A_202 {strides = array<i32>} : memref<640xf32, #tpu.memory_space<vmem>>, vector<16xf32>,
    %broadcast_in_dim3A_203 = arith.constant 0.000000e+00 : f32
    %broadcast_in_dim3A_204 = vector.broadcast %broadcast_in_dim3A_203 : f32 to vector<16xf32>
    %swap3A_205 = arith.constant 464 : index
    %swap3A_206 = tpu.vector_load %arg13[%swap3A_205] {strides = array<i32>} : memref<640xf32, #tpu.memory_space<vmem>>, vector<16xf32>,
    %swap3A_207 = vector.shape_cast %swap3A_206 : vector<16xf32> to vector<16xf32>
    %swap3A_208 = vector.shape_cast %broadcast_in_dim3A_204 : vector<16xf32> to vector<16xf32>
    tpu.vector_store %arg13[%swap3A_205], %swap3A_208 {strides = array<i32>} : memref<640xf32, #tpu.memory_space<vmem>>, vector<16xf32>,
    %broadcast_in_dim3A_209 = arith.constant 0.000000e+00 : f32
    %broadcast_in_dim3A_210 = vector.broadcast %broadcast_in_dim3A_209 : f32 to vector<16xf32>
    %swap3A_211 = arith.constant 480 : index
    %swap3A_212 = tpu.vector_load %arg13[%swap3A_211] {strides = array<i32>} : memref<640xf32, #tpu.memory_space<vmem>>, vector<16xf32>,
    %swap3A_213 = vector.shape_cast %swap3A_212 : vector<16xf32> to vector<16xf32>
    %swap3A_214 = vector.shape_cast %broadcast_in_dim3A_210 : vector<16xf32> to vector<16xf32>
    tpu.vector_store %arg13[%swap3A_211], %swap3A_214 {strides = array<i32>} : memref<640xf32, #tpu.memory_space<vmem>>, vector<16xf32>,
    %broadcast_in_dim3A_215 = arith.constant 0.000000e+00 : f32
    %broadcast_in_dim3A_216 = vector.broadcast %broadcast_in_dim3A_215 : f32 to vector<16xf32>
    %swap3A_217 = arith.constant 496 : index
    %swap3A_218 = tpu.vector_load %arg13[%swap3A_217] {strides = array<i32>} : memref<640xf32, #tpu.memory_space<vmem>>, vector<16xf32>,
    %swap3A_219 = vector.shape_cast %swap3A_218 : vector<16xf32> to vector<16xf32>
    %swap3A_220 = vector.shape_cast %broadcast_in_dim3A_216 : vector<16xf32> to vector<16xf32>
    tpu.vector_store %arg13[%swap3A_217], %swap3A_220 {strides = array<i32>} : memref<640xf32, #tpu.memory_space<vmem>>, vector<16xf32>,
    %broadcast_in_dim3A_221 = arith.constant 0.000000e+00 : f32
    %broadcast_in_dim3A_222 = vector.broadcast %broadcast_in_dim3A_221 : f32 to vector<16xf32>
    %swap3A_223 = arith.constant 512 : index
    %swap3A_224 = tpu.vector_load %arg13[%swap3A_223] {strides = array<i32>} : memref<640xf32, #tpu.memory_space<vmem>>, vector<16xf32>,
    %swap3A_225 = vector.shape_cast %swap3A_224 : vector<16xf32> to vector<16xf32>
    %swap3A_226 = vector.shape_cast %broadcast_in_dim3A_222 : vector<16xf32> to vector<16xf32>
    tpu.vector_store %arg13[%swap3A_223], %swap3A_226 {strides = array<i32>} : memref<640xf32, #tpu.memory_space<vmem>>, vector<16xf32>,
    %broadcast_in_dim3A_227 = arith.constant 0.000000e+00 : f32
    %broadcast_in_dim3A_228 = vector.broadcast %broadcast_in_dim3A_227 : f32 to vector<16xf32>
    %swap3A_229 = arith.constant 528 : index
    %swap3A_230 = tpu.vector_load %arg13[%swap3A_229] {strides = array<i32>} : memref<640xf32, #tpu.memory_space<vmem>>, vector<16xf32>,
    %swap3A_231 = vector.shape_cast %swap3A_230 : vector<16xf32> to vector<16xf32>
    %swap3A_232 = vector.shape_cast %broadcast_in_dim3A_228 : vector<16xf32> to vector<16xf32>
    tpu.vector_store %arg13[%swap3A_229], %swap3A_232 {strides = array<i32>} : memref<640xf32, #tpu.memory_space<vmem>>, vector<16xf32>,
    %broadcast_in_dim3A_233 = arith.constant 0.000000e+00 : f32
    %broadcast_in_dim3A_234 = vector.broadcast %broadcast_in_dim3A_233 : f32 to vector<16xf32>
    %swap3A_235 = arith.constant 544 : index
    %swap3A_236 = tpu.vector_load %arg13[%swap3A_235] {strides = array<i32>} : memref<640xf32, #tpu.memory_space<vmem>>, vector<16xf32>,
    %swap3A_237 = vector.shape_cast %swap3A_236 : vector<16xf32> to vector<16xf32>
    %swap3A_238 = vector.shape_cast %broadcast_in_dim3A_234 : vector<16xf32> to vector<16xf32>
    tpu.vector_store %arg13[%swap3A_235], %swap3A_238 {strides = array<i32>} : memref<640xf32, #tpu.memory_space<vmem>>, vector<16xf32>,
    %broadcast_in_dim3A_239 = arith.constant 0.000000e+00 : f32
    %broadcast_in_dim3A_240 = vector.broadcast %broadcast_in_dim3A_239 : f32 to vector<16xf32>
    %swap3A_241 = arith.constant 560 : index
    %swap3A_242 = tpu.vector_load %arg13[%swap3A_241] {strides = array<i32>} : memref<640xf32, #tpu.memory_space<vmem>>, vector<16xf32>,
    %swap3A_243 = vector.shape_cast %swap3A_242 : vector<16xf32> to vector<16xf32>
    %swap3A_244 = vector.shape_cast %broadcast_in_dim3A_240 : vector<16xf32> to vector<16xf32>
    tpu.vector_store %arg13[%swap3A_241], %swap3A_244 {strides = array<i32>} : memref<640xf32, #tpu.memory_space<vmem>>, vector<16xf32>,
    %broadcast_in_dim3A_245 = arith.constant 0.000000e+00 : f32
    %broadcast_in_dim3A_246 = vector.broadcast %broadcast_in_dim3A_245 : f32 to vector<16xf32>
    %swap3A_247 = arith.constant 576 : index
    %swap3A_248 = tpu.vector_load %arg13[%swap3A_247] {strides = array<i32>} : memref<640xf32, #tpu.memory_space<vmem>>, vector<16xf32>,
    %swap3A_249 = vector.shape_cast %swap3A_248 : vector<16xf32> to vector<16xf32>
    %swap3A_250 = vector.shape_cast %broadcast_in_dim3A_246 : vector<16xf32> to vector<16xf32>
    tpu.vector_store %arg13[%swap3A_247], %swap3A_250 {strides = array<i32>} : memref<640xf32, #tpu.memory_space<vmem>>, vector<16xf32>,
    %broadcast_in_dim3A_251 = arith.constant 0.000000e+00 : f32
    %broadcast_in_dim3A_252 = vector.broadcast %broadcast_in_dim3A_251 : f32 to vector<16xf32>
    %swap3A_253 = arith.constant 592 : index
    %swap3A_254 = tpu.vector_load %arg13[%swap3A_253] {strides = array<i32>} : memref<640xf32, #tpu.memory_space<vmem>>, vector<16xf32>,
    %swap3A_255 = vector.shape_cast %swap3A_254 : vector<16xf32> to vector<16xf32>
    %swap3A_256 = vector.shape_cast %broadcast_in_dim3A_252 : vector<16xf32> to vector<16xf32>
    tpu.vector_store %arg13[%swap3A_253], %swap3A_256 {strides = array<i32>} : memref<640xf32, #tpu.memory_space<vmem>>, vector<16xf32>,
    %broadcast_in_dim3A_257 = arith.constant 0.000000e+00 : f32
    %broadcast_in_dim3A_258 = vector.broadcast %broadcast_in_dim3A_257 : f32 to vector<16xf32>
    %swap3A_259 = arith.constant 608 : index
    %swap3A_260 = tpu.vector_load %arg13[%swap3A_259] {strides = array<i32>} : memref<640xf32, #tpu.memory_space<vmem>>, vector<16xf32>,
    %swap3A_261 = vector.shape_cast %swap3A_260 : vector<16xf32> to vector<16xf32>
    %swap3A_262 = vector.shape_cast %broadcast_in_dim3A_258 : vector<16xf32> to vector<16xf32>
    tpu.vector_store %arg13[%swap3A_259], %swap3A_262 {strides = array<i32>} : memref<640xf32, #tpu.memory_space<vmem>>, vector<16xf32>,
    %broadcast_in_dim3A_263 = arith.constant 0.000000e+00 : f32
    %broadcast_in_dim3A_264 = vector.broadcast %broadcast_in_dim3A_263 : f32 to vector<16xf32>
    %swap3A_265 = arith.constant 624 : index
    %swap3A_266 = tpu.vector_load %arg13[%swap3A_265] {strides = array<i32>} : memref<640xf32, #tpu.memory_space<vmem>>, vector<16xf32>,
    %swap3A_267 = vector.shape_cast %swap3A_266 : vector<16xf32> to vector<16xf32>
    %swap3A_268 = vector.shape_cast %broadcast_in_dim3A_264 : vector<16xf32> to vector<16xf32>
    tpu.vector_store %arg13[%swap3A_265], %swap3A_268 {strides = array<i32>} : memref<640xf32, #tpu.memory_space<vmem>>, vector<16xf32>,
    %add3A_269 = arith.constant 0 : i32
    %add3A_270 = arith.addi %mul3A_2, %add3A_269 : i32
    "tpu.region"() ({
      %run_scoped3A = tpu.sem_alloc : memref<!tpu.dma_semaphore, #tpu.memory_space<semaphore_mem>>
      %dma_start3A = arith.constant 0 : i32
      %dma_start3A_299 = arith.constant 0 : i32
      %dma_start3A_300 = tpu.memref_slice %arg12[%dma_start3A, %dma_start3A_299] : memref<256x128xf32, #tpu.memory_space<vmem>> -> memref<256x128xf32, #tpu.memory_space<vmem>>
      %dma_start3A_301 = arith.constant 0 : i32
      %dma_start3A_302 = tpu.memref_slice %arg14[%add3A_270, %dma_start3A_301] : memref<10240x128xf32, #tpu.memory_space<vmem_shared>> -> memref<256x128xf32, #tpu.memory_space<vmem_shared>>
      %dma_start3A_303 = arith.constant 0 : i32
      %dma_start3A_304 = tpu.memref_slice %arg14[%add3A_270, %dma_start3A_303] : memref<10240x128xf32, #tpu.memory_space<vmem_shared>> -> memref<256x128xf32, #tpu.memory_space<vmem_shared>>
      %dma_start3A_305 = arith.constant 0 : i32
      %dma_start3A_306 = arith.constant 0 : i32
      %dma_start3A_307 = tpu.memref_slice %arg12[%dma_start3A_305, %dma_start3A_306] : memref<256x128xf32, #tpu.memory_space<vmem>> -> memref<256x128xf32, #tpu.memory_space<vmem>>
      tpu.enqueue_dma source(%dma_start3A_307 : memref<256x128xf32, #tpu.memory_space<vmem>>) target(%dma_start3A_304 : memref<256x128xf32, #tpu.memory_space<vmem_shared>>) target_semaphore(%run_scoped3A : memref<!tpu.dma_semaphore, #tpu.memory_space<semaphore_mem>>)
      %dma_wait3A = arith.constant 0 : i32
      %dma_wait3A_308 = arith.constant 0 : i32
      %dma_wait3A_309 = tpu.memref_slice %arg12[%dma_wait3A, %dma_wait3A_308] : memref<256x128xf32, #tpu.memory_space<vmem>> -> memref<256x128xf32, #tpu.memory_space<vmem>>
      %dma_wait3A_310 = arith.constant 0 : i32
      %dma_wait3A_311 = tpu.memref_slice %arg14[%add3A_270, %dma_wait3A_310] : memref<10240x128xf32, #tpu.memory_space<vmem_shared>> -> memref<256x128xf32, #tpu.memory_space<vmem_shared>>
      %dma_wait3A_312 = arith.constant 0 : i32
      %dma_wait3A_313 = tpu.memref_slice %arg14[%add3A_270, %dma_wait3A_312] : memref<10240x128xf32, #tpu.memory_space<vmem_shared>> -> memref<256x128xf32, #tpu.memory_space<vmem_shared>>
      %dma_wait3A_314 = arith.constant 0 : i32
      %dma_wait3A_315 = arith.constant 0 : i32
      %dma_wait3A_316 = tpu.memref_slice %arg12[%dma_wait3A_314, %dma_wait3A_315] : memref<256x128xf32, #tpu.memory_space<vmem>> -> memref<256x128xf32, #tpu.memory_space<vmem>>
      tpu.wait_dma2 semaphore(%run_scoped3A : memref<!tpu.dma_semaphore, #tpu.memory_space<semaphore_mem>>) src(%dma_wait3A_316 : memref<256x128xf32, #tpu.memory_space<vmem>>) dst(%dma_wait3A_313 : memref<256x128xf32, #tpu.memory_space<vmem_shared>>)
      tpu.yield
    }) : () -> ()
    %add3A_271 = arith.constant 256 : i32
    %add3A_272 = arith.addi %mul3A_2, %add3A_271 : i32
    "tpu.region"() ({
      %run_scoped3A = tpu.sem_alloc : memref<!tpu.dma_semaphore, #tpu.memory_space<semaphore_mem>>
      %dma_start3A = arith.constant 0 : i32
      %dma_start3A_299 = arith.constant 0 : i32
      %dma_start3A_300 = tpu.memref_slice %arg12[%dma_start3A, %dma_start3A_299] : memref<256x128xf32, #tpu.memory_space<vmem>> -> memref<256x128xf32, #tpu.memory_space<vmem>>
      %dma_start3A_301 = arith.constant 0 : i32
      %dma_start3A_302 = tpu.memref_slice %arg14[%add3A_272, %dma_start3A_301] : memref<10240x128xf32, #tpu.memory_space<vmem_shared>> -> memref<256x128xf32, #tpu.memory_space<vmem_shared>>
      %dma_start3A_303 = arith.constant 0 : i32
      %dma_start3A_304 = tpu.memref_slice %arg14[%add3A_272, %dma_start3A_303] : memref<10240x128xf32, #tpu.memory_space<vmem_shared>> -> memref<256x128xf32, #tpu.memory_space<vmem_shared>>
      %dma_start3A_305 = arith.constant 0 : i32
      %dma_start3A_306 = arith.constant 0 : i32
      %dma_start3A_307 = tpu.memref_slice %arg12[%dma_start3A_305, %dma_start3A_306] : memref<256x128xf32, #tpu.memory_space<vmem>> -> memref<256x128xf32, #tpu.memory_space<vmem>>
      tpu.enqueue_dma source(%dma_start3A_307 : memref<256x128xf32, #tpu.memory_space<vmem>>) target(%dma_start3A_304 : memref<256x128xf32, #tpu.memory_space<vmem_shared>>) target_semaphore(%run_scoped3A : memref<!tpu.dma_semaphore, #tpu.memory_space<semaphore_mem>>)
      %dma_wait3A = arith.constant 0 : i32
      %dma_wait3A_308 = arith.constant 0 : i32
      %dma_wait3A_309 = tpu.memref_slice %arg12[%dma_wait3A, %dma_wait3A_308] : memref<256x128xf32, #tpu.memory_space<vmem>> -> memref<256x128xf32, #tpu.memory_space<vmem>>
      %dma_wait3A_310 = arith.constant 0 : i32
      %dma_wait3A_311 = tpu.memref_slice %arg14[%add3A_272, %dma_wait3A_310] : memref<10240x128xf32, #tpu.memory_space<vmem_shared>> -> memref<256x128xf32, #tpu.memory_space<vmem_shared>>
      %dma_wait3A_312 = arith.constant 0 : i32
      %dma_wait3A_313 = tpu.memref_slice %arg14[%add3A_272, %dma_wait3A_312] : memref<10240x128xf32, #tpu.memory_space<vmem_shared>> -> memref<256x128xf32, #tpu.memory_space<vmem_shared>>
      %dma_wait3A_314 = arith.constant 0 : i32
      %dma_wait3A_315 = arith.constant 0 : i32
      %dma_wait3A_316 = tpu.memref_slice %arg12[%dma_wait3A_314, %dma_wait3A_315] : memref<256x128xf32, #tpu.memory_space<vmem>> -> memref<256x128xf32, #tpu.memory_space<vmem>>
      tpu.wait_dma2 semaphore(%run_scoped3A : memref<!tpu.dma_semaphore, #tpu.memory_space<semaphore_mem>>) src(%dma_wait3A_316 : memref<256x128xf32, #tpu.memory_space<vmem>>) dst(%dma_wait3A_313 : memref<256x128xf32, #tpu.memory_space<vmem_shared>>)
      tpu.yield
    }) : () -> ()
    %add3A_273 = arith.constant 512 : i32
    %add3A_274 = arith.addi %mul3A_2, %add3A_273 : i32
    "tpu.region"() ({
      %run_scoped3A = tpu.sem_alloc : memref<!tpu.dma_semaphore, #tpu.memory_space<semaphore_mem>>
      %dma_start3A = arith.constant 0 : i32
      %dma_start3A_299 = arith.constant 0 : i32
      %dma_start3A_300 = tpu.memref_slice %arg12[%dma_start3A, %dma_start3A_299] : memref<256x128xf32, #tpu.memory_space<vmem>> -> memref<128x128xf32, #tpu.memory_space<vmem>>
      %dma_start3A_301 = arith.constant 0 : i32
      %dma_start3A_302 = tpu.memref_slice %arg14[%add3A_274, %dma_start3A_301] : memref<10240x128xf32, #tpu.memory_space<vmem_shared>> -> memref<128x128xf32, #tpu.memory_space<vmem_shared>>
      %dma_start3A_303 = arith.constant 0 : i32
      %dma_start3A_304 = tpu.memref_slice %arg14[%add3A_274, %dma_start3A_303] : memref<10240x128xf32, #tpu.memory_space<vmem_shared>> -> memref<128x128xf32, #tpu.memory_space<vmem_shared>>
      %dma_start3A_305 = arith.constant 0 : i32
      %dma_start3A_306 = arith.constant 0 : i32
      %dma_start3A_307 = tpu.memref_slice %arg12[%dma_start3A_305, %dma_start3A_306] : memref<256x128xf32, #tpu.memory_space<vmem>> -> memref<128x128xf32, #tpu.memory_space<vmem>>
      tpu.enqueue_dma source(%dma_start3A_307 : memref<128x128xf32, #tpu.memory_space<vmem>>) target(%dma_start3A_304 : memref<128x128xf32, #tpu.memory_space<vmem_shared>>) target_semaphore(%run_scoped3A : memref<!tpu.dma_semaphore, #tpu.memory_space<semaphore_mem>>)
      %dma_wait3A = arith.constant 0 : i32
      %dma_wait3A_308 = arith.constant 0 : i32
      %dma_wait3A_309 = tpu.memref_slice %arg12[%dma_wait3A, %dma_wait3A_308] : memref<256x128xf32, #tpu.memory_space<vmem>> -> memref<128x128xf32, #tpu.memory_space<vmem>>
      %dma_wait3A_310 = arith.constant 0 : i32
      %dma_wait3A_311 = tpu.memref_slice %arg14[%add3A_274, %dma_wait3A_310] : memref<10240x128xf32, #tpu.memory_space<vmem_shared>> -> memref<128x128xf32, #tpu.memory_space<vmem_shared>>
      %dma_wait3A_312 = arith.constant 0 : i32
      %dma_wait3A_313 = tpu.memref_slice %arg14[%add3A_274, %dma_wait3A_312] : memref<10240x128xf32, #tpu.memory_space<vmem_shared>> -> memref<128x128xf32, #tpu.memory_space<vmem_shared>>
      %dma_wait3A_314 = arith.constant 0 : i32
      %dma_wait3A_315 = arith.constant 0 : i32
      %dma_wait3A_316 = tpu.memref_slice %arg12[%dma_wait3A_314, %dma_wait3A_315] : memref<256x128xf32, #tpu.memory_space<vmem>> -> memref<128x128xf32, #tpu.memory_space<vmem>>
      tpu.wait_dma2 semaphore(%run_scoped3A : memref<!tpu.dma_semaphore, #tpu.memory_space<semaphore_mem>>) src(%dma_wait3A_316 : memref<128x128xf32, #tpu.memory_space<vmem>>) dst(%dma_wait3A_313 : memref<128x128xf32, #tpu.memory_space<vmem_shared>>)
      tpu.yield
    }) : () -> ()
    "tpu.region"() ({
      %run_scoped3A = tpu.sem_alloc : memref<!tpu.dma_semaphore, #tpu.memory_space<semaphore_mem>>
      %dma_start3A = arith.constant 0 : i32
      %dma_start3A_299 = tpu.memref_slice %arg13[%dma_start3A] : memref<640xf32, #tpu.memory_space<vmem>> -> memref<640xf32, #tpu.memory_space<vmem>>
      %dma_start3A_300 = tpu.memref_slice %arg15[%mul3A_2] : memref<10240xf32, #tpu.memory_space<vmem_shared>> -> memref<640xf32, #tpu.memory_space<vmem_shared>>
      %dma_start3A_301 = tpu.memref_slice %arg15[%mul3A_2] : memref<10240xf32, #tpu.memory_space<vmem_shared>> -> memref<640xf32, #tpu.memory_space<vmem_shared>>
      %dma_start3A_302 = arith.constant 0 : i32
      %dma_start3A_303 = tpu.memref_slice %arg13[%dma_start3A_302] : memref<640xf32, #tpu.memory_space<vmem>> -> memref<640xf32, #tpu.memory_space<vmem>>
      tpu.enqueue_dma source(%dma_start3A_303 : memref<640xf32, #tpu.memory_space<vmem>>) target(%dma_start3A_301 : memref<640xf32, #tpu.memory_space<vmem_shared>>) target_semaphore(%run_scoped3A : memref<!tpu.dma_semaphore, #tpu.memory_space<semaphore_mem>>)
      %dma_wait3A = arith.constant 0 : i32
      %dma_wait3A_304 = tpu.memref_slice %arg13[%dma_wait3A] : memref<640xf32, #tpu.memory_space<vmem>> -> memref<640xf32, #tpu.memory_space<vmem>>
      %dma_wait3A_305 = tpu.memref_slice %arg15[%mul3A_2] : memref<10240xf32, #tpu.memory_space<vmem_shared>> -> memref<640xf32, #tpu.memory_space<vmem_shared>>
      %dma_wait3A_306 = tpu.memref_slice %arg15[%mul3A_2] : memref<10240xf32, #tpu.memory_space<vmem_shared>> -> memref<640xf32, #tpu.memory_space<vmem_shared>>
      %dma_wait3A_307 = arith.constant 0 : i32
      %dma_wait3A_308 = tpu.memref_slice %arg13[%dma_wait3A_307] : memref<640xf32, #tpu.memory_space<vmem>> -> memref<640xf32, #tpu.memory_space<vmem>>
      tpu.wait_dma2 semaphore(%run_scoped3A : memref<!tpu.dma_semaphore, #tpu.memory_space<semaphore_mem>>) src(%dma_wait3A_308 : memref<640xf32, #tpu.memory_space<vmem>>) dst(%dma_wait3A_306 : memref<640xf32, #tpu.memory_space<vmem_shared>>)
      tpu.yield
    }) : () -> ()
    %barrier3A = arith.constant 0 : index
    tpu.barrier barrier_id(%barrier3A)
    %while3A = arith.constant 0 : i32
    %while3A_275 = arith.subi %select_n3A, %while3A : i32
    %while3A_276 = arith.addi %while3A, %while3A_275 : i32
    %while3A_277 = arith.constant 1 : i32
    %while3A_278 = arith.divsi %while3A_275, %while3A_277 : i32
    %while3A_279 = arith.muli %while3A_278, %while3A_277 : i32
    %while3A_280 = arith.addi %while3A, %while3A_279 : i32
    %while3A_281 = arith.constant 1 : i32
    scf.for %while3A_299 = %while3A to %while3A_280 step %while3A_281  : i32 {
      %mul3A_300 = arith.constant 256 : i32
      %mul3A_301 = arith.muli %while3A_299, %mul3A_300 : i32
      %add3A_302 = arith.addi %multiple_of3A, %mul3A_301 : i32
      %multiple_of3A_303 = tpu.assume_multiple %add3A_302, 128 : i32
      %dma_start3A = tpu.memref_slice %arg3[%multiple_of3A_303] : memref<327680xi32, #tpu.memory_space<hbm>> -> memref<256xi32, #tpu.memory_space<hbm>>
      %dma_start3A_304 = tpu.memref_slice %arg3[%multiple_of3A_303] : memref<327680xi32, #tpu.memory_space<hbm>> -> memref<256xi32, #tpu.memory_space<hbm>>
      tpu.enqueue_dma source(%dma_start3A_304 : memref<256xi32, #tpu.memory_space<hbm>>) target(%arg9 : memref<256xi32, #tpu.memory_space<vmem>>) target_semaphore(%arg17 : memref<!tpu.dma_semaphore, #tpu.memory_space<semaphore_mem>>)
      %dma_start3A_305 = tpu.memref_slice %arg5[%multiple_of3A_303] : memref<327680xf32, #tpu.memory_space<hbm>> -> memref<256xf32, #tpu.memory_space<hbm>>
      %dma_start3A_306 = tpu.memref_slice %arg5[%multiple_of3A_303] : memref<327680xf32, #tpu.memory_space<hbm>> -> memref<256xf32, #tpu.memory_space<hbm>>
      tpu.enqueue_dma source(%dma_start3A_306 : memref<256xf32, #tpu.memory_space<hbm>>) target(%arg11 : memref<256xf32, #tpu.memory_space<vmem>>) target_semaphore(%arg18 : memref<!tpu.dma_semaphore, #tpu.memory_space<semaphore_mem>>)
      %add3A_307 = arith.constant 0 : i32
      %add3A_308 = arith.addi %multiple_of3A_303, %add3A_307 : i32
      %dma_start3A_309 = arith.constant 0 : i32
      %dma_start3A_310 = arith.constant 0 : i32
      %dma_start3A_311 = tpu.memref_slice %arg10[%dma_start3A_309, %dma_start3A_310] : memref<2x128xi32, #tpu.memory_space<vmem>> -> memref<1x128xi32, #tpu.memory_space<vmem>>
      %dma_start3A_312 = tpu.memref_squeeze %dma_start3A_311 : memref<1x128xi32, #tpu.memory_space<vmem>> -> memref<128xi32, #tpu.memory_space<vmem>>
      %dma_start3A_313 = tpu.memref_slice %arg4[%add3A_308] : memref<327680xi32, #tpu.memory_space<hbm>> -> memref<128xi32, #tpu.memory_space<hbm>>
      %dma_start3A_314 = arith.constant 0 : i32
      %dma_start3A_315 = tpu.memref_slice %arg10[%dma_start3A_309, %dma_start3A_314] : memref<2x128xi32, #tpu.memory_space<vmem>> -> memref<1x128xi32, #tpu.memory_space<vmem>>
      %dma_start3A_316 = tpu.memref_squeeze %dma_start3A_315 : memref<1x128xi32, #tpu.memory_space<vmem>> -> memref<128xi32, #tpu.memory_space<vmem>>
      %dma_start3A_317 = tpu.memref_slice %arg4[%add3A_308] : memref<327680xi32, #tpu.memory_space<hbm>> -> memref<128xi32, #tpu.memory_space<hbm>>
      tpu.enqueue_dma source(%dma_start3A_317 : memref<128xi32, #tpu.memory_space<hbm>>) target(%dma_start3A_316 : memref<128xi32, #tpu.memory_space<vmem>>) target_semaphore(%arg18 : memref<!tpu.dma_semaphore, #tpu.memory_space<semaphore_mem>>)
      %add3A_318 = arith.constant 128 : i32
      %add3A_319 = arith.addi %multiple_of3A_303, %add3A_318 : i32
      %dma_start3A_320 = arith.constant 1 : i32
      %dma_start3A_321 = arith.constant 0 : i32
      %dma_start3A_322 = tpu.memref_slice %arg10[%dma_start3A_320, %dma_start3A_321] : memref<2x128xi32, #tpu.memory_space<vmem>> -> memref<1x128xi32, #tpu.memory_space<vmem>>
      %dma_start3A_323 = tpu.memref_squeeze %dma_start3A_322 : memref<1x128xi32, #tpu.memory_space<vmem>> -> memref<128xi32, #tpu.memory_space<vmem>>
      %dma_start3A_324 = tpu.memref_slice %arg4[%add3A_319] : memref<327680xi32, #tpu.memory_space<hbm>> -> memref<128xi32, #tpu.memory_space<hbm>>
      %dma_start3A_325 = arith.constant 0 : i32
      %dma_start3A_326 = tpu.memref_slice %arg10[%dma_start3A_320, %dma_start3A_325] : memref<2x128xi32, #tpu.memory_space<vmem>> -> memref<1x128xi32, #tpu.memory_space<vmem>>
      %dma_start3A_327 = tpu.memref_squeeze %dma_start3A_326 : memref<1x128xi32, #tpu.memory_space<vmem>> -> memref<128xi32, #tpu.memory_space<vmem>>
      %dma_start3A_328 = tpu.memref_slice %arg4[%add3A_319] : memref<327680xi32, #tpu.memory_space<hbm>> -> memref<128xi32, #tpu.memory_space<hbm>>
      tpu.enqueue_dma source(%dma_start3A_328 : memref<128xi32, #tpu.memory_space<hbm>>) target(%dma_start3A_327 : memref<128xi32, #tpu.memory_space<vmem>>) target_semaphore(%arg18 : memref<!tpu.dma_semaphore, #tpu.memory_space<semaphore_mem>>)
      %dma_wait3A = tpu.memref_slice %arg3[%multiple_of3A_303] : memref<327680xi32, #tpu.memory_space<hbm>> -> memref<256xi32, #tpu.memory_space<hbm>>
      %dma_wait3A_329 = tpu.memref_slice %arg3[%multiple_of3A_303] : memref<327680xi32, #tpu.memory_space<hbm>> -> memref<256xi32, #tpu.memory_space<hbm>>
      tpu.wait_dma2 semaphore(%arg17 : memref<!tpu.dma_semaphore, #tpu.memory_space<semaphore_mem>>) src(%dma_wait3A_329 : memref<256xi32, #tpu.memory_space<hbm>>) dst(%arg9 : memref<256xi32, #tpu.memory_space<vmem>>)
      %dma_start3A_330 = arith.constant 0 : i32
      %dma_start3A_331 = arith.constant 0 : i32
      %dma_start3A_332 = tpu.memref_slice %arg12[%dma_start3A_330, %dma_start3A_331] : memref<256x128xf32, #tpu.memory_space<vmem>> -> memref<128x128xf32, #tpu.memory_space<vmem>>
      %dma_start3A_333 = arith.constant 0 : i32
      %dma_start3A_334 = tpu.memref_slice %arg9[%dma_start3A_333] : memref<256xi32, #tpu.memory_space<vmem>> -> memref<128xi32, #tpu.memory_space<vmem>>
      %dma_start3A_335 = arith.constant 0 : i32
      %dma_start3A_336 = arith.constant 0 : i32
      %dma_start3A_337 = tpu.memref_slice %arg2[%dma_start3A_335, %dma_start3A_336] : memref<10000x128xf32, #tpu.memory_space<hbm>> -> memref<10000x128xf32, #tpu.memory_space<hbm>>
      tpu.enqueue_indirect_dma source(%dma_start3A_337 : memref<10000x128xf32, #tpu.memory_space<hbm>>) target(%dma_start3A_332 : memref<128x128xf32, #tpu.memory_space<vmem>>) offsets(%dma_start3A_334 : memref<128xi32, #tpu.memory_space<vmem>>) semaphore(%arg19 : memref<!tpu.dma_semaphore, #tpu.memory_space<semaphore_mem>>)
      %dma_start3A_338 = arith.constant 128 : i32
      %dma_start3A_339 = arith.constant 0 : i32
      %dma_start3A_340 = tpu.memref_slice %arg12[%dma_start3A_338, %dma_start3A_339] : memref<256x128xf32, #tpu.memory_space<vmem>> -> memref<128x128xf32, #tpu.memory_space<vmem>>
      %dma_start3A_341 = arith.constant 128 : i32
      %dma_start3A_342 = tpu.memref_slice %arg9[%dma_start3A_341] : memref<256xi32, #tpu.memory_space<vmem>> -> memref<128xi32, #tpu.memory_space<vmem>>
      %dma_start3A_343 = arith.constant 0 : i32
      %dma_start3A_344 = arith.constant 0 : i32
      %dma_start3A_345 = tpu.memref_slice %arg2[%dma_start3A_343, %dma_start3A_344] : memref<10000x128xf32, #tpu.memory_space<hbm>> -> memref<10000x128xf32, #tpu.memory_space<hbm>>
      tpu.enqueue_indirect_dma source(%dma_start3A_345 : memref<10000x128xf32, #tpu.memory_space<hbm>>) target(%dma_start3A_340 : memref<128x128xf32, #tpu.memory_space<vmem>>) offsets(%dma_start3A_342 : memref<128xi32, #tpu.memory_space<vmem>>) semaphore(%arg19 : memref<!tpu.dma_semaphore, #tpu.memory_space<semaphore_mem>>)
      %dma_wait3A_346 = tpu.memref_slice %arg5[%multiple_of3A_303] : memref<327680xf32, #tpu.memory_space<hbm>> -> memref<256xf32, #tpu.memory_space<hbm>>
      %dma_wait3A_347 = tpu.memref_slice %arg5[%multiple_of3A_303] : memref<327680xf32, #tpu.memory_space<hbm>> -> memref<256xf32, #tpu.memory_space<hbm>>
      tpu.wait_dma2 semaphore(%arg18 : memref<!tpu.dma_semaphore, #tpu.memory_space<semaphore_mem>>) src(%dma_wait3A_347 : memref<256xf32, #tpu.memory_space<hbm>>) dst(%arg11 : memref<256xf32, #tpu.memory_space<vmem>>)
      %dma_wait3A_348 = arith.constant 0 : i32
      %dma_wait3A_349 = arith.constant 0 : i32
      %dma_wait3A_350 = tpu.memref_slice %arg10[%dma_wait3A_348, %dma_wait3A_349] : memref<2x128xi32, #tpu.memory_space<vmem>> -> memref<1x128xi32, #tpu.memory_space<vmem>>
      %dma_wait3A_351 = tpu.memref_squeeze %dma_wait3A_350 : memref<1x128xi32, #tpu.memory_space<vmem>> -> memref<128xi32, #tpu.memory_space<vmem>>
      %dma_wait3A_352 = tpu.memref_slice %arg4[%add3A_308] : memref<327680xi32, #tpu.memory_space<hbm>> -> memref<128xi32, #tpu.memory_space<hbm>>
      %dma_wait3A_353 = arith.constant 0 : i32
      %dma_wait3A_354 = tpu.memref_slice %arg10[%dma_wait3A_348, %dma_wait3A_353] : memref<2x128xi32, #tpu.memory_space<vmem>> -> memref<1x128xi32, #tpu.memory_space<vmem>>
      %dma_wait3A_355 = tpu.memref_squeeze %dma_wait3A_354 : memref<1x128xi32, #tpu.memory_space<vmem>> -> memref<128xi32, #tpu.memory_space<vmem>>
      %dma_wait3A_356 = tpu.memref_slice %arg4[%add3A_308] : memref<327680xi32, #tpu.memory_space<hbm>> -> memref<128xi32, #tpu.memory_space<hbm>>
      tpu.wait_dma2 semaphore(%arg18 : memref<!tpu.dma_semaphore, #tpu.memory_space<semaphore_mem>>) src(%dma_wait3A_356 : memref<128xi32, #tpu.memory_space<hbm>>) dst(%dma_wait3A_355 : memref<128xi32, #tpu.memory_space<vmem>>)
      %dma_wait3A_357 = arith.constant 1 : i32
      %dma_wait3A_358 = arith.constant 0 : i32
      %dma_wait3A_359 = tpu.memref_slice %arg10[%dma_wait3A_357, %dma_wait3A_358] : memref<2x128xi32, #tpu.memory_space<vmem>> -> memref<1x128xi32, #tpu.memory_space<vmem>>
      %dma_wait3A_360 = tpu.memref_squeeze %dma_wait3A_359 : memref<1x128xi32, #tpu.memory_space<vmem>> -> memref<128xi32, #tpu.memory_space<vmem>>
      %dma_wait3A_361 = tpu.memref_slice %arg4[%add3A_319] : memref<327680xi32, #tpu.memory_space<hbm>> -> memref<128xi32, #tpu.memory_space<hbm>>
      %dma_wait3A_362 = arith.constant 0 : i32
      %dma_wait3A_363 = tpu.memref_slice %arg10[%dma_wait3A_357, %dma_wait3A_362] : memref<2x128xi32, #tpu.memory_space<vmem>> -> memref<1x128xi32, #tpu.memory_space<vmem>>
      %dma_wait3A_364 = tpu.memref_squeeze %dma_wait3A_363 : memref<1x128xi32, #tpu.memory_space<vmem>> -> memref<128xi32, #tpu.memory_space<vmem>>
      %dma_wait3A_365 = tpu.memref_slice %arg4[%add3A_319] : memref<327680xi32, #tpu.memory_space<hbm>> -> memref<128xi32, #tpu.memory_space<hbm>>
      tpu.wait_dma2 semaphore(%arg18 : memref<!tpu.dma_semaphore, #tpu.memory_space<semaphore_mem>>) src(%dma_wait3A_365 : memref<128xi32, #tpu.memory_space<hbm>>) dst(%dma_wait3A_364 : memref<128xi32, #tpu.memory_space<vmem>>)
      %iota3A = tpu.iota {dimensions = array<i32: 0>} : vector<16xi32>
      %get3A_366 = arith.constant 0 : index
      %get3A_367 = tpu.vector_load %arg11[%get3A_366] {strides = array<i32>} : memref<256xf32, #tpu.memory_space<vmem>>, vector<16xf32>,
      %get3A_368 = vector.shape_cast %get3A_367 : vector<16xf32> to vector<16xf32>
      %get3A_369 = arith.constant 0 : i32
      %get3A_370 = arith.index_cast %get3A_369 : i32 to index
      %get3A_371 = arith.constant 0 : index
      %get3A_372 = tpu.vector_load %arg10[%get3A_370, %get3A_371] {strides = array<i32>} : memref<2x128xi32, #tpu.memory_space<vmem>>, vector<1x16xi32>,
      %get3A_373 = vector.shape_cast %get3A_372 : vector<1x16xi32> to vector<16xi32>
      %gt3A = arith.constant 0.000000e+00 : f32
      %gt3A_374 = vector.broadcast %gt3A : f32 to vector<16xf32>
      %gt3A_375 = arith.cmpf ogt, %get3A_368, %gt3A_374 : vector<16xf32>
      %add3A_376 = arith.constant 10000 : i32
      %add3A_377 = vector.broadcast %add3A_376 : i32 to vector<16xi32>
      %add3A_378 = arith.addi %add3A_377, %iota3A : vector<16xi32>
      %select_n3A_379 = arith.select %gt3A_375, %get3A_373, %add3A_378 : vector<16xi1>, vector<16xi32>
      %swap3A_380 = arith.constant 0 : i32
      %swap3A_381 = arith.index_cast %swap3A_380 : i32 to index
      %swap3A_382 = arith.constant 0 : index
      %swap3A_383 = tpu.vector_load %arg10[%swap3A_381, %swap3A_382] {strides = array<i32>} : memref<2x128xi32, #tpu.memory_space<vmem>>, vector<1x16xi32>,
      %swap3A_384 = vector.shape_cast %swap3A_383 : vector<1x16xi32> to vector<16xi32>
      %swap3A_385 = vector.shape_cast %select_n3A_379 : vector<16xi32> to vector<1x16xi32>
      tpu.vector_store %arg10[%swap3A_381, %swap3A_382], %swap3A_385 {strides = array<i32>} : memref<2x128xi32, #tpu.memory_space<vmem>>, vector<1x16xi32>,
      %get3A_386 = arith.constant 16 : index
      %get3A_387 = tpu.vector_load %arg11[%get3A_386] {strides = array<i32>} : memref<256xf32, #tpu.memory_space<vmem>>, vector<16xf32>,
      %get3A_388 = vector.shape_cast %get3A_387 : vector<16xf32> to vector<16xf32>
      %get3A_389 = arith.constant 0 : i32
      %get3A_390 = arith.index_cast %get3A_389 : i32 to index
      %get3A_391 = arith.constant 16 : index
      %get3A_392 = tpu.vector_load %arg10[%get3A_390, %get3A_391] {strides = array<i32>} : memref<2x128xi32, #tpu.memory_space<vmem>>, vector<1x16xi32>,
      %get3A_393 = vector.shape_cast %get3A_392 : vector<1x16xi32> to vector<16xi32>
      %gt3A_394 = arith.constant 0.000000e+00 : f32
      %gt3A_395 = vector.broadcast %gt3A_394 : f32 to vector<16xf32>
      %gt3A_396 = arith.cmpf ogt, %get3A_388, %gt3A_395 : vector<16xf32>
      %add3A_397 = arith.constant 10016 : i32
      %add3A_398 = vector.broadcast %add3A_397 : i32 to vector<16xi32>
      %add3A_399 = arith.addi %add3A_398, %iota3A : vector<16xi32>
      %select_n3A_400 = arith.select %gt3A_396, %get3A_393, %add3A_399 : vector<16xi1>, vector<16xi32>
      %swap3A_401 = arith.constant 0 : i32
      %swap3A_402 = arith.index_cast %swap3A_401 : i32 to index
      %swap3A_403 = arith.constant 16 : index
      %swap3A_404 = tpu.vector_load %arg10[%swap3A_402, %swap3A_403] {strides = array<i32>} : memref<2x128xi32, #tpu.memory_space<vmem>>, vector<1x16xi32>,
      %swap3A_405 = vector.shape_cast %swap3A_404 : vector<1x16xi32> to vector<16xi32>
      %swap3A_406 = vector.shape_cast %select_n3A_400 : vector<16xi32> to vector<1x16xi32>
      tpu.vector_store %arg10[%swap3A_402, %swap3A_403], %swap3A_406 {strides = array<i32>} : memref<2x128xi32, #tpu.memory_space<vmem>>, vector<1x16xi32>,
      %get3A_407 = arith.constant 32 : index
      %get3A_408 = tpu.vector_load %arg11[%get3A_407] {strides = array<i32>} : memref<256xf32, #tpu.memory_space<vmem>>, vector<16xf32>,
      %get3A_409 = vector.shape_cast %get3A_408 : vector<16xf32> to vector<16xf32>
      %get3A_410 = arith.constant 0 : i32
      %get3A_411 = arith.index_cast %get3A_410 : i32 to index
      %get3A_412 = arith.constant 32 : index
      %get3A_413 = tpu.vector_load %arg10[%get3A_411, %get3A_412] {strides = array<i32>} : memref<2x128xi32, #tpu.memory_space<vmem>>, vector<1x16xi32>,
      %get3A_414 = vector.shape_cast %get3A_413 : vector<1x16xi32> to vector<16xi32>
      %gt3A_415 = arith.constant 0.000000e+00 : f32
      %gt3A_416 = vector.broadcast %gt3A_415 : f32 to vector<16xf32>
      %gt3A_417 = arith.cmpf ogt, %get3A_409, %gt3A_416 : vector<16xf32>
      %add3A_418 = arith.constant 10032 : i32
      %add3A_419 = vector.broadcast %add3A_418 : i32 to vector<16xi32>
      %add3A_420 = arith.addi %add3A_419, %iota3A : vector<16xi32>
      %select_n3A_421 = arith.select %gt3A_417, %get3A_414, %add3A_420 : vector<16xi1>, vector<16xi32>
      %swap3A_422 = arith.constant 0 : i32
      %swap3A_423 = arith.index_cast %swap3A_422 : i32 to index
      %swap3A_424 = arith.constant 32 : index
      %swap3A_425 = tpu.vector_load %arg10[%swap3A_423, %swap3A_424] {strides = array<i32>} : memref<2x128xi32, #tpu.memory_space<vmem>>, vector<1x16xi32>,
      %swap3A_426 = vector.shape_cast %swap3A_425 : vector<1x16xi32> to vector<16xi32>
      %swap3A_427 = vector.shape_cast %select_n3A_421 : vector<16xi32> to vector<1x16xi32>
      tpu.vector_store %arg10[%swap3A_423, %swap3A_424], %swap3A_427 {strides = array<i32>} : memref<2x128xi32, #tpu.memory_space<vmem>>, vector<1x16xi32>,
      %get3A_428 = arith.constant 48 : index
      %get3A_429 = tpu.vector_load %arg11[%get3A_428] {strides = array<i32>} : memref<256xf32, #tpu.memory_space<vmem>>, vector<16xf32>,
      %get3A_430 = vector.shape_cast %get3A_429 : vector<16xf32> to vector<16xf32>
      %get3A_431 = arith.constant 0 : i32
      %get3A_432 = arith.index_cast %get3A_431 : i32 to index
      %get3A_433 = arith.constant 48 : index
      %get3A_434 = tpu.vector_load %arg10[%get3A_432, %get3A_433] {strides = array<i32>} : memref<2x128xi32, #tpu.memory_space<vmem>>, vector<1x16xi32>,
      %get3A_435 = vector.shape_cast %get3A_434 : vector<1x16xi32> to vector<16xi32>
      %gt3A_436 = arith.constant 0.000000e+00 : f32
      %gt3A_437 = vector.broadcast %gt3A_436 : f32 to vector<16xf32>
      %gt3A_438 = arith.cmpf ogt, %get3A_430, %gt3A_437 : vector<16xf32>
      %add3A_439 = arith.constant 10048 : i32
      %add3A_440 = vector.broadcast %add3A_439 : i32 to vector<16xi32>
      %add3A_441 = arith.addi %add3A_440, %iota3A : vector<16xi32>
      %select_n3A_442 = arith.select %gt3A_438, %get3A_435, %add3A_441 : vector<16xi1>, vector<16xi32>
      %swap3A_443 = arith.constant 0 : i32
      %swap3A_444 = arith.index_cast %swap3A_443 : i32 to index
      %swap3A_445 = arith.constant 48 : index
      %swap3A_446 = tpu.vector_load %arg10[%swap3A_444, %swap3A_445] {strides = array<i32>} : memref<2x128xi32, #tpu.memory_space<vmem>>, vector<1x16xi32>,
      %swap3A_447 = vector.shape_cast %swap3A_446 : vector<1x16xi32> to vector<16xi32>
      %swap3A_448 = vector.shape_cast %select_n3A_442 : vector<16xi32> to vector<1x16xi32>
      tpu.vector_store %arg10[%swap3A_444, %swap3A_445], %swap3A_448 {strides = array<i32>} : memref<2x128xi32, #tpu.memory_space<vmem>>, vector<1x16xi32>,
      %get3A_449 = arith.constant 64 : index
      %get3A_450 = tpu.vector_load %arg11[%get3A_449] {strides = array<i32>} : memref<256xf32, #tpu.memory_space<vmem>>, vector<16xf32>,
      %get3A_451 = vector.shape_cast %get3A_450 : vector<16xf32> to vector<16xf32>
      %get3A_452 = arith.constant 0 : i32
      %get3A_453 = arith.index_cast %get3A_452 : i32 to index
      %get3A_454 = arith.constant 64 : index
      %get3A_455 = tpu.vector_load %arg10[%get3A_453, %get3A_454] {strides = array<i32>} : memref<2x128xi32, #tpu.memory_space<vmem>>, vector<1x16xi32>,
      %get3A_456 = vector.shape_cast %get3A_455 : vector<1x16xi32> to vector<16xi32>
      %gt3A_457 = arith.constant 0.000000e+00 : f32
      %gt3A_458 = vector.broadcast %gt3A_457 : f32 to vector<16xf32>
      %gt3A_459 = arith.cmpf ogt, %get3A_451, %gt3A_458 : vector<16xf32>
      %add3A_460 = arith.constant 10064 : i32
      %add3A_461 = vector.broadcast %add3A_460 : i32 to vector<16xi32>
      %add3A_462 = arith.addi %add3A_461, %iota3A : vector<16xi32>
      %select_n3A_463 = arith.select %gt3A_459, %get3A_456, %add3A_462 : vector<16xi1>, vector<16xi32>
      %swap3A_464 = arith.constant 0 : i32
      %swap3A_465 = arith.index_cast %swap3A_464 : i32 to index
      %swap3A_466 = arith.constant 64 : index
      %swap3A_467 = tpu.vector_load %arg10[%swap3A_465, %swap3A_466] {strides = array<i32>} : memref<2x128xi32, #tpu.memory_space<vmem>>, vector<1x16xi32>,
      %swap3A_468 = vector.shape_cast %swap3A_467 : vector<1x16xi32> to vector<16xi32>
      %swap3A_469 = vector.shape_cast %select_n3A_463 : vector<16xi32> to vector<1x16xi32>
      tpu.vector_store %arg10[%swap3A_465, %swap3A_466], %swap3A_469 {strides = array<i32>} : memref<2x128xi32, #tpu.memory_space<vmem>>, vector<1x16xi32>,
      %get3A_470 = arith.constant 80 : index
      %get3A_471 = tpu.vector_load %arg11[%get3A_470] {strides = array<i32>} : memref<256xf32, #tpu.memory_space<vmem>>, vector<16xf32>,
      %get3A_472 = vector.shape_cast %get3A_471 : vector<16xf32> to vector<16xf32>
      %get3A_473 = arith.constant 0 : i32
      %get3A_474 = arith.index_cast %get3A_473 : i32 to index
      %get3A_475 = arith.constant 80 : index
      %get3A_476 = tpu.vector_load %arg10[%get3A_474, %get3A_475] {strides = array<i32>} : memref<2x128xi32, #tpu.memory_space<vmem>>, vector<1x16xi32>,
      %get3A_477 = vector.shape_cast %get3A_476 : vector<1x16xi32> to vector<16xi32>
      %gt3A_478 = arith.constant 0.000000e+00 : f32
      %gt3A_479 = vector.broadcast %gt3A_478 : f32 to vector<16xf32>
      %gt3A_480 = arith.cmpf ogt, %get3A_472, %gt3A_479 : vector<16xf32>
      %add3A_481 = arith.constant 10080 : i32
      %add3A_482 = vector.broadcast %add3A_481 : i32 to vector<16xi32>
      %add3A_483 = arith.addi %add3A_482, %iota3A : vector<16xi32>
      %select_n3A_484 = arith.select %gt3A_480, %get3A_477, %add3A_483 : vector<16xi1>, vector<16xi32>
      %swap3A_485 = arith.constant 0 : i32
      %swap3A_486 = arith.index_cast %swap3A_485 : i32 to index
      %swap3A_487 = arith.constant 80 : index
      %swap3A_488 = tpu.vector_load %arg10[%swap3A_486, %swap3A_487] {strides = array<i32>} : memref<2x128xi32, #tpu.memory_space<vmem>>, vector<1x16xi32>,
      %swap3A_489 = vector.shape_cast %swap3A_488 : vector<1x16xi32> to vector<16xi32>
      %swap3A_490 = vector.shape_cast %select_n3A_484 : vector<16xi32> to vector<1x16xi32>
      tpu.vector_store %arg10[%swap3A_486, %swap3A_487], %swap3A_490 {strides = array<i32>} : memref<2x128xi32, #tpu.memory_space<vmem>>, vector<1x16xi32>,
      %get3A_491 = arith.constant 96 : index
      %get3A_492 = tpu.vector_load %arg11[%get3A_491] {strides = array<i32>} : memref<256xf32, #tpu.memory_space<vmem>>, vector<16xf32>,
      %get3A_493 = vector.shape_cast %get3A_492 : vector<16xf32> to vector<16xf32>
      %get3A_494 = arith.constant 0 : i32
      %get3A_495 = arith.index_cast %get3A_494 : i32 to index
      %get3A_496 = arith.constant 96 : index
      %get3A_497 = tpu.vector_load %arg10[%get3A_495, %get3A_496] {strides = array<i32>} : memref<2x128xi32, #tpu.memory_space<vmem>>, vector<1x16xi32>,
      %get3A_498 = vector.shape_cast %get3A_497 : vector<1x16xi32> to vector<16xi32>
      %gt3A_499 = arith.constant 0.000000e+00 : f32
      %gt3A_500 = vector.broadcast %gt3A_499 : f32 to vector<16xf32>
      %gt3A_501 = arith.cmpf ogt, %get3A_493, %gt3A_500 : vector<16xf32>
      %add3A_502 = arith.constant 10096 : i32
      %add3A_503 = vector.broadcast %add3A_502 : i32 to vector<16xi32>
      %add3A_504 = arith.addi %add3A_503, %iota3A : vector<16xi32>
      %select_n3A_505 = arith.select %gt3A_501, %get3A_498, %add3A_504 : vector<16xi1>, vector<16xi32>
      %swap3A_506 = arith.constant 0 : i32
      %swap3A_507 = arith.index_cast %swap3A_506 : i32 to index
      %swap3A_508 = arith.constant 96 : index
      %swap3A_509 = tpu.vector_load %arg10[%swap3A_507, %swap3A_508] {strides = array<i32>} : memref<2x128xi32, #tpu.memory_space<vmem>>, vector<1x16xi32>,
      %swap3A_510 = vector.shape_cast %swap3A_509 : vector<1x16xi32> to vector<16xi32>
      %swap3A_511 = vector.shape_cast %select_n3A_505 : vector<16xi32> to vector<1x16xi32>
      tpu.vector_store %arg10[%swap3A_507, %swap3A_508], %swap3A_511 {strides = array<i32>} : memref<2x128xi32, #tpu.memory_space<vmem>>, vector<1x16xi32>,
      %get3A_512 = arith.constant 112 : index
      %get3A_513 = tpu.vector_load %arg11[%get3A_512] {strides = array<i32>} : memref<256xf32, #tpu.memory_space<vmem>>, vector<16xf32>,
      %get3A_514 = vector.shape_cast %get3A_513 : vector<16xf32> to vector<16xf32>
      %get3A_515 = arith.constant 0 : i32
      %get3A_516 = arith.index_cast %get3A_515 : i32 to index
      %get3A_517 = arith.constant 112 : index
      %get3A_518 = tpu.vector_load %arg10[%get3A_516, %get3A_517] {strides = array<i32>} : memref<2x128xi32, #tpu.memory_space<vmem>>, vector<1x16xi32>,
      %get3A_519 = vector.shape_cast %get3A_518 : vector<1x16xi32> to vector<16xi32>
      %gt3A_520 = arith.constant 0.000000e+00 : f32
      %gt3A_521 = vector.broadcast %gt3A_520 : f32 to vector<16xf32>
      %gt3A_522 = arith.cmpf ogt, %get3A_514, %gt3A_521 : vector<16xf32>
      %add3A_523 = arith.constant 10112 : i32
      %add3A_524 = vector.broadcast %add3A_523 : i32 to vector<16xi32>
      %add3A_525 = arith.addi %add3A_524, %iota3A : vector<16xi32>
      %select_n3A_526 = arith.select %gt3A_522, %get3A_519, %add3A_525 : vector<16xi1>, vector<16xi32>
      %swap3A_527 = arith.constant 0 : i32
      %swap3A_528 = arith.index_cast %swap3A_527 : i32 to index
      %swap3A_529 = arith.constant 112 : index
      %swap3A_530 = tpu.vector_load %arg10[%swap3A_528, %swap3A_529] {strides = array<i32>} : memref<2x128xi32, #tpu.memory_space<vmem>>, vector<1x16xi32>,
      %swap3A_531 = vector.shape_cast %swap3A_530 : vector<1x16xi32> to vector<16xi32>
      %swap3A_532 = vector.shape_cast %select_n3A_526 : vector<16xi32> to vector<1x16xi32>
      tpu.vector_store %arg10[%swap3A_528, %swap3A_529], %swap3A_532 {strides = array<i32>} : memref<2x128xi32, #tpu.memory_space<vmem>>, vector<1x16xi32>,
      %get3A_533 = arith.constant 128 : index
      %get3A_534 = tpu.vector_load %arg11[%get3A_533] {strides = array<i32>} : memref<256xf32, #tpu.memory_space<vmem>>, vector<16xf32>,
      %get3A_535 = vector.shape_cast %get3A_534 : vector<16xf32> to vector<16xf32>
      %get3A_536 = arith.constant 1 : i32
      %get3A_537 = arith.index_cast %get3A_536 : i32 to index
      %get3A_538 = arith.constant 0 : index
      %get3A_539 = tpu.vector_load %arg10[%get3A_537, %get3A_538] {strides = array<i32>} : memref<2x128xi32, #tpu.memory_space<vmem>>, vector<1x16xi32>,
      %get3A_540 = vector.shape_cast %get3A_539 : vector<1x16xi32> to vector<16xi32>
      %gt3A_541 = arith.constant 0.000000e+00 : f32
      %gt3A_542 = vector.broadcast %gt3A_541 : f32 to vector<16xf32>
      %gt3A_543 = arith.cmpf ogt, %get3A_535, %gt3A_542 : vector<16xf32>
      %add3A_544 = arith.constant 10000 : i32
      %add3A_545 = vector.broadcast %add3A_544 : i32 to vector<16xi32>
      %add3A_546 = arith.addi %add3A_545, %iota3A : vector<16xi32>
      %select_n3A_547 = arith.select %gt3A_543, %get3A_540, %add3A_546 : vector<16xi1>, vector<16xi32>
      %swap3A_548 = arith.constant 1 : i32
      %swap3A_549 = arith.index_cast %swap3A_548 : i32 to index
      %swap3A_550 = arith.constant 0 : index
      %swap3A_551 = tpu.vector_load %arg10[%swap3A_549, %swap3A_550] {strides = array<i32>} : memref<2x128xi32, #tpu.memory_space<vmem>>, vector<1x16xi32>,
      %swap3A_552 = vector.shape_cast %swap3A_551 : vector<1x16xi32> to vector<16xi32>
      %swap3A_553 = vector.shape_cast %select_n3A_547 : vector<16xi32> to vector<1x16xi32>
      tpu.vector_store %arg10[%swap3A_549, %swap3A_550], %swap3A_553 {strides = array<i32>} : memref<2x128xi32, #tpu.memory_space<vmem>>, vector<1x16xi32>,
      %get3A_554 = arith.constant 144 : index
      %get3A_555 = tpu.vector_load %arg11[%get3A_554] {strides = array<i32>} : memref<256xf32, #tpu.memory_space<vmem>>, vector<16xf32>,
      %get3A_556 = vector.shape_cast %get3A_555 : vector<16xf32> to vector<16xf32>
      %get3A_557 = arith.constant 1 : i32
      %get3A_558 = arith.index_cast %get3A_557 : i32 to index
      %get3A_559 = arith.constant 16 : index
      %get3A_560 = tpu.vector_load %arg10[%get3A_558, %get3A_559] {strides = array<i32>} : memref<2x128xi32, #tpu.memory_space<vmem>>, vector<1x16xi32>,
      %get3A_561 = vector.shape_cast %get3A_560 : vector<1x16xi32> to vector<16xi32>
      %gt3A_562 = arith.constant 0.000000e+00 : f32
      %gt3A_563 = vector.broadcast %gt3A_562 : f32 to vector<16xf32>
      %gt3A_564 = arith.cmpf ogt, %get3A_556, %gt3A_563 : vector<16xf32>
      %add3A_565 = arith.constant 10016 : i32
      %add3A_566 = vector.broadcast %add3A_565 : i32 to vector<16xi32>
      %add3A_567 = arith.addi %add3A_566, %iota3A : vector<16xi32>
      %select_n3A_568 = arith.select %gt3A_564, %get3A_561, %add3A_567 : vector<16xi1>, vector<16xi32>
      %swap3A_569 = arith.constant 1 : i32
      %swap3A_570 = arith.index_cast %swap3A_569 : i32 to index
      %swap3A_571 = arith.constant 16 : index
      %swap3A_572 = tpu.vector_load %arg10[%swap3A_570, %swap3A_571] {strides = array<i32>} : memref<2x128xi32, #tpu.memory_space<vmem>>, vector<1x16xi32>,
      %swap3A_573 = vector.shape_cast %swap3A_572 : vector<1x16xi32> to vector<16xi32>
      %swap3A_574 = vector.shape_cast %select_n3A_568 : vector<16xi32> to vector<1x16xi32>
      tpu.vector_store %arg10[%swap3A_570, %swap3A_571], %swap3A_574 {strides = array<i32>} : memref<2x128xi32, #tpu.memory_space<vmem>>, vector<1x16xi32>,
      %get3A_575 = arith.constant 160 : index
      %get3A_576 = tpu.vector_load %arg11[%get3A_575] {strides = array<i32>} : memref<256xf32, #tpu.memory_space<vmem>>, vector<16xf32>,
      %get3A_577 = vector.shape_cast %get3A_576 : vector<16xf32> to vector<16xf32>
      %get3A_578 = arith.constant 1 : i32
      %get3A_579 = arith.index_cast %get3A_578 : i32 to index
      %get3A_580 = arith.constant 32 : index
      %get3A_581 = tpu.vector_load %arg10[%get3A_579, %get3A_580] {strides = array<i32>} : memref<2x128xi32, #tpu.memory_space<vmem>>, vector<1x16xi32>,
      %get3A_582 = vector.shape_cast %get3A_581 : vector<1x16xi32> to vector<16xi32>
      %gt3A_583 = arith.constant 0.000000e+00 : f32
      %gt3A_584 = vector.broadcast %gt3A_583 : f32 to vector<16xf32>
      %gt3A_585 = arith.cmpf ogt, %get3A_577, %gt3A_584 : vector<16xf32>
      %add3A_586 = arith.constant 10032 : i32
      %add3A_587 = vector.broadcast %add3A_586 : i32 to vector<16xi32>
      %add3A_588 = arith.addi %add3A_587, %iota3A : vector<16xi32>
      %select_n3A_589 = arith.select %gt3A_585, %get3A_582, %add3A_588 : vector<16xi1>, vector<16xi32>
      %swap3A_590 = arith.constant 1 : i32
      %swap3A_591 = arith.index_cast %swap3A_590 : i32 to index
      %swap3A_592 = arith.constant 32 : index
      %swap3A_593 = tpu.vector_load %arg10[%swap3A_591, %swap3A_592] {strides = array<i32>} : memref<2x128xi32, #tpu.memory_space<vmem>>, vector<1x16xi32>,
      %swap3A_594 = vector.shape_cast %swap3A_593 : vector<1x16xi32> to vector<16xi32>
      %swap3A_595 = vector.shape_cast %select_n3A_589 : vector<16xi32> to vector<1x16xi32>
      tpu.vector_store %arg10[%swap3A_591, %swap3A_592], %swap3A_595 {strides = array<i32>} : memref<2x128xi32, #tpu.memory_space<vmem>>, vector<1x16xi32>,
      %get3A_596 = arith.constant 176 : index
      %get3A_597 = tpu.vector_load %arg11[%get3A_596] {strides = array<i32>} : memref<256xf32, #tpu.memory_space<vmem>>, vector<16xf32>,
      %get3A_598 = vector.shape_cast %get3A_597 : vector<16xf32> to vector<16xf32>
      %get3A_599 = arith.constant 1 : i32
      %get3A_600 = arith.index_cast %get3A_599 : i32 to index
      %get3A_601 = arith.constant 48 : index
      %get3A_602 = tpu.vector_load %arg10[%get3A_600, %get3A_601] {strides = array<i32>} : memref<2x128xi32, #tpu.memory_space<vmem>>, vector<1x16xi32>,
      %get3A_603 = vector.shape_cast %get3A_602 : vector<1x16xi32> to vector<16xi32>
      %gt3A_604 = arith.constant 0.000000e+00 : f32
      %gt3A_605 = vector.broadcast %gt3A_604 : f32 to vector<16xf32>
      %gt3A_606 = arith.cmpf ogt, %get3A_598, %gt3A_605 : vector<16xf32>
      %add3A_607 = arith.constant 10048 : i32
      %add3A_608 = vector.broadcast %add3A_607 : i32 to vector<16xi32>
      %add3A_609 = arith.addi %add3A_608, %iota3A : vector<16xi32>
      %select_n3A_610 = arith.select %gt3A_606, %get3A_603, %add3A_609 : vector<16xi1>, vector<16xi32>
      %swap3A_611 = arith.constant 1 : i32
      %swap3A_612 = arith.index_cast %swap3A_611 : i32 to index
      %swap3A_613 = arith.constant 48 : index
      %swap3A_614 = tpu.vector_load %arg10[%swap3A_612, %swap3A_613] {strides = array<i32>} : memref<2x128xi32, #tpu.memory_space<vmem>>, vector<1x16xi32>,
      %swap3A_615 = vector.shape_cast %swap3A_614 : vector<1x16xi32> to vector<16xi32>
      %swap3A_616 = vector.shape_cast %select_n3A_610 : vector<16xi32> to vector<1x16xi32>
      tpu.vector_store %arg10[%swap3A_612, %swap3A_613], %swap3A_616 {strides = array<i32>} : memref<2x128xi32, #tpu.memory_space<vmem>>, vector<1x16xi32>,
      %get3A_617 = arith.constant 192 : index
      %get3A_618 = tpu.vector_load %arg11[%get3A_617] {strides = array<i32>} : memref<256xf32, #tpu.memory_space<vmem>>, vector<16xf32>,
      %get3A_619 = vector.shape_cast %get3A_618 : vector<16xf32> to vector<16xf32>
      %get3A_620 = arith.constant 1 : i32
      %get3A_621 = arith.index_cast %get3A_620 : i32 to index
      %get3A_622 = arith.constant 64 : index
      %get3A_623 = tpu.vector_load %arg10[%get3A_621, %get3A_622] {strides = array<i32>} : memref<2x128xi32, #tpu.memory_space<vmem>>, vector<1x16xi32>,
      %get3A_624 = vector.shape_cast %get3A_623 : vector<1x16xi32> to vector<16xi32>
      %gt3A_625 = arith.constant 0.000000e+00 : f32
      %gt3A_626 = vector.broadcast %gt3A_625 : f32 to vector<16xf32>
      %gt3A_627 = arith.cmpf ogt, %get3A_619, %gt3A_626 : vector<16xf32>
      %add3A_628 = arith.constant 10064 : i32
      %add3A_629 = vector.broadcast %add3A_628 : i32 to vector<16xi32>
      %add3A_630 = arith.addi %add3A_629, %iota3A : vector<16xi32>
      %select_n3A_631 = arith.select %gt3A_627, %get3A_624, %add3A_630 : vector<16xi1>, vector<16xi32>
      %swap3A_632 = arith.constant 1 : i32
      %swap3A_633 = arith.index_cast %swap3A_632 : i32 to index
      %swap3A_634 = arith.constant 64 : index
      %swap3A_635 = tpu.vector_load %arg10[%swap3A_633, %swap3A_634] {strides = array<i32>} : memref<2x128xi32, #tpu.memory_space<vmem>>, vector<1x16xi32>,
      %swap3A_636 = vector.shape_cast %swap3A_635 : vector<1x16xi32> to vector<16xi32>
      %swap3A_637 = vector.shape_cast %select_n3A_631 : vector<16xi32> to vector<1x16xi32>
      tpu.vector_store %arg10[%swap3A_633, %swap3A_634], %swap3A_637 {strides = array<i32>} : memref<2x128xi32, #tpu.memory_space<vmem>>, vector<1x16xi32>,
      %get3A_638 = arith.constant 208 : index
      %get3A_639 = tpu.vector_load %arg11[%get3A_638] {strides = array<i32>} : memref<256xf32, #tpu.memory_space<vmem>>, vector<16xf32>,
      %get3A_640 = vector.shape_cast %get3A_639 : vector<16xf32> to vector<16xf32>
      %get3A_641 = arith.constant 1 : i32
      %get3A_642 = arith.index_cast %get3A_641 : i32 to index
      %get3A_643 = arith.constant 80 : index
      %get3A_644 = tpu.vector_load %arg10[%get3A_642, %get3A_643] {strides = array<i32>} : memref<2x128xi32, #tpu.memory_space<vmem>>, vector<1x16xi32>,
      %get3A_645 = vector.shape_cast %get3A_644 : vector<1x16xi32> to vector<16xi32>
      %gt3A_646 = arith.constant 0.000000e+00 : f32
      %gt3A_647 = vector.broadcast %gt3A_646 : f32 to vector<16xf32>
      %gt3A_648 = arith.cmpf ogt, %get3A_640, %gt3A_647 : vector<16xf32>
      %add3A_649 = arith.constant 10080 : i32
      %add3A_650 = vector.broadcast %add3A_649 : i32 to vector<16xi32>
      %add3A_651 = arith.addi %add3A_650, %iota3A : vector<16xi32>
      %select_n3A_652 = arith.select %gt3A_648, %get3A_645, %add3A_651 : vector<16xi1>, vector<16xi32>
      %swap3A_653 = arith.constant 1 : i32
      %swap3A_654 = arith.index_cast %swap3A_653 : i32 to index
      %swap3A_655 = arith.constant 80 : index
      %swap3A_656 = tpu.vector_load %arg10[%swap3A_654, %swap3A_655] {strides = array<i32>} : memref<2x128xi32, #tpu.memory_space<vmem>>, vector<1x16xi32>,
      %swap3A_657 = vector.shape_cast %swap3A_656 : vector<1x16xi32> to vector<16xi32>
      %swap3A_658 = vector.shape_cast %select_n3A_652 : vector<16xi32> to vector<1x16xi32>
      tpu.vector_store %arg10[%swap3A_654, %swap3A_655], %swap3A_658 {strides = array<i32>} : memref<2x128xi32, #tpu.memory_space<vmem>>, vector<1x16xi32>,
      %get3A_659 = arith.constant 224 : index
      %get3A_660 = tpu.vector_load %arg11[%get3A_659] {strides = array<i32>} : memref<256xf32, #tpu.memory_space<vmem>>, vector<16xf32>,
      %get3A_661 = vector.shape_cast %get3A_660 : vector<16xf32> to vector<16xf32>
      %get3A_662 = arith.constant 1 : i32
      %get3A_663 = arith.index_cast %get3A_662 : i32 to index
      %get3A_664 = arith.constant 96 : index
      %get3A_665 = tpu.vector_load %arg10[%get3A_663, %get3A_664] {strides = array<i32>} : memref<2x128xi32, #tpu.memory_space<vmem>>, vector<1x16xi32>,
      %get3A_666 = vector.shape_cast %get3A_665 : vector<1x16xi32> to vector<16xi32>
      %gt3A_667 = arith.constant 0.000000e+00 : f32
      %gt3A_668 = vector.broadcast %gt3A_667 : f32 to vector<16xf32>
      %gt3A_669 = arith.cmpf ogt, %get3A_661, %gt3A_668 : vector<16xf32>
      %add3A_670 = arith.constant 10096 : i32
      %add3A_671 = vector.broadcast %add3A_670 : i32 to vector<16xi32>
      %add3A_672 = arith.addi %add3A_671, %iota3A : vector<16xi32>
      %select_n3A_673 = arith.select %gt3A_669, %get3A_666, %add3A_672 : vector<16xi1>, vector<16xi32>
      %swap3A_674 = arith.constant 1 : i32
      %swap3A_675 = arith.index_cast %swap3A_674 : i32 to index
      %swap3A_676 = arith.constant 96 : index
      %swap3A_677 = tpu.vector_load %arg10[%swap3A_675, %swap3A_676] {strides = array<i32>} : memref<2x128xi32, #tpu.memory_space<vmem>>, vector<1x16xi32>,
      %swap3A_678 = vector.shape_cast %swap3A_677 : vector<1x16xi32> to vector<16xi32>
      %swap3A_679 = vector.shape_cast %select_n3A_673 : vector<16xi32> to vector<1x16xi32>
      tpu.vector_store %arg10[%swap3A_675, %swap3A_676], %swap3A_679 {strides = array<i32>} : memref<2x128xi32, #tpu.memory_space<vmem>>, vector<1x16xi32>,
      %get3A_680 = arith.constant 240 : index
      %get3A_681 = tpu.vector_load %arg11[%get3A_680] {strides = array<i32>} : memref<256xf32, #tpu.memory_space<vmem>>, vector<16xf32>,
      %get3A_682 = vector.shape_cast %get3A_681 : vector<16xf32> to vector<16xf32>
      %get3A_683 = arith.constant 1 : i32
      %get3A_684 = arith.index_cast %get3A_683 : i32 to index
      %get3A_685 = arith.constant 112 : index
      %get3A_686 = tpu.vector_load %arg10[%get3A_684, %get3A_685] {strides = array<i32>} : memref<2x128xi32, #tpu.memory_space<vmem>>, vector<1x16xi32>,
      %get3A_687 = vector.shape_cast %get3A_686 : vector<1x16xi32> to vector<16xi32>
      %gt3A_688 = arith.constant 0.000000e+00 : f32
      %gt3A_689 = vector.broadcast %gt3A_688 : f32 to vector<16xf32>
      %gt3A_690 = arith.cmpf ogt, %get3A_682, %gt3A_689 : vector<16xf32>
      %add3A_691 = arith.constant 10112 : i32
      %add3A_692 = vector.broadcast %add3A_691 : i32 to vector<16xi32>
      %add3A_693 = arith.addi %add3A_692, %iota3A : vector<16xi32>
      %select_n3A_694 = arith.select %gt3A_690, %get3A_687, %add3A_693 : vector<16xi1>, vector<16xi32>
      %swap3A_695 = arith.constant 1 : i32
      %swap3A_696 = arith.index_cast %swap3A_695 : i32 to index
      %swap3A_697 = arith.constant 112 : index
      %swap3A_698 = tpu.vector_load %arg10[%swap3A_696, %swap3A_697] {strides = array<i32>} : memref<2x128xi32, #tpu.memory_space<vmem>>, vector<1x16xi32>,
      %swap3A_699 = vector.shape_cast %swap3A_698 : vector<1x16xi32> to vector<16xi32>
      %swap3A_700 = vector.shape_cast %select_n3A_694 : vector<16xi32> to vector<1x16xi32>
      tpu.vector_store %arg10[%swap3A_696, %swap3A_697], %swap3A_700 {strides = array<i32>} : memref<2x128xi32, #tpu.memory_space<vmem>>, vector<1x16xi32>,
      %dma_wait3A_701 = arith.constant 0 : i32
      %dma_wait3A_702 = arith.constant 0 : i32
      %dma_wait3A_703 = tpu.memref_slice %arg12[%dma_wait3A_701, %dma_wait3A_702] : memref<256x128xf32, #tpu.memory_space<vmem>> -> memref<128x128xf32, #tpu.memory_space<vmem>>
      %dma_wait3A_704 = arith.constant 0 : i32
      %dma_wait3A_705 = tpu.memref_slice %arg9[%dma_wait3A_704] : memref<256xi32, #tpu.memory_space<vmem>> -> memref<128xi32, #tpu.memory_space<vmem>>
      %dma_wait3A_706 = arith.constant 0 : i32
      %dma_wait3A_707 = arith.constant 0 : i32
      %dma_wait3A_708 = tpu.memref_slice %arg2[%dma_wait3A_706, %dma_wait3A_707] : memref<10000x128xf32, #tpu.memory_space<hbm>> -> memref<10000x128xf32, #tpu.memory_space<hbm>>
      tpu.wait_indirect_dma semaphore(%arg19 : memref<!tpu.dma_semaphore, #tpu.memory_space<semaphore_mem>>) src(%dma_wait3A_708 : memref<10000x128xf32, #tpu.memory_space<hbm>>) dst(%dma_wait3A_703 : memref<128x128xf32, #tpu.memory_space<vmem>>)
      %run_scoped3A = arith.constant 0 : i32
      "tpu.region"() ({
        %run_scoped3A_720 = tpu.sem_alloc : memref<!tpu.dma_semaphore, #tpu.memory_space<semaphore_mem>>
        %dma_start3A_721 = arith.constant 0 : i32
        %dma_start3A_722 = arith.constant 0 : i32
        %dma_start3A_723 = tpu.memref_slice %arg12[%dma_start3A_721, %dma_start3A_722] : memref<256x128xf32, #tpu.memory_space<vmem>> -> memref<128x128xf32, #tpu.memory_space<vmem>>
        %dma_start3A_724 = arith.constant 0 : i32
        %dma_start3A_725 = tpu.memref_slice %arg10[%run_scoped3A, %dma_start3A_724] : memref<2x128xi32, #tpu.memory_space<vmem>> -> memref<1x128xi32, #tpu.memory_space<vmem>>
        %dma_start3A_726 = tpu.memref_squeeze %dma_start3A_725 : memref<1x128xi32, #tpu.memory_space<vmem>> -> memref<128xi32, #tpu.memory_space<vmem>>
        %dma_start3A_727 = arith.constant 0 : i32
        %dma_start3A_728 = arith.constant 0 : i32
        %dma_start3A_729 = tpu.memref_slice %arg14[%dma_start3A_727, %dma_start3A_728] : memref<10240x128xf32, #tpu.memory_space<vmem_shared>> -> memref<10240x128xf32, #tpu.memory_space<vmem_shared>>
        tpu.enqueue_indirect_dma source(%dma_start3A_723 : memref<128x128xf32, #tpu.memory_space<vmem>>) target(%dma_start3A_729 : memref<10240x128xf32, #tpu.memory_space<vmem_shared>>) offsets(%dma_start3A_726 : memref<128xi32, #tpu.memory_space<vmem>>) semaphore(%run_scoped3A_720 : memref<!tpu.dma_semaphore, #tpu.memory_space<semaphore_mem>>) {add = true}
        %dma_wait3A_730 = arith.constant 0 : i32
        %dma_wait3A_731 = arith.constant 0 : i32
        %dma_wait3A_732 = tpu.memref_slice %arg12[%dma_wait3A_730, %dma_wait3A_731] : memref<256x128xf32, #tpu.memory_space<vmem>> -> memref<128x128xf32, #tpu.memory_space<vmem>>
        %dma_wait3A_733 = arith.constant 0 : i32
        %dma_wait3A_734 = tpu.memref_slice %arg10[%run_scoped3A, %dma_wait3A_733] : memref<2x128xi32, #tpu.memory_space<vmem>> -> memref<1x128xi32, #tpu.memory_space<vmem>>
        %dma_wait3A_735 = tpu.memref_squeeze %dma_wait3A_734 : memref<1x128xi32, #tpu.memory_space<vmem>> -> memref<128xi32, #tpu.memory_space<vmem>>
        %dma_wait3A_736 = arith.constant 0 : i32
        %dma_wait3A_737 = arith.constant 0 : i32
        %dma_wait3A_738 = tpu.memref_slice %arg14[%dma_wait3A_736, %dma_wait3A_737] : memref<10240x128xf32, #tpu.memory_space<vmem_shared>> -> memref<10240x128xf32, #tpu.memory_space<vmem_shared>>
        tpu.wait_indirect_dma semaphore(%run_scoped3A_720 : memref<!tpu.dma_semaphore, #tpu.memory_space<semaphore_mem>>) src(%dma_wait3A_732 : memref<128x128xf32, #tpu.memory_space<vmem>>) dst(%dma_wait3A_738 : memref<10240x128xf32, #tpu.memory_space<vmem_shared>>)
        tpu.yield
      }) : () -> ()
      %run_scoped3A_709 = arith.constant 0 : i32
      "tpu.region"() ({
        %run_scoped3A_720 = tpu.sem_alloc : memref<!tpu.dma_semaphore, #tpu.memory_space<semaphore_mem>>
        %dma_start3A_721 = arith.constant 0 : i32
        %dma_start3A_722 = tpu.memref_slice %arg11[%dma_start3A_721] : memref<256xf32, #tpu.memory_space<vmem>> -> memref<128xf32, #tpu.memory_space<vmem>>
        %dma_start3A_723 = arith.constant 0 : i32
        %dma_start3A_724 = tpu.memref_slice %arg10[%run_scoped3A_709, %dma_start3A_723] : memref<2x128xi32, #tpu.memory_space<vmem>> -> memref<1x128xi32, #tpu.memory_space<vmem>>
        %dma_start3A_725 = tpu.memref_squeeze %dma_start3A_724 : memref<1x128xi32, #tpu.memory_space<vmem>> -> memref<128xi32, #tpu.memory_space<vmem>>
        %dma_start3A_726 = arith.constant 0 : i32
        %dma_start3A_727 = tpu.memref_slice %arg15[%dma_start3A_726] : memref<10240xf32, #tpu.memory_space<vmem_shared>> -> memref<10240xf32, #tpu.memory_space<vmem_shared>>
        tpu.enqueue_indirect_dma source(%dma_start3A_722 : memref<128xf32, #tpu.memory_space<vmem>>) target(%dma_start3A_727 : memref<10240xf32, #tpu.memory_space<vmem_shared>>) offsets(%dma_start3A_725 : memref<128xi32, #tpu.memory_space<vmem>>) semaphore(%run_scoped3A_720 : memref<!tpu.dma_semaphore, #tpu.memory_space<semaphore_mem>>) {add = true}
        %dma_wait3A_728 = arith.constant 0 : i32
        %dma_wait3A_729 = tpu.memref_slice %arg11[%dma_wait3A_728] : memref<256xf32, #tpu.memory_space<vmem>> -> memref<128xf32, #tpu.memory_space<vmem>>
        %dma_wait3A_730 = arith.constant 0 : i32
        %dma_wait3A_731 = tpu.memref_slice %arg10[%run_scoped3A_709, %dma_wait3A_730] : memref<2x128xi32, #tpu.memory_space<vmem>> -> memref<1x128xi32, #tpu.memory_space<vmem>>
        %dma_wait3A_732 = tpu.memref_squeeze %dma_wait3A_731 : memref<1x128xi32, #tpu.memory_space<vmem>> -> memref<128xi32, #tpu.memory_space<vmem>>
        %dma_wait3A_733 = arith.constant 0 : i32
        %dma_wait3A_734 = tpu.memref_slice %arg15[%dma_wait3A_733] : memref<10240xf32, #tpu.memory_space<vmem_shared>> -> memref<10240xf32, #tpu.memory_space<vmem_shared>>
        tpu.wait_indirect_dma semaphore(%run_scoped3A_720 : memref<!tpu.dma_semaphore, #tpu.memory_space<semaphore_mem>>) src(%dma_wait3A_729 : memref<128xf32, #tpu.memory_space<vmem>>) dst(%dma_wait3A_734 : memref<10240xf32, #tpu.memory_space<vmem_shared>>)
        tpu.yield
      }) : () -> ()
      %dma_wait3A_710 = arith.constant 128 : i32
      %dma_wait3A_711 = arith.constant 0 : i32
      %dma_wait3A_712 = tpu.memref_slice %arg12[%dma_wait3A_710, %dma_wait3A_711] : memref<256x128xf32, #tpu.memory_space<vmem>> -> memref<128x128xf32, #tpu.memory_space<vmem>>
      %dma_wait3A_713 = arith.constant 128 : i32
      %dma_wait3A_714 = tpu.memref_slice %arg9[%dma_wait3A_713] : memref<256xi32, #tpu.memory_space<vmem>> -> memref<128xi32, #tpu.memory_space<vmem>>
      %dma_wait3A_715 = arith.constant 0 : i32
      %dma_wait3A_716 = arith.constant 0 : i32
      %dma_wait3A_717 = tpu.memref_slice %arg2[%dma_wait3A_715, %dma_wait3A_716] : memref<10000x128xf32, #tpu.memory_space<hbm>> -> memref<10000x128xf32, #tpu.memory_space<hbm>>
      tpu.wait_indirect_dma semaphore(%arg19 : memref<!tpu.dma_semaphore, #tpu.memory_space<semaphore_mem>>) src(%dma_wait3A_717 : memref<10000x128xf32, #tpu.memory_space<hbm>>) dst(%dma_wait3A_712 : memref<128x128xf32, #tpu.memory_space<vmem>>)
      %run_scoped3A_718 = arith.constant 1 : i32
      "tpu.region"() ({
        %run_scoped3A_720 = tpu.sem_alloc : memref<!tpu.dma_semaphore, #tpu.memory_space<semaphore_mem>>
        %dma_start3A_721 = arith.constant 128 : i32
        %dma_start3A_722 = arith.constant 0 : i32
        %dma_start3A_723 = tpu.memref_slice %arg12[%dma_start3A_721, %dma_start3A_722] : memref<256x128xf32, #tpu.memory_space<vmem>> -> memref<128x128xf32, #tpu.memory_space<vmem>>
        %dma_start3A_724 = arith.constant 0 : i32
        %dma_start3A_725 = tpu.memref_slice %arg10[%run_scoped3A_718, %dma_start3A_724] : memref<2x128xi32, #tpu.memory_space<vmem>> -> memref<1x128xi32, #tpu.memory_space<vmem>>
        %dma_start3A_726 = tpu.memref_squeeze %dma_start3A_725 : memref<1x128xi32, #tpu.memory_space<vmem>> -> memref<128xi32, #tpu.memory_space<vmem>>
        %dma_start3A_727 = arith.constant 0 : i32
        %dma_start3A_728 = arith.constant 0 : i32
        %dma_start3A_729 = tpu.memref_slice %arg14[%dma_start3A_727, %dma_start3A_728] : memref<10240x128xf32, #tpu.memory_space<vmem_shared>> -> memref<10240x128xf32, #tpu.memory_space<vmem_shared>>
        tpu.enqueue_indirect_dma source(%dma_start3A_723 : memref<128x128xf32, #tpu.memory_space<vmem>>) target(%dma_start3A_729 : memref<10240x128xf32, #tpu.memory_space<vmem_shared>>) offsets(%dma_start3A_726 : memref<128xi32, #tpu.memory_space<vmem>>) semaphore(%run_scoped3A_720 : memref<!tpu.dma_semaphore, #tpu.memory_space<semaphore_mem>>) {add = true}
        %dma_wait3A_730 = arith.constant 128 : i32
        %dma_wait3A_731 = arith.constant 0 : i32
        %dma_wait3A_732 = tpu.memref_slice %arg12[%dma_wait3A_730, %dma_wait3A_731] : memref<256x128xf32, #tpu.memory_space<vmem>> -> memref<128x128xf32, #tpu.memory_space<vmem>>
        %dma_wait3A_733 = arith.constant 0 : i32
        %dma_wait3A_734 = tpu.memref_slice %arg10[%run_scoped3A_718, %dma_wait3A_733] : memref<2x128xi32, #tpu.memory_space<vmem>> -> memref<1x128xi32, #tpu.memory_space<vmem>>
        %dma_wait3A_735 = tpu.memref_squeeze %dma_wait3A_734 : memref<1x128xi32, #tpu.memory_space<vmem>> -> memref<128xi32, #tpu.memory_space<vmem>>
        %dma_wait3A_736 = arith.constant 0 : i32
        %dma_wait3A_737 = arith.constant 0 : i32
        %dma_wait3A_738 = tpu.memref_slice %arg14[%dma_wait3A_736, %dma_wait3A_737] : memref<10240x128xf32, #tpu.memory_space<vmem_shared>> -> memref<10240x128xf32, #tpu.memory_space<vmem_shared>>
        tpu.wait_indirect_dma semaphore(%run_scoped3A_720 : memref<!tpu.dma_semaphore, #tpu.memory_space<semaphore_mem>>) src(%dma_wait3A_732 : memref<128x128xf32, #tpu.memory_space<vmem>>) dst(%dma_wait3A_738 : memref<10240x128xf32, #tpu.memory_space<vmem_shared>>)
        tpu.yield
      }) : () -> ()
      %run_scoped3A_719 = arith.constant 1 : i32
      "tpu.region"() ({
        %run_scoped3A_720 = tpu.sem_alloc : memref<!tpu.dma_semaphore, #tpu.memory_space<semaphore_mem>>
        %dma_start3A_721 = arith.constant 128 : i32
        %dma_start3A_722 = tpu.memref_slice %arg11[%dma_start3A_721] : memref<256xf32, #tpu.memory_space<vmem>> -> memref<128xf32, #tpu.memory_space<vmem>>
        %dma_start3A_723 = arith.constant 0 : i32
        %dma_start3A_724 = tpu.memref_slice %arg10[%run_scoped3A_719, %dma_start3A_723] : memref<2x128xi32, #tpu.memory_space<vmem>> -> memref<1x128xi32, #tpu.memory_space<vmem>>
        %dma_start3A_725 = tpu.memref_squeeze %dma_start3A_724 : memref<1x128xi32, #tpu.memory_space<vmem>> -> memref<128xi32, #tpu.memory_space<vmem>>
        %dma_start3A_726 = arith.constant 0 : i32
        %dma_start3A_727 = tpu.memref_slice %arg15[%dma_start3A_726] : memref<10240xf32, #tpu.memory_space<vmem_shared>> -> memref<10240xf32, #tpu.memory_space<vmem_shared>>
        tpu.enqueue_indirect_dma source(%dma_start3A_722 : memref<128xf32, #tpu.memory_space<vmem>>) target(%dma_start3A_727 : memref<10240xf32, #tpu.memory_space<vmem_shared>>) offsets(%dma_start3A_725 : memref<128xi32, #tpu.memory_space<vmem>>) semaphore(%run_scoped3A_720 : memref<!tpu.dma_semaphore, #tpu.memory_space<semaphore_mem>>) {add = true}
        %dma_wait3A_728 = arith.constant 128 : i32
        %dma_wait3A_729 = tpu.memref_slice %arg11[%dma_wait3A_728] : memref<256xf32, #tpu.memory_space<vmem>> -> memref<128xf32, #tpu.memory_space<vmem>>
        %dma_wait3A_730 = arith.constant 0 : i32
        %dma_wait3A_731 = tpu.memref_slice %arg10[%run_scoped3A_719, %dma_wait3A_730] : memref<2x128xi32, #tpu.memory_space<vmem>> -> memref<1x128xi32, #tpu.memory_space<vmem>>
        %dma_wait3A_732 = tpu.memref_squeeze %dma_wait3A_731 : memref<1x128xi32, #tpu.memory_space<vmem>> -> memref<128xi32, #tpu.memory_space<vmem>>
        %dma_wait3A_733 = arith.constant 0 : i32
        %dma_wait3A_734 = tpu.memref_slice %arg15[%dma_wait3A_733] : memref<10240xf32, #tpu.memory_space<vmem_shared>> -> memref<10240xf32, #tpu.memory_space<vmem_shared>>
        tpu.wait_indirect_dma semaphore(%run_scoped3A_720 : memref<!tpu.dma_semaphore, #tpu.memory_space<semaphore_mem>>) src(%dma_wait3A_729 : memref<128xf32, #tpu.memory_space<vmem>>) dst(%dma_wait3A_734 : memref<10240xf32, #tpu.memory_space<vmem_shared>>)
        tpu.yield
      }) : () -> ()
    }
    %while3A_282 = arith.constant 1 : i32
    scf.for %while3A_299 = %while3A_280 to %while3A_276 step %while3A_282  : i32 {
      %mul3A_300 = arith.constant 256 : i32
      %mul3A_301 = arith.muli %while3A_299, %mul3A_300 : i32
      %add3A_302 = arith.addi %multiple_of3A, %mul3A_301 : i32
      %multiple_of3A_303 = tpu.assume_multiple %add3A_302, 128 : i32
      %dma_start3A = tpu.memref_slice %arg3[%multiple_of3A_303] : memref<327680xi32, #tpu.memory_space<hbm>> -> memref<256xi32, #tpu.memory_space<hbm>>
      %dma_start3A_304 = tpu.memref_slice %arg3[%multiple_of3A_303] : memref<327680xi32, #tpu.memory_space<hbm>> -> memref<256xi32, #tpu.memory_space<hbm>>
      tpu.enqueue_dma source(%dma_start3A_304 : memref<256xi32, #tpu.memory_space<hbm>>) target(%arg9 : memref<256xi32, #tpu.memory_space<vmem>>) target_semaphore(%arg17 : memref<!tpu.dma_semaphore, #tpu.memory_space<semaphore_mem>>)
      %dma_start3A_305 = tpu.memref_slice %arg5[%multiple_of3A_303] : memref<327680xf32, #tpu.memory_space<hbm>> -> memref<256xf32, #tpu.memory_space<hbm>>
      %dma_start3A_306 = tpu.memref_slice %arg5[%multiple_of3A_303] : memref<327680xf32, #tpu.memory_space<hbm>> -> memref<256xf32, #tpu.memory_space<hbm>>
      tpu.enqueue_dma source(%dma_start3A_306 : memref<256xf32, #tpu.memory_space<hbm>>) target(%arg11 : memref<256xf32, #tpu.memory_space<vmem>>) target_semaphore(%arg18 : memref<!tpu.dma_semaphore, #tpu.memory_space<semaphore_mem>>)
      %add3A_307 = arith.constant 0 : i32
      %add3A_308 = arith.addi %multiple_of3A_303, %add3A_307 : i32
      %dma_start3A_309 = arith.constant 0 : i32
      %dma_start3A_310 = arith.constant 0 : i32
      %dma_start3A_311 = tpu.memref_slice %arg10[%dma_start3A_309, %dma_start3A_310] : memref<2x128xi32, #tpu.memory_space<vmem>> -> memref<1x128xi32, #tpu.memory_space<vmem>>
      %dma_start3A_312 = tpu.memref_squeeze %dma_start3A_311 : memref<1x128xi32, #tpu.memory_space<vmem>> -> memref<128xi32, #tpu.memory_space<vmem>>
      %dma_start3A_313 = tpu.memref_slice %arg4[%add3A_308] : memref<327680xi32, #tpu.memory_space<hbm>> -> memref<128xi32, #tpu.memory_space<hbm>>
      %dma_start3A_314 = arith.constant 0 : i32
      %dma_start3A_315 = tpu.memref_slice %arg10[%dma_start3A_309, %dma_start3A_314] : memref<2x128xi32, #tpu.memory_space<vmem>> -> memref<1x128xi32, #tpu.memory_space<vmem>>
      %dma_start3A_316 = tpu.memref_squeeze %dma_start3A_315 : memref<1x128xi32, #tpu.memory_space<vmem>> -> memref<128xi32, #tpu.memory_space<vmem>>
      %dma_start3A_317 = tpu.memref_slice %arg4[%add3A_308] : memref<327680xi32, #tpu.memory_space<hbm>> -> memref<128xi32, #tpu.memory_space<hbm>>
      tpu.enqueue_dma source(%dma_start3A_317 : memref<128xi32, #tpu.memory_space<hbm>>) target(%dma_start3A_316 : memref<128xi32, #tpu.memory_space<vmem>>) target_semaphore(%arg18 : memref<!tpu.dma_semaphore, #tpu.memory_space<semaphore_mem>>)
      %add3A_318 = arith.constant 128 : i32
      %add3A_319 = arith.addi %multiple_of3A_303, %add3A_318 : i32
      %dma_start3A_320 = arith.constant 1 : i32
      %dma_start3A_321 = arith.constant 0 : i32
      %dma_start3A_322 = tpu.memref_slice %arg10[%dma_start3A_320, %dma_start3A_321] : memref<2x128xi32, #tpu.memory_space<vmem>> -> memref<1x128xi32, #tpu.memory_space<vmem>>
      %dma_start3A_323 = tpu.memref_squeeze %dma_start3A_322 : memref<1x128xi32, #tpu.memory_space<vmem>> -> memref<128xi32, #tpu.memory_space<vmem>>
      %dma_start3A_324 = tpu.memref_slice %arg4[%add3A_319] : memref<327680xi32, #tpu.memory_space<hbm>> -> memref<128xi32, #tpu.memory_space<hbm>>
      %dma_start3A_325 = arith.constant 0 : i32
      %dma_start3A_326 = tpu.memref_slice %arg10[%dma_start3A_320, %dma_start3A_325] : memref<2x128xi32, #tpu.memory_space<vmem>> -> memref<1x128xi32, #tpu.memory_space<vmem>>
      %dma_start3A_327 = tpu.memref_squeeze %dma_start3A_326 : memref<1x128xi32, #tpu.memory_space<vmem>> -> memref<128xi32, #tpu.memory_space<vmem>>
      %dma_start3A_328 = tpu.memref_slice %arg4[%add3A_319] : memref<327680xi32, #tpu.memory_space<hbm>> -> memref<128xi32, #tpu.memory_space<hbm>>
      tpu.enqueue_dma source(%dma_start3A_328 : memref<128xi32, #tpu.memory_space<hbm>>) target(%dma_start3A_327 : memref<128xi32, #tpu.memory_space<vmem>>) target_semaphore(%arg18 : memref<!tpu.dma_semaphore, #tpu.memory_space<semaphore_mem>>)
      %dma_wait3A = tpu.memref_slice %arg3[%multiple_of3A_303] : memref<327680xi32, #tpu.memory_space<hbm>> -> memref<256xi32, #tpu.memory_space<hbm>>
      %dma_wait3A_329 = tpu.memref_slice %arg3[%multiple_of3A_303] : memref<327680xi32, #tpu.memory_space<hbm>> -> memref<256xi32, #tpu.memory_space<hbm>>
      tpu.wait_dma2 semaphore(%arg17 : memref<!tpu.dma_semaphore, #tpu.memory_space<semaphore_mem>>) src(%dma_wait3A_329 : memref<256xi32, #tpu.memory_space<hbm>>) dst(%arg9 : memref<256xi32, #tpu.memory_space<vmem>>)
      %dma_start3A_330 = arith.constant 0 : i32
      %dma_start3A_331 = arith.constant 0 : i32
      %dma_start3A_332 = tpu.memref_slice %arg12[%dma_start3A_330, %dma_start3A_331] : memref<256x128xf32, #tpu.memory_space<vmem>> -> memref<128x128xf32, #tpu.memory_space<vmem>>
      %dma_start3A_333 = arith.constant 0 : i32
      %dma_start3A_334 = tpu.memref_slice %arg9[%dma_start3A_333] : memref<256xi32, #tpu.memory_space<vmem>> -> memref<128xi32, #tpu.memory_space<vmem>>
      %dma_start3A_335 = arith.constant 0 : i32
      %dma_start3A_336 = arith.constant 0 : i32
      %dma_start3A_337 = tpu.memref_slice %arg2[%dma_start3A_335, %dma_start3A_336] : memref<10000x128xf32, #tpu.memory_space<hbm>> -> memref<10000x128xf32, #tpu.memory_space<hbm>>
      tpu.enqueue_indirect_dma source(%dma_start3A_337 : memref<10000x128xf32, #tpu.memory_space<hbm>>) target(%dma_start3A_332 : memref<128x128xf32, #tpu.memory_space<vmem>>) offsets(%dma_start3A_334 : memref<128xi32, #tpu.memory_space<vmem>>) semaphore(%arg19 : memref<!tpu.dma_semaphore, #tpu.memory_space<semaphore_mem>>)
      %dma_start3A_338 = arith.constant 128 : i32
      %dma_start3A_339 = arith.constant 0 : i32
      %dma_start3A_340 = tpu.memref_slice %arg12[%dma_start3A_338, %dma_start3A_339] : memref<256x128xf32, #tpu.memory_space<vmem>> -> memref<128x128xf32, #tpu.memory_space<vmem>>
      %dma_start3A_341 = arith.constant 128 : i32
      %dma_start3A_342 = tpu.memref_slice %arg9[%dma_start3A_341] : memref<256xi32, #tpu.memory_space<vmem>> -> memref<128xi32, #tpu.memory_space<vmem>>
      %dma_start3A_343 = arith.constant 0 : i32
      %dma_start3A_344 = arith.constant 0 : i32
      %dma_start3A_345 = tpu.memref_slice %arg2[%dma_start3A_343, %dma_start3A_344] : memref<10000x128xf32, #tpu.memory_space<hbm>> -> memref<10000x128xf32, #tpu.memory_space<hbm>>
      tpu.enqueue_indirect_dma source(%dma_start3A_345 : memref<10000x128xf32, #tpu.memory_space<hbm>>) target(%dma_start3A_340 : memref<128x128xf32, #tpu.memory_space<vmem>>) offsets(%dma_start3A_342 : memref<128xi32, #tpu.memory_space<vmem>>) semaphore(%arg19 : memref<!tpu.dma_semaphore, #tpu.memory_space<semaphore_mem>>)
      %dma_wait3A_346 = tpu.memref_slice %arg5[%multiple_of3A_303] : memref<327680xf32, #tpu.memory_space<hbm>> -> memref<256xf32, #tpu.memory_space<hbm>>
      %dma_wait3A_347 = tpu.memref_slice %arg5[%multiple_of3A_303] : memref<327680xf32, #tpu.memory_space<hbm>> -> memref<256xf32, #tpu.memory_space<hbm>>
      tpu.wait_dma2 semaphore(%arg18 : memref<!tpu.dma_semaphore, #tpu.memory_space<semaphore_mem>>) src(%dma_wait3A_347 : memref<256xf32, #tpu.memory_space<hbm>>) dst(%arg11 : memref<256xf32, #tpu.memory_space<vmem>>)
      %dma_wait3A_348 = arith.constant 0 : i32
      %dma_wait3A_349 = arith.constant 0 : i32
      %dma_wait3A_350 = tpu.memref_slice %arg10[%dma_wait3A_348, %dma_wait3A_349] : memref<2x128xi32, #tpu.memory_space<vmem>> -> memref<1x128xi32, #tpu.memory_space<vmem>>
      %dma_wait3A_351 = tpu.memref_squeeze %dma_wait3A_350 : memref<1x128xi32, #tpu.memory_space<vmem>> -> memref<128xi32, #tpu.memory_space<vmem>>
      %dma_wait3A_352 = tpu.memref_slice %arg4[%add3A_308] : memref<327680xi32, #tpu.memory_space<hbm>> -> memref<128xi32, #tpu.memory_space<hbm>>
      %dma_wait3A_353 = arith.constant 0 : i32
      %dma_wait3A_354 = tpu.memref_slice %arg10[%dma_wait3A_348, %dma_wait3A_353] : memref<2x128xi32, #tpu.memory_space<vmem>> -> memref<1x128xi32, #tpu.memory_space<vmem>>
      %dma_wait3A_355 = tpu.memref_squeeze %dma_wait3A_354 : memref<1x128xi32, #tpu.memory_space<vmem>> -> memref<128xi32, #tpu.memory_space<vmem>>
      %dma_wait3A_356 = tpu.memref_slice %arg4[%add3A_308] : memref<327680xi32, #tpu.memory_space<hbm>> -> memref<128xi32, #tpu.memory_space<hbm>>
      tpu.wait_dma2 semaphore(%arg18 : memref<!tpu.dma_semaphore, #tpu.memory_space<semaphore_mem>>) src(%dma_wait3A_356 : memref<128xi32, #tpu.memory_space<hbm>>) dst(%dma_wait3A_355 : memref<128xi32, #tpu.memory_space<vmem>>)
      %dma_wait3A_357 = arith.constant 1 : i32
      %dma_wait3A_358 = arith.constant 0 : i32
      %dma_wait3A_359 = tpu.memref_slice %arg10[%dma_wait3A_357, %dma_wait3A_358] : memref<2x128xi32, #tpu.memory_space<vmem>> -> memref<1x128xi32, #tpu.memory_space<vmem>>
      %dma_wait3A_360 = tpu.memref_squeeze %dma_wait3A_359 : memref<1x128xi32, #tpu.memory_space<vmem>> -> memref<128xi32, #tpu.memory_space<vmem>>
      %dma_wait3A_361 = tpu.memref_slice %arg4[%add3A_319] : memref<327680xi32, #tpu.memory_space<hbm>> -> memref<128xi32, #tpu.memory_space<hbm>>
      %dma_wait3A_362 = arith.constant 0 : i32
      %dma_wait3A_363 = tpu.memref_slice %arg10[%dma_wait3A_357, %dma_wait3A_362] : memref<2x128xi32, #tpu.memory_space<vmem>> -> memref<1x128xi32, #tpu.memory_space<vmem>>
      %dma_wait3A_364 = tpu.memref_squeeze %dma_wait3A_363 : memref<1x128xi32, #tpu.memory_space<vmem>> -> memref<128xi32, #tpu.memory_space<vmem>>
      %dma_wait3A_365 = tpu.memref_slice %arg4[%add3A_319] : memref<327680xi32, #tpu.memory_space<hbm>> -> memref<128xi32, #tpu.memory_space<hbm>>
      tpu.wait_dma2 semaphore(%arg18 : memref<!tpu.dma_semaphore, #tpu.memory_space<semaphore_mem>>) src(%dma_wait3A_365 : memref<128xi32, #tpu.memory_space<hbm>>) dst(%dma_wait3A_364 : memref<128xi32, #tpu.memory_space<vmem>>)
      %iota3A = tpu.iota {dimensions = array<i32: 0>} : vector<16xi32>
      %get3A_366 = arith.constant 0 : index
      %get3A_367 = tpu.vector_load %arg11[%get3A_366] {strides = array<i32>} : memref<256xf32, #tpu.memory_space<vmem>>, vector<16xf32>,
      %get3A_368 = vector.shape_cast %get3A_367 : vector<16xf32> to vector<16xf32>
      %get3A_369 = arith.constant 0 : i32
      %get3A_370 = arith.index_cast %get3A_369 : i32 to index
      %get3A_371 = arith.constant 0 : index
      %get3A_372 = tpu.vector_load %arg10[%get3A_370, %get3A_371] {strides = array<i32>} : memref<2x128xi32, #tpu.memory_space<vmem>>, vector<1x16xi32>,
      %get3A_373 = vector.shape_cast %get3A_372 : vector<1x16xi32> to vector<16xi32>
      %gt3A = arith.constant 0.000000e+00 : f32
      %gt3A_374 = vector.broadcast %gt3A : f32 to vector<16xf32>
      %gt3A_375 = arith.cmpf ogt, %get3A_368, %gt3A_374 : vector<16xf32>
      %add3A_376 = arith.constant 10000 : i32
      %add3A_377 = vector.broadcast %add3A_376 : i32 to vector<16xi32>
      %add3A_378 = arith.addi %add3A_377, %iota3A : vector<16xi32>
      %select_n3A_379 = arith.select %gt3A_375, %get3A_373, %add3A_378 : vector<16xi1>, vector<16xi32>
      %swap3A_380 = arith.constant 0 : i32
      %swap3A_381 = arith.index_cast %swap3A_380 : i32 to index
      %swap3A_382 = arith.constant 0 : index
      %swap3A_383 = tpu.vector_load %arg10[%swap3A_381, %swap3A_382] {strides = array<i32>} : memref<2x128xi32, #tpu.memory_space<vmem>>, vector<1x16xi32>,
      %swap3A_384 = vector.shape_cast %swap3A_383 : vector<1x16xi32> to vector<16xi32>
      %swap3A_385 = vector.shape_cast %select_n3A_379 : vector<16xi32> to vector<1x16xi32>
      tpu.vector_store %arg10[%swap3A_381, %swap3A_382], %swap3A_385 {strides = array<i32>} : memref<2x128xi32, #tpu.memory_space<vmem>>, vector<1x16xi32>,
      %get3A_386 = arith.constant 16 : index
      %get3A_387 = tpu.vector_load %arg11[%get3A_386] {strides = array<i32>} : memref<256xf32, #tpu.memory_space<vmem>>, vector<16xf32>,
      %get3A_388 = vector.shape_cast %get3A_387 : vector<16xf32> to vector<16xf32>
      %get3A_389 = arith.constant 0 : i32
      %get3A_390 = arith.index_cast %get3A_389 : i32 to index
      %get3A_391 = arith.constant 16 : index
      %get3A_392 = tpu.vector_load %arg10[%get3A_390, %get3A_391] {strides = array<i32>} : memref<2x128xi32, #tpu.memory_space<vmem>>, vector<1x16xi32>,
      %get3A_393 = vector.shape_cast %get3A_392 : vector<1x16xi32> to vector<16xi32>
      %gt3A_394 = arith.constant 0.000000e+00 : f32
      %gt3A_395 = vector.broadcast %gt3A_394 : f32 to vector<16xf32>
      %gt3A_396 = arith.cmpf ogt, %get3A_388, %gt3A_395 : vector<16xf32>
      %add3A_397 = arith.constant 10016 : i32
      %add3A_398 = vector.broadcast %add3A_397 : i32 to vector<16xi32>
      %add3A_399 = arith.addi %add3A_398, %iota3A : vector<16xi32>
      %select_n3A_400 = arith.select %gt3A_396, %get3A_393, %add3A_399 : vector<16xi1>, vector<16xi32>
      %swap3A_401 = arith.constant 0 : i32
      %swap3A_402 = arith.index_cast %swap3A_401 : i32 to index
      %swap3A_403 = arith.constant 16 : index
      %swap3A_404 = tpu.vector_load %arg10[%swap3A_402, %swap3A_403] {strides = array<i32>} : memref<2x128xi32, #tpu.memory_space<vmem>>, vector<1x16xi32>,
      %swap3A_405 = vector.shape_cast %swap3A_404 : vector<1x16xi32> to vector<16xi32>
      %swap3A_406 = vector.shape_cast %select_n3A_400 : vector<16xi32> to vector<1x16xi32>
      tpu.vector_store %arg10[%swap3A_402, %swap3A_403], %swap3A_406 {strides = array<i32>} : memref<2x128xi32, #tpu.memory_space<vmem>>, vector<1x16xi32>,
      %get3A_407 = arith.constant 32 : index
      %get3A_408 = tpu.vector_load %arg11[%get3A_407] {strides = array<i32>} : memref<256xf32, #tpu.memory_space<vmem>>, vector<16xf32>,
      %get3A_409 = vector.shape_cast %get3A_408 : vector<16xf32> to vector<16xf32>
      %get3A_410 = arith.constant 0 : i32
      %get3A_411 = arith.index_cast %get3A_410 : i32 to index
      %get3A_412 = arith.constant 32 : index
      %get3A_413 = tpu.vector_load %arg10[%get3A_411, %get3A_412] {strides = array<i32>} : memref<2x128xi32, #tpu.memory_space<vmem>>, vector<1x16xi32>,
      %get3A_414 = vector.shape_cast %get3A_413 : vector<1x16xi32> to vector<16xi32>
      %gt3A_415 = arith.constant 0.000000e+00 : f32
      %gt3A_416 = vector.broadcast %gt3A_415 : f32 to vector<16xf32>
      %gt3A_417 = arith.cmpf ogt, %get3A_409, %gt3A_416 : vector<16xf32>
      %add3A_418 = arith.constant 10032 : i32
      %add3A_419 = vector.broadcast %add3A_418 : i32 to vector<16xi32>
      %add3A_420 = arith.addi %add3A_419, %iota3A : vector<16xi32>
      %select_n3A_421 = arith.select %gt3A_417, %get3A_414, %add3A_420 : vector<16xi1>, vector<16xi32>
      %swap3A_422 = arith.constant 0 : i32
      %swap3A_423 = arith.index_cast %swap3A_422 : i32 to index
      %swap3A_424 = arith.constant 32 : index
      %swap3A_425 = tpu.vector_load %arg10[%swap3A_423, %swap3A_424] {strides = array<i32>} : memref<2x128xi32, #tpu.memory_space<vmem>>, vector<1x16xi32>,
      %swap3A_426 = vector.shape_cast %swap3A_425 : vector<1x16xi32> to vector<16xi32>
      %swap3A_427 = vector.shape_cast %select_n3A_421 : vector<16xi32> to vector<1x16xi32>
      tpu.vector_store %arg10[%swap3A_423, %swap3A_424], %swap3A_427 {strides = array<i32>} : memref<2x128xi32, #tpu.memory_space<vmem>>, vector<1x16xi32>,
      %get3A_428 = arith.constant 48 : index
      %get3A_429 = tpu.vector_load %arg11[%get3A_428] {strides = array<i32>} : memref<256xf32, #tpu.memory_space<vmem>>, vector<16xf32>,
      %get3A_430 = vector.shape_cast %get3A_429 : vector<16xf32> to vector<16xf32>
      %get3A_431 = arith.constant 0 : i32
      %get3A_432 = arith.index_cast %get3A_431 : i32 to index
      %get3A_433 = arith.constant 48 : index
      %get3A_434 = tpu.vector_load %arg10[%get3A_432, %get3A_433] {strides = array<i32>} : memref<2x128xi32, #tpu.memory_space<vmem>>, vector<1x16xi32>,
      %get3A_435 = vector.shape_cast %get3A_434 : vector<1x16xi32> to vector<16xi32>
      %gt3A_436 = arith.constant 0.000000e+00 : f32
      %gt3A_437 = vector.broadcast %gt3A_436 : f32 to vector<16xf32>
      %gt3A_438 = arith.cmpf ogt, %get3A_430, %gt3A_437 : vector<16xf32>
      %add3A_439 = arith.constant 10048 : i32
      %add3A_440 = vector.broadcast %add3A_439 : i32 to vector<16xi32>
      %add3A_441 = arith.addi %add3A_440, %iota3A : vector<16xi32>
      %select_n3A_442 = arith.select %gt3A_438, %get3A_435, %add3A_441 : vector<16xi1>, vector<16xi32>
      %swap3A_443 = arith.constant 0 : i32
      %swap3A_444 = arith.index_cast %swap3A_443 : i32 to index
      %swap3A_445 = arith.constant 48 : index
      %swap3A_446 = tpu.vector_load %arg10[%swap3A_444, %swap3A_445] {strides = array<i32>} : memref<2x128xi32, #tpu.memory_space<vmem>>, vector<1x16xi32>,
      %swap3A_447 = vector.shape_cast %swap3A_446 : vector<1x16xi32> to vector<16xi32>
      %swap3A_448 = vector.shape_cast %select_n3A_442 : vector<16xi32> to vector<1x16xi32>
      tpu.vector_store %arg10[%swap3A_444, %swap3A_445], %swap3A_448 {strides = array<i32>} : memref<2x128xi32, #tpu.memory_space<vmem>>, vector<1x16xi32>,
      %get3A_449 = arith.constant 64 : index
      %get3A_450 = tpu.vector_load %arg11[%get3A_449] {strides = array<i32>} : memref<256xf32, #tpu.memory_space<vmem>>, vector<16xf32>,
      %get3A_451 = vector.shape_cast %get3A_450 : vector<16xf32> to vector<16xf32>
      %get3A_452 = arith.constant 0 : i32
      %get3A_453 = arith.index_cast %get3A_452 : i32 to index
      %get3A_454 = arith.constant 64 : index
      %get3A_455 = tpu.vector_load %arg10[%get3A_453, %get3A_454] {strides = array<i32>} : memref<2x128xi32, #tpu.memory_space<vmem>>, vector<1x16xi32>,
      %get3A_456 = vector.shape_cast %get3A_455 : vector<1x16xi32> to vector<16xi32>
      %gt3A_457 = arith.constant 0.000000e+00 : f32
      %gt3A_458 = vector.broadcast %gt3A_457 : f32 to vector<16xf32>
      %gt3A_459 = arith.cmpf ogt, %get3A_451, %gt3A_458 : vector<16xf32>
      %add3A_460 = arith.constant 10064 : i32
      %add3A_461 = vector.broadcast %add3A_460 : i32 to vector<16xi32>
      %add3A_462 = arith.addi %add3A_461, %iota3A : vector<16xi32>
      %select_n3A_463 = arith.select %gt3A_459, %get3A_456, %add3A_462 : vector<16xi1>, vector<16xi32>
      %swap3A_464 = arith.constant 0 : i32
      %swap3A_465 = arith.index_cast %swap3A_464 : i32 to index
      %swap3A_466 = arith.constant 64 : index
      %swap3A_467 = tpu.vector_load %arg10[%swap3A_465, %swap3A_466] {strides = array<i32>} : memref<2x128xi32, #tpu.memory_space<vmem>>, vector<1x16xi32>,
      %swap3A_468 = vector.shape_cast %swap3A_467 : vector<1x16xi32> to vector<16xi32>
      %swap3A_469 = vector.shape_cast %select_n3A_463 : vector<16xi32> to vector<1x16xi32>
      tpu.vector_store %arg10[%swap3A_465, %swap3A_466], %swap3A_469 {strides = array<i32>} : memref<2x128xi32, #tpu.memory_space<vmem>>, vector<1x16xi32>,
      %get3A_470 = arith.constant 80 : index
      %get3A_471 = tpu.vector_load %arg11[%get3A_470] {strides = array<i32>} : memref<256xf32, #tpu.memory_space<vmem>>, vector<16xf32>,
      %get3A_472 = vector.shape_cast %get3A_471 : vector<16xf32> to vector<16xf32>
      %get3A_473 = arith.constant 0 : i32
      %get3A_474 = arith.index_cast %get3A_473 : i32 to index
      %get3A_475 = arith.constant 80 : index
      %get3A_476 = tpu.vector_load %arg10[%get3A_474, %get3A_475] {strides = array<i32>} : memref<2x128xi32, #tpu.memory_space<vmem>>, vector<1x16xi32>,
      %get3A_477 = vector.shape_cast %get3A_476 : vector<1x16xi32> to vector<16xi32>
      %gt3A_478 = arith.constant 0.000000e+00 : f32
      %gt3A_479 = vector.broadcast %gt3A_478 : f32 to vector<16xf32>
      %gt3A_480 = arith.cmpf ogt, %get3A_472, %gt3A_479 : vector<16xf32>
      %add3A_481 = arith.constant 10080 : i32
      %add3A_482 = vector.broadcast %add3A_481 : i32 to vector<16xi32>
      %add3A_483 = arith.addi %add3A_482, %iota3A : vector<16xi32>
      %select_n3A_484 = arith.select %gt3A_480, %get3A_477, %add3A_483 : vector<16xi1>, vector<16xi32>
      %swap3A_485 = arith.constant 0 : i32
      %swap3A_486 = arith.index_cast %swap3A_485 : i32 to index
      %swap3A_487 = arith.constant 80 : index
      %swap3A_488 = tpu.vector_load %arg10[%swap3A_486, %swap3A_487] {strides = array<i32>} : memref<2x128xi32, #tpu.memory_space<vmem>>, vector<1x16xi32>,
      %swap3A_489 = vector.shape_cast %swap3A_488 : vector<1x16xi32> to vector<16xi32>
      %swap3A_490 = vector.shape_cast %select_n3A_484 : vector<16xi32> to vector<1x16xi32>
      tpu.vector_store %arg10[%swap3A_486, %swap3A_487], %swap3A_490 {strides = array<i32>} : memref<2x128xi32, #tpu.memory_space<vmem>>, vector<1x16xi32>,
      %get3A_491 = arith.constant 96 : index
      %get3A_492 = tpu.vector_load %arg11[%get3A_491] {strides = array<i32>} : memref<256xf32, #tpu.memory_space<vmem>>, vector<16xf32>,
      %get3A_493 = vector.shape_cast %get3A_492 : vector<16xf32> to vector<16xf32>
      %get3A_494 = arith.constant 0 : i32
      %get3A_495 = arith.index_cast %get3A_494 : i32 to index
      %get3A_496 = arith.constant 96 : index
      %get3A_497 = tpu.vector_load %arg10[%get3A_495, %get3A_496] {strides = array<i32>} : memref<2x128xi32, #tpu.memory_space<vmem>>, vector<1x16xi32>,
      %get3A_498 = vector.shape_cast %get3A_497 : vector<1x16xi32> to vector<16xi32>
      %gt3A_499 = arith.constant 0.000000e+00 : f32
      %gt3A_500 = vector.broadcast %gt3A_499 : f32 to vector<16xf32>
      %gt3A_501 = arith.cmpf ogt, %get3A_493, %gt3A_500 : vector<16xf32>
      %add3A_502 = arith.constant 10096 : i32
      %add3A_503 = vector.broadcast %add3A_502 : i32 to vector<16xi32>
      %add3A_504 = arith.addi %add3A_503, %iota3A : vector<16xi32>
      %select_n3A_505 = arith.select %gt3A_501, %get3A_498, %add3A_504 : vector<16xi1>, vector<16xi32>
      %swap3A_506 = arith.constant 0 : i32
      %swap3A_507 = arith.index_cast %swap3A_506 : i32 to index
      %swap3A_508 = arith.constant 96 : index
      %swap3A_509 = tpu.vector_load %arg10[%swap3A_507, %swap3A_508] {strides = array<i32>} : memref<2x128xi32, #tpu.memory_space<vmem>>, vector<1x16xi32>,
      %swap3A_510 = vector.shape_cast %swap3A_509 : vector<1x16xi32> to vector<16xi32>
      %swap3A_511 = vector.shape_cast %select_n3A_505 : vector<16xi32> to vector<1x16xi32>
      tpu.vector_store %arg10[%swap3A_507, %swap3A_508], %swap3A_511 {strides = array<i32>} : memref<2x128xi32, #tpu.memory_space<vmem>>, vector<1x16xi32>,
      %get3A_512 = arith.constant 112 : index
      %get3A_513 = tpu.vector_load %arg11[%get3A_512] {strides = array<i32>} : memref<256xf32, #tpu.memory_space<vmem>>, vector<16xf32>,
      %get3A_514 = vector.shape_cast %get3A_513 : vector<16xf32> to vector<16xf32>
      %get3A_515 = arith.constant 0 : i32
      %get3A_516 = arith.index_cast %get3A_515 : i32 to index
      %get3A_517 = arith.constant 112 : index
      %get3A_518 = tpu.vector_load %arg10[%get3A_516, %get3A_517] {strides = array<i32>} : memref<2x128xi32, #tpu.memory_space<vmem>>, vector<1x16xi32>,
      %get3A_519 = vector.shape_cast %get3A_518 : vector<1x16xi32> to vector<16xi32>
      %gt3A_520 = arith.constant 0.000000e+00 : f32
      %gt3A_521 = vector.broadcast %gt3A_520 : f32 to vector<16xf32>
      %gt3A_522 = arith.cmpf ogt, %get3A_514, %gt3A_521 : vector<16xf32>
      %add3A_523 = arith.constant 10112 : i32
      %add3A_524 = vector.broadcast %add3A_523 : i32 to vector<16xi32>
      %add3A_525 = arith.addi %add3A_524, %iota3A : vector<16xi32>
      %select_n3A_526 = arith.select %gt3A_522, %get3A_519, %add3A_525 : vector<16xi1>, vector<16xi32>
      %swap3A_527 = arith.constant 0 : i32
      %swap3A_528 = arith.index_cast %swap3A_527 : i32 to index
      %swap3A_529 = arith.constant 112 : index
      %swap3A_530 = tpu.vector_load %arg10[%swap3A_528, %swap3A_529] {strides = array<i32>} : memref<2x128xi32, #tpu.memory_space<vmem>>, vector<1x16xi32>,
      %swap3A_531 = vector.shape_cast %swap3A_530 : vector<1x16xi32> to vector<16xi32>
      %swap3A_532 = vector.shape_cast %select_n3A_526 : vector<16xi32> to vector<1x16xi32>
      tpu.vector_store %arg10[%swap3A_528, %swap3A_529], %swap3A_532 {strides = array<i32>} : memref<2x128xi32, #tpu.memory_space<vmem>>, vector<1x16xi32>,
      %get3A_533 = arith.constant 128 : index
      %get3A_534 = tpu.vector_load %arg11[%get3A_533] {strides = array<i32>} : memref<256xf32, #tpu.memory_space<vmem>>, vector<16xf32>,
      %get3A_535 = vector.shape_cast %get3A_534 : vector<16xf32> to vector<16xf32>
      %get3A_536 = arith.constant 1 : i32
      %get3A_537 = arith.index_cast %get3A_536 : i32 to index
      %get3A_538 = arith.constant 0 : index
      %get3A_539 = tpu.vector_load %arg10[%get3A_537, %get3A_538] {strides = array<i32>} : memref<2x128xi32, #tpu.memory_space<vmem>>, vector<1x16xi32>,
      %get3A_540 = vector.shape_cast %get3A_539 : vector<1x16xi32> to vector<16xi32>
      %gt3A_541 = arith.constant 0.000000e+00 : f32
      %gt3A_542 = vector.broadcast %gt3A_541 : f32 to vector<16xf32>
      %gt3A_543 = arith.cmpf ogt, %get3A_535, %gt3A_542 : vector<16xf32>
      %add3A_544 = arith.constant 10000 : i32
      %add3A_545 = vector.broadcast %add3A_544 : i32 to vector<16xi32>
      %add3A_546 = arith.addi %add3A_545, %iota3A : vector<16xi32>
      %select_n3A_547 = arith.select %gt3A_543, %get3A_540, %add3A_546 : vector<16xi1>, vector<16xi32>
      %swap3A_548 = arith.constant 1 : i32
      %swap3A_549 = arith.index_cast %swap3A_548 : i32 to index
      %swap3A_550 = arith.constant 0 : index
      %swap3A_551 = tpu.vector_load %arg10[%swap3A_549, %swap3A_550] {strides = array<i32>} : memref<2x128xi32, #tpu.memory_space<vmem>>, vector<1x16xi32>,
      %swap3A_552 = vector.shape_cast %swap3A_551 : vector<1x16xi32> to vector<16xi32>
      %swap3A_553 = vector.shape_cast %select_n3A_547 : vector<16xi32> to vector<1x16xi32>
      tpu.vector_store %arg10[%swap3A_549, %swap3A_550], %swap3A_553 {strides = array<i32>} : memref<2x128xi32, #tpu.memory_space<vmem>>, vector<1x16xi32>,
      %get3A_554 = arith.constant 144 : index
      %get3A_555 = tpu.vector_load %arg11[%get3A_554] {strides = array<i32>} : memref<256xf32, #tpu.memory_space<vmem>>, vector<16xf32>,
      %get3A_556 = vector.shape_cast %get3A_555 : vector<16xf32> to vector<16xf32>
      %get3A_557 = arith.constant 1 : i32
      %get3A_558 = arith.index_cast %get3A_557 : i32 to index
      %get3A_559 = arith.constant 16 : index
      %get3A_560 = tpu.vector_load %arg10[%get3A_558, %get3A_559] {strides = array<i32>} : memref<2x128xi32, #tpu.memory_space<vmem>>, vector<1x16xi32>,
      %get3A_561 = vector.shape_cast %get3A_560 : vector<1x16xi32> to vector<16xi32>
      %gt3A_562 = arith.constant 0.000000e+00 : f32
      %gt3A_563 = vector.broadcast %gt3A_562 : f32 to vector<16xf32>
      %gt3A_564 = arith.cmpf ogt, %get3A_556, %gt3A_563 : vector<16xf32>
      %add3A_565 = arith.constant 10016 : i32
      %add3A_566 = vector.broadcast %add3A_565 : i32 to vector<16xi32>
      %add3A_567 = arith.addi %add3A_566, %iota3A : vector<16xi32>
      %select_n3A_568 = arith.select %gt3A_564, %get3A_561, %add3A_567 : vector<16xi1>, vector<16xi32>
      %swap3A_569 = arith.constant 1 : i32
      %swap3A_570 = arith.index_cast %swap3A_569 : i32 to index
      %swap3A_571 = arith.constant 16 : index
      %swap3A_572 = tpu.vector_load %arg10[%swap3A_570, %swap3A_571] {strides = array<i32>} : memref<2x128xi32, #tpu.memory_space<vmem>>, vector<1x16xi32>,
      %swap3A_573 = vector.shape_cast %swap3A_572 : vector<1x16xi32> to vector<16xi32>
      %swap3A_574 = vector.shape_cast %select_n3A_568 : vector<16xi32> to vector<1x16xi32>
      tpu.vector_store %arg10[%swap3A_570, %swap3A_571], %swap3A_574 {strides = array<i32>} : memref<2x128xi32, #tpu.memory_space<vmem>>, vector<1x16xi32>,
      %get3A_575 = arith.constant 160 : index
      %get3A_576 = tpu.vector_load %arg11[%get3A_575] {strides = array<i32>} : memref<256xf32, #tpu.memory_space<vmem>>, vector<16xf32>,
      %get3A_577 = vector.shape_cast %get3A_576 : vector<16xf32> to vector<16xf32>
      %get3A_578 = arith.constant 1 : i32
      %get3A_579 = arith.index_cast %get3A_578 : i32 to index
      %get3A_580 = arith.constant 32 : index
      %get3A_581 = tpu.vector_load %arg10[%get3A_579, %get3A_580] {strides = array<i32>} : memref<2x128xi32, #tpu.memory_space<vmem>>, vector<1x16xi32>,
      %get3A_582 = vector.shape_cast %get3A_581 : vector<1x16xi32> to vector<16xi32>
      %gt3A_583 = arith.constant 0.000000e+00 : f32
      %gt3A_584 = vector.broadcast %gt3A_583 : f32 to vector<16xf32>
      %gt3A_585 = arith.cmpf ogt, %get3A_577, %gt3A_584 : vector<16xf32>
      %add3A_586 = arith.constant 10032 : i32
      %add3A_587 = vector.broadcast %add3A_586 : i32 to vector<16xi32>
      %add3A_588 = arith.addi %add3A_587, %iota3A : vector<16xi32>
      %select_n3A_589 = arith.select %gt3A_585, %get3A_582, %add3A_588 : vector<16xi1>, vector<16xi32>
      %swap3A_590 = arith.constant 1 : i32
      %swap3A_591 = arith.index_cast %swap3A_590 : i32 to index
      %swap3A_592 = arith.constant 32 : index
      %swap3A_593 = tpu.vector_load %arg10[%swap3A_591, %swap3A_592] {strides = array<i32>} : memref<2x128xi32, #tpu.memory_space<vmem>>, vector<1x16xi32>,
      %swap3A_594 = vector.shape_cast %swap3A_593 : vector<1x16xi32> to vector<16xi32>
      %swap3A_595 = vector.shape_cast %select_n3A_589 : vector<16xi32> to vector<1x16xi32>
      tpu.vector_store %arg10[%swap3A_591, %swap3A_592], %swap3A_595 {strides = array<i32>} : memref<2x128xi32, #tpu.memory_space<vmem>>, vector<1x16xi32>,
      %get3A_596 = arith.constant 176 : index
      %get3A_597 = tpu.vector_load %arg11[%get3A_596] {strides = array<i32>} : memref<256xf32, #tpu.memory_space<vmem>>, vector<16xf32>,
      %get3A_598 = vector.shape_cast %get3A_597 : vector<16xf32> to vector<16xf32>
      %get3A_599 = arith.constant 1 : i32
      %get3A_600 = arith.index_cast %get3A_599 : i32 to index
      %get3A_601 = arith.constant 48 : index
      %get3A_602 = tpu.vector_load %arg10[%get3A_600, %get3A_601] {strides = array<i32>} : memref<2x128xi32, #tpu.memory_space<vmem>>, vector<1x16xi32>,
      %get3A_603 = vector.shape_cast %get3A_602 : vector<1x16xi32> to vector<16xi32>
      %gt3A_604 = arith.constant 0.000000e+00 : f32
      %gt3A_605 = vector.broadcast %gt3A_604 : f32 to vector<16xf32>
      %gt3A_606 = arith.cmpf ogt, %get3A_598, %gt3A_605 : vector<16xf32>
      %add3A_607 = arith.constant 10048 : i32
      %add3A_608 = vector.broadcast %add3A_607 : i32 to vector<16xi32>
      %add3A_609 = arith.addi %add3A_608, %iota3A : vector<16xi32>
      %select_n3A_610 = arith.select %gt3A_606, %get3A_603, %add3A_609 : vector<16xi1>, vector<16xi32>
      %swap3A_611 = arith.constant 1 : i32
      %swap3A_612 = arith.index_cast %swap3A_611 : i32 to index
      %swap3A_613 = arith.constant 48 : index
      %swap3A_614 = tpu.vector_load %arg10[%swap3A_612, %swap3A_613] {strides = array<i32>} : memref<2x128xi32, #tpu.memory_space<vmem>>, vector<1x16xi32>,
      %swap3A_615 = vector.shape_cast %swap3A_614 : vector<1x16xi32> to vector<16xi32>
      %swap3A_616 = vector.shape_cast %select_n3A_610 : vector<16xi32> to vector<1x16xi32>
      tpu.vector_store %arg10[%swap3A_612, %swap3A_613], %swap3A_616 {strides = array<i32>} : memref<2x128xi32, #tpu.memory_space<vmem>>, vector<1x16xi32>,
      %get3A_617 = arith.constant 192 : index
      %get3A_618 = tpu.vector_load %arg11[%get3A_617] {strides = array<i32>} : memref<256xf32, #tpu.memory_space<vmem>>, vector<16xf32>,
      %get3A_619 = vector.shape_cast %get3A_618 : vector<16xf32> to vector<16xf32>
      %get3A_620 = arith.constant 1 : i32
      %get3A_621 = arith.index_cast %get3A_620 : i32 to index
      %get3A_622 = arith.constant 64 : index
      %get3A_623 = tpu.vector_load %arg10[%get3A_621, %get3A_622] {strides = array<i32>} : memref<2x128xi32, #tpu.memory_space<vmem>>, vector<1x16xi32>,
      %get3A_624 = vector.shape_cast %get3A_623 : vector<1x16xi32> to vector<16xi32>
      %gt3A_625 = arith.constant 0.000000e+00 : f32
      %gt3A_626 = vector.broadcast %gt3A_625 : f32 to vector<16xf32>
      %gt3A_627 = arith.cmpf ogt, %get3A_619, %gt3A_626 : vector<16xf32>
      %add3A_628 = arith.constant 10064 : i32
      %add3A_629 = vector.broadcast %add3A_628 : i32 to vector<16xi32>
      %add3A_630 = arith.addi %add3A_629, %iota3A : vector<16xi32>
      %select_n3A_631 = arith.select %gt3A_627, %get3A_624, %add3A_630 : vector<16xi1>, vector<16xi32>
      %swap3A_632 = arith.constant 1 : i32
      %swap3A_633 = arith.index_cast %swap3A_632 : i32 to index
      %swap3A_634 = arith.constant 64 : index
      %swap3A_635 = tpu.vector_load %arg10[%swap3A_633, %swap3A_634] {strides = array<i32>} : memref<2x128xi32, #tpu.memory_space<vmem>>, vector<1x16xi32>,
      %swap3A_636 = vector.shape_cast %swap3A_635 : vector<1x16xi32> to vector<16xi32>
      %swap3A_637 = vector.shape_cast %select_n3A_631 : vector<16xi32> to vector<1x16xi32>
      tpu.vector_store %arg10[%swap3A_633, %swap3A_634], %swap3A_637 {strides = array<i32>} : memref<2x128xi32, #tpu.memory_space<vmem>>, vector<1x16xi32>,
      %get3A_638 = arith.constant 208 : index
      %get3A_639 = tpu.vector_load %arg11[%get3A_638] {strides = array<i32>} : memref<256xf32, #tpu.memory_space<vmem>>, vector<16xf32>,
      %get3A_640 = vector.shape_cast %get3A_639 : vector<16xf32> to vector<16xf32>
      %get3A_641 = arith.constant 1 : i32
      %get3A_642 = arith.index_cast %get3A_641 : i32 to index
      %get3A_643 = arith.constant 80 : index
      %get3A_644 = tpu.vector_load %arg10[%get3A_642, %get3A_643] {strides = array<i32>} : memref<2x128xi32, #tpu.memory_space<vmem>>, vector<1x16xi32>,
      %get3A_645 = vector.shape_cast %get3A_644 : vector<1x16xi32> to vector<16xi32>
      %gt3A_646 = arith.constant 0.000000e+00 : f32
      %gt3A_647 = vector.broadcast %gt3A_646 : f32 to vector<16xf32>
      %gt3A_648 = arith.cmpf ogt, %get3A_640, %gt3A_647 : vector<16xf32>
      %add3A_649 = arith.constant 10080 : i32
      %add3A_650 = vector.broadcast %add3A_649 : i32 to vector<16xi32>
      %add3A_651 = arith.addi %add3A_650, %iota3A : vector<16xi32>
      %select_n3A_652 = arith.select %gt3A_648, %get3A_645, %add3A_651 : vector<16xi1>, vector<16xi32>
      %swap3A_653 = arith.constant 1 : i32
      %swap3A_654 = arith.index_cast %swap3A_653 : i32 to index
      %swap3A_655 = arith.constant 80 : index
      %swap3A_656 = tpu.vector_load %arg10[%swap3A_654, %swap3A_655] {strides = array<i32>} : memref<2x128xi32, #tpu.memory_space<vmem>>, vector<1x16xi32>,
      %swap3A_657 = vector.shape_cast %swap3A_656 : vector<1x16xi32> to vector<16xi32>
      %swap3A_658 = vector.shape_cast %select_n3A_652 : vector<16xi32> to vector<1x16xi32>
      tpu.vector_store %arg10[%swap3A_654, %swap3A_655], %swap3A_658 {strides = array<i32>} : memref<2x128xi32, #tpu.memory_space<vmem>>, vector<1x16xi32>,
      %get3A_659 = arith.constant 224 : index
      %get3A_660 = tpu.vector_load %arg11[%get3A_659] {strides = array<i32>} : memref<256xf32, #tpu.memory_space<vmem>>, vector<16xf32>,
      %get3A_661 = vector.shape_cast %get3A_660 : vector<16xf32> to vector<16xf32>
      %get3A_662 = arith.constant 1 : i32
      %get3A_663 = arith.index_cast %get3A_662 : i32 to index
      %get3A_664 = arith.constant 96 : index
      %get3A_665 = tpu.vector_load %arg10[%get3A_663, %get3A_664] {strides = array<i32>} : memref<2x128xi32, #tpu.memory_space<vmem>>, vector<1x16xi32>,
      %get3A_666 = vector.shape_cast %get3A_665 : vector<1x16xi32> to vector<16xi32>
      %gt3A_667 = arith.constant 0.000000e+00 : f32
      %gt3A_668 = vector.broadcast %gt3A_667 : f32 to vector<16xf32>
      %gt3A_669 = arith.cmpf ogt, %get3A_661, %gt3A_668 : vector<16xf32>
      %add3A_670 = arith.constant 10096 : i32
      %add3A_671 = vector.broadcast %add3A_670 : i32 to vector<16xi32>
      %add3A_672 = arith.addi %add3A_671, %iota3A : vector<16xi32>
      %select_n3A_673 = arith.select %gt3A_669, %get3A_666, %add3A_672 : vector<16xi1>, vector<16xi32>
      %swap3A_674 = arith.constant 1 : i32
      %swap3A_675 = arith.index_cast %swap3A_674 : i32 to index
      %swap3A_676 = arith.constant 96 : index
      %swap3A_677 = tpu.vector_load %arg10[%swap3A_675, %swap3A_676] {strides = array<i32>} : memref<2x128xi32, #tpu.memory_space<vmem>>, vector<1x16xi32>,
      %swap3A_678 = vector.shape_cast %swap3A_677 : vector<1x16xi32> to vector<16xi32>
      %swap3A_679 = vector.shape_cast %select_n3A_673 : vector<16xi32> to vector<1x16xi32>
      tpu.vector_store %arg10[%swap3A_675, %swap3A_676], %swap3A_679 {strides = array<i32>} : memref<2x128xi32, #tpu.memory_space<vmem>>, vector<1x16xi32>,
      %get3A_680 = arith.constant 240 : index
      %get3A_681 = tpu.vector_load %arg11[%get3A_680] {strides = array<i32>} : memref<256xf32, #tpu.memory_space<vmem>>, vector<16xf32>,
      %get3A_682 = vector.shape_cast %get3A_681 : vector<16xf32> to vector<16xf32>
      %get3A_683 = arith.constant 1 : i32
      %get3A_684 = arith.index_cast %get3A_683 : i32 to index
      %get3A_685 = arith.constant 112 : index
      %get3A_686 = tpu.vector_load %arg10[%get3A_684, %get3A_685] {strides = array<i32>} : memref<2x128xi32, #tpu.memory_space<vmem>>, vector<1x16xi32>,
      %get3A_687 = vector.shape_cast %get3A_686 : vector<1x16xi32> to vector<16xi32>
      %gt3A_688 = arith.constant 0.000000e+00 : f32
      %gt3A_689 = vector.broadcast %gt3A_688 : f32 to vector<16xf32>
      %gt3A_690 = arith.cmpf ogt, %get3A_682, %gt3A_689 : vector<16xf32>
      %add3A_691 = arith.constant 10112 : i32
      %add3A_692 = vector.broadcast %add3A_691 : i32 to vector<16xi32>
      %add3A_693 = arith.addi %add3A_692, %iota3A : vector<16xi32>
      %select_n3A_694 = arith.select %gt3A_690, %get3A_687, %add3A_693 : vector<16xi1>, vector<16xi32>
      %swap3A_695 = arith.constant 1 : i32
      %swap3A_696 = arith.index_cast %swap3A_695 : i32 to index
      %swap3A_697 = arith.constant 112 : index
      %swap3A_698 = tpu.vector_load %arg10[%swap3A_696, %swap3A_697] {strides = array<i32>} : memref<2x128xi32, #tpu.memory_space<vmem>>, vector<1x16xi32>,
      %swap3A_699 = vector.shape_cast %swap3A_698 : vector<1x16xi32> to vector<16xi32>
      %swap3A_700 = vector.shape_cast %select_n3A_694 : vector<16xi32> to vector<1x16xi32>
      tpu.vector_store %arg10[%swap3A_696, %swap3A_697], %swap3A_700 {strides = array<i32>} : memref<2x128xi32, #tpu.memory_space<vmem>>, vector<1x16xi32>,
      %dma_wait3A_701 = arith.constant 0 : i32
      %dma_wait3A_702 = arith.constant 0 : i32
      %dma_wait3A_703 = tpu.memref_slice %arg12[%dma_wait3A_701, %dma_wait3A_702] : memref<256x128xf32, #tpu.memory_space<vmem>> -> memref<128x128xf32, #tpu.memory_space<vmem>>
      %dma_wait3A_704 = arith.constant 0 : i32
      %dma_wait3A_705 = tpu.memref_slice %arg9[%dma_wait3A_704] : memref<256xi32, #tpu.memory_space<vmem>> -> memref<128xi32, #tpu.memory_space<vmem>>
      %dma_wait3A_706 = arith.constant 0 : i32
      %dma_wait3A_707 = arith.constant 0 : i32
      %dma_wait3A_708 = tpu.memref_slice %arg2[%dma_wait3A_706, %dma_wait3A_707] : memref<10000x128xf32, #tpu.memory_space<hbm>> -> memref<10000x128xf32, #tpu.memory_space<hbm>>
      tpu.wait_indirect_dma semaphore(%arg19 : memref<!tpu.dma_semaphore, #tpu.memory_space<semaphore_mem>>) src(%dma_wait3A_708 : memref<10000x128xf32, #tpu.memory_space<hbm>>) dst(%dma_wait3A_703 : memref<128x128xf32, #tpu.memory_space<vmem>>)
      %run_scoped3A = arith.constant 0 : i32
      "tpu.region"() ({
        %run_scoped3A_720 = tpu.sem_alloc : memref<!tpu.dma_semaphore, #tpu.memory_space<semaphore_mem>>
        %dma_start3A_721 = arith.constant 0 : i32
        %dma_start3A_722 = arith.constant 0 : i32
        %dma_start3A_723 = tpu.memref_slice %arg12[%dma_start3A_721, %dma_start3A_722] : memref<256x128xf32, #tpu.memory_space<vmem>> -> memref<128x128xf32, #tpu.memory_space<vmem>>
        %dma_start3A_724 = arith.constant 0 : i32
        %dma_start3A_725 = tpu.memref_slice %arg10[%run_scoped3A, %dma_start3A_724] : memref<2x128xi32, #tpu.memory_space<vmem>> -> memref<1x128xi32, #tpu.memory_space<vmem>>
        %dma_start3A_726 = tpu.memref_squeeze %dma_start3A_725 : memref<1x128xi32, #tpu.memory_space<vmem>> -> memref<128xi32, #tpu.memory_space<vmem>>
        %dma_start3A_727 = arith.constant 0 : i32
        %dma_start3A_728 = arith.constant 0 : i32
        %dma_start3A_729 = tpu.memref_slice %arg14[%dma_start3A_727, %dma_start3A_728] : memref<10240x128xf32, #tpu.memory_space<vmem_shared>> -> memref<10240x128xf32, #tpu.memory_space<vmem_shared>>
        tpu.enqueue_indirect_dma source(%dma_start3A_723 : memref<128x128xf32, #tpu.memory_space<vmem>>) target(%dma_start3A_729 : memref<10240x128xf32, #tpu.memory_space<vmem_shared>>) offsets(%dma_start3A_726 : memref<128xi32, #tpu.memory_space<vmem>>) semaphore(%run_scoped3A_720 : memref<!tpu.dma_semaphore, #tpu.memory_space<semaphore_mem>>) {add = true}
        %dma_wait3A_730 = arith.constant 0 : i32
        %dma_wait3A_731 = arith.constant 0 : i32
        %dma_wait3A_732 = tpu.memref_slice %arg12[%dma_wait3A_730, %dma_wait3A_731] : memref<256x128xf32, #tpu.memory_space<vmem>> -> memref<128x128xf32, #tpu.memory_space<vmem>>
        %dma_wait3A_733 = arith.constant 0 : i32
        %dma_wait3A_734 = tpu.memref_slice %arg10[%run_scoped3A, %dma_wait3A_733] : memref<2x128xi32, #tpu.memory_space<vmem>> -> memref<1x128xi32, #tpu.memory_space<vmem>>
        %dma_wait3A_735 = tpu.memref_squeeze %dma_wait3A_734 : memref<1x128xi32, #tpu.memory_space<vmem>> -> memref<128xi32, #tpu.memory_space<vmem>>
        %dma_wait3A_736 = arith.constant 0 : i32
        %dma_wait3A_737 = arith.constant 0 : i32
        %dma_wait3A_738 = tpu.memref_slice %arg14[%dma_wait3A_736, %dma_wait3A_737] : memref<10240x128xf32, #tpu.memory_space<vmem_shared>> -> memref<10240x128xf32, #tpu.memory_space<vmem_shared>>
        tpu.wait_indirect_dma semaphore(%run_scoped3A_720 : memref<!tpu.dma_semaphore, #tpu.memory_space<semaphore_mem>>) src(%dma_wait3A_732 : memref<128x128xf32, #tpu.memory_space<vmem>>) dst(%dma_wait3A_738 : memref<10240x128xf32, #tpu.memory_space<vmem_shared>>)
        tpu.yield
      }) : () -> ()
      %run_scoped3A_709 = arith.constant 0 : i32
      "tpu.region"() ({
        %run_scoped3A_720 = tpu.sem_alloc : memref<!tpu.dma_semaphore, #tpu.memory_space<semaphore_mem>>
        %dma_start3A_721 = arith.constant 0 : i32
        %dma_start3A_722 = tpu.memref_slice %arg11[%dma_start3A_721] : memref<256xf32, #tpu.memory_space<vmem>> -> memref<128xf32, #tpu.memory_space<vmem>>
        %dma_start3A_723 = arith.constant 0 : i32
        %dma_start3A_724 = tpu.memref_slice %arg10[%run_scoped3A_709, %dma_start3A_723] : memref<2x128xi32, #tpu.memory_space<vmem>> -> memref<1x128xi32, #tpu.memory_space<vmem>>
        %dma_start3A_725 = tpu.memref_squeeze %dma_start3A_724 : memref<1x128xi32, #tpu.memory_space<vmem>> -> memref<128xi32, #tpu.memory_space<vmem>>
        %dma_start3A_726 = arith.constant 0 : i32
        %dma_start3A_727 = tpu.memref_slice %arg15[%dma_start3A_726] : memref<10240xf32, #tpu.memory_space<vmem_shared>> -> memref<10240xf32, #tpu.memory_space<vmem_shared>>
        tpu.enqueue_indirect_dma source(%dma_start3A_722 : memref<128xf32, #tpu.memory_space<vmem>>) target(%dma_start3A_727 : memref<10240xf32, #tpu.memory_space<vmem_shared>>) offsets(%dma_start3A_725 : memref<128xi32, #tpu.memory_space<vmem>>) semaphore(%run_scoped3A_720 : memref<!tpu.dma_semaphore, #tpu.memory_space<semaphore_mem>>) {add = true}
        %dma_wait3A_728 = arith.constant 0 : i32
        %dma_wait3A_729 = tpu.memref_slice %arg11[%dma_wait3A_728] : memref<256xf32, #tpu.memory_space<vmem>> -> memref<128xf32, #tpu.memory_space<vmem>>
        %dma_wait3A_730 = arith.constant 0 : i32
        %dma_wait3A_731 = tpu.memref_slice %arg10[%run_scoped3A_709, %dma_wait3A_730] : memref<2x128xi32, #tpu.memory_space<vmem>> -> memref<1x128xi32, #tpu.memory_space<vmem>>
        %dma_wait3A_732 = tpu.memref_squeeze %dma_wait3A_731 : memref<1x128xi32, #tpu.memory_space<vmem>> -> memref<128xi32, #tpu.memory_space<vmem>>
        %dma_wait3A_733 = arith.constant 0 : i32
        %dma_wait3A_734 = tpu.memref_slice %arg15[%dma_wait3A_733] : memref<10240xf32, #tpu.memory_space<vmem_shared>> -> memref<10240xf32, #tpu.memory_space<vmem_shared>>
        tpu.wait_indirect_dma semaphore(%run_scoped3A_720 : memref<!tpu.dma_semaphore, #tpu.memory_space<semaphore_mem>>) src(%dma_wait3A_729 : memref<128xf32, #tpu.memory_space<vmem>>) dst(%dma_wait3A_734 : memref<10240xf32, #tpu.memory_space<vmem_shared>>)
        tpu.yield
      }) : () -> ()
      %dma_wait3A_710 = arith.constant 128 : i32
      %dma_wait3A_711 = arith.constant 0 : i32
      %dma_wait3A_712 = tpu.memref_slice %arg12[%dma_wait3A_710, %dma_wait3A_711] : memref<256x128xf32, #tpu.memory_space<vmem>> -> memref<128x128xf32, #tpu.memory_space<vmem>>
      %dma_wait3A_713 = arith.constant 128 : i32
      %dma_wait3A_714 = tpu.memref_slice %arg9[%dma_wait3A_713] : memref<256xi32, #tpu.memory_space<vmem>> -> memref<128xi32, #tpu.memory_space<vmem>>
      %dma_wait3A_715 = arith.constant 0 : i32
      %dma_wait3A_716 = arith.constant 0 : i32
      %dma_wait3A_717 = tpu.memref_slice %arg2[%dma_wait3A_715, %dma_wait3A_716] : memref<10000x128xf32, #tpu.memory_space<hbm>> -> memref<10000x128xf32, #tpu.memory_space<hbm>>
      tpu.wait_indirect_dma semaphore(%arg19 : memref<!tpu.dma_semaphore, #tpu.memory_space<semaphore_mem>>) src(%dma_wait3A_717 : memref<10000x128xf32, #tpu.memory_space<hbm>>) dst(%dma_wait3A_712 : memref<128x128xf32, #tpu.memory_space<vmem>>)
      %run_scoped3A_718 = arith.constant 1 : i32
      "tpu.region"() ({
        %run_scoped3A_720 = tpu.sem_alloc : memref<!tpu.dma_semaphore, #tpu.memory_space<semaphore_mem>>
        %dma_start3A_721 = arith.constant 128 : i32
        %dma_start3A_722 = arith.constant 0 : i32
        %dma_start3A_723 = tpu.memref_slice %arg12[%dma_start3A_721, %dma_start3A_722] : memref<256x128xf32, #tpu.memory_space<vmem>> -> memref<128x128xf32, #tpu.memory_space<vmem>>
        %dma_start3A_724 = arith.constant 0 : i32
        %dma_start3A_725 = tpu.memref_slice %arg10[%run_scoped3A_718, %dma_start3A_724] : memref<2x128xi32, #tpu.memory_space<vmem>> -> memref<1x128xi32, #tpu.memory_space<vmem>>
        %dma_start3A_726 = tpu.memref_squeeze %dma_start3A_725 : memref<1x128xi32, #tpu.memory_space<vmem>> -> memref<128xi32, #tpu.memory_space<vmem>>
        %dma_start3A_727 = arith.constant 0 : i32
        %dma_start3A_728 = arith.constant 0 : i32
        %dma_start3A_729 = tpu.memref_slice %arg14[%dma_start3A_727, %dma_start3A_728] : memref<10240x128xf32, #tpu.memory_space<vmem_shared>> -> memref<10240x128xf32, #tpu.memory_space<vmem_shared>>
        tpu.enqueue_indirect_dma source(%dma_start3A_723 : memref<128x128xf32, #tpu.memory_space<vmem>>) target(%dma_start3A_729 : memref<10240x128xf32, #tpu.memory_space<vmem_shared>>) offsets(%dma_start3A_726 : memref<128xi32, #tpu.memory_space<vmem>>) semaphore(%run_scoped3A_720 : memref<!tpu.dma_semaphore, #tpu.memory_space<semaphore_mem>>) {add = true}
        %dma_wait3A_730 = arith.constant 128 : i32
        %dma_wait3A_731 = arith.constant 0 : i32
        %dma_wait3A_732 = tpu.memref_slice %arg12[%dma_wait3A_730, %dma_wait3A_731] : memref<256x128xf32, #tpu.memory_space<vmem>> -> memref<128x128xf32, #tpu.memory_space<vmem>>
        %dma_wait3A_733 = arith.constant 0 : i32
        %dma_wait3A_734 = tpu.memref_slice %arg10[%run_scoped3A_718, %dma_wait3A_733] : memref<2x128xi32, #tpu.memory_space<vmem>> -> memref<1x128xi32, #tpu.memory_space<vmem>>
        %dma_wait3A_735 = tpu.memref_squeeze %dma_wait3A_734 : memref<1x128xi32, #tpu.memory_space<vmem>> -> memref<128xi32, #tpu.memory_space<vmem>>
        %dma_wait3A_736 = arith.constant 0 : i32
        %dma_wait3A_737 = arith.constant 0 : i32
        %dma_wait3A_738 = tpu.memref_slice %arg14[%dma_wait3A_736, %dma_wait3A_737] : memref<10240x128xf32, #tpu.memory_space<vmem_shared>> -> memref<10240x128xf32, #tpu.memory_space<vmem_shared>>
        tpu.wait_indirect_dma semaphore(%run_scoped3A_720 : memref<!tpu.dma_semaphore, #tpu.memory_space<semaphore_mem>>) src(%dma_wait3A_732 : memref<128x128xf32, #tpu.memory_space<vmem>>) dst(%dma_wait3A_738 : memref<10240x128xf32, #tpu.memory_space<vmem_shared>>)
        tpu.yield
      }) : () -> ()
      %run_scoped3A_719 = arith.constant 1 : i32
      "tpu.region"() ({
        %run_scoped3A_720 = tpu.sem_alloc : memref<!tpu.dma_semaphore, #tpu.memory_space<semaphore_mem>>
        %dma_start3A_721 = arith.constant 128 : i32
        %dma_start3A_722 = tpu.memref_slice %arg11[%dma_start3A_721] : memref<256xf32, #tpu.memory_space<vmem>> -> memref<128xf32, #tpu.memory_space<vmem>>
        %dma_start3A_723 = arith.constant 0 : i32
        %dma_start3A_724 = tpu.memref_slice %arg10[%run_scoped3A_719, %dma_start3A_723] : memref<2x128xi32, #tpu.memory_space<vmem>> -> memref<1x128xi32, #tpu.memory_space<vmem>>
        %dma_start3A_725 = tpu.memref_squeeze %dma_start3A_724 : memref<1x128xi32, #tpu.memory_space<vmem>> -> memref<128xi32, #tpu.memory_space<vmem>>
        %dma_start3A_726 = arith.constant 0 : i32
        %dma_start3A_727 = tpu.memref_slice %arg15[%dma_start3A_726] : memref<10240xf32, #tpu.memory_space<vmem_shared>> -> memref<10240xf32, #tpu.memory_space<vmem_shared>>
        tpu.enqueue_indirect_dma source(%dma_start3A_722 : memref<128xf32, #tpu.memory_space<vmem>>) target(%dma_start3A_727 : memref<10240xf32, #tpu.memory_space<vmem_shared>>) offsets(%dma_start3A_725 : memref<128xi32, #tpu.memory_space<vmem>>) semaphore(%run_scoped3A_720 : memref<!tpu.dma_semaphore, #tpu.memory_space<semaphore_mem>>) {add = true}
        %dma_wait3A_728 = arith.constant 128 : i32
        %dma_wait3A_729 = tpu.memref_slice %arg11[%dma_wait3A_728] : memref<256xf32, #tpu.memory_space<vmem>> -> memref<128xf32, #tpu.memory_space<vmem>>
        %dma_wait3A_730 = arith.constant 0 : i32
        %dma_wait3A_731 = tpu.memref_slice %arg10[%run_scoped3A_719, %dma_wait3A_730] : memref<2x128xi32, #tpu.memory_space<vmem>> -> memref<1x128xi32, #tpu.memory_space<vmem>>
        %dma_wait3A_732 = tpu.memref_squeeze %dma_wait3A_731 : memref<1x128xi32, #tpu.memory_space<vmem>> -> memref<128xi32, #tpu.memory_space<vmem>>
        %dma_wait3A_733 = arith.constant 0 : i32
        %dma_wait3A_734 = tpu.memref_slice %arg15[%dma_wait3A_733] : memref<10240xf32, #tpu.memory_space<vmem_shared>> -> memref<10240xf32, #tpu.memory_space<vmem_shared>>
        tpu.wait_indirect_dma semaphore(%run_scoped3A_720 : memref<!tpu.dma_semaphore, #tpu.memory_space<semaphore_mem>>) src(%dma_wait3A_729 : memref<128xf32, #tpu.memory_space<vmem>>) dst(%dma_wait3A_734 : memref<10240xf32, #tpu.memory_space<vmem_shared>>)
        tpu.yield
      }) : () -> ()
    }
    %barrier3A_283 = arith.constant 0 : index
    tpu.barrier barrier_id(%barrier3A_283)
    %add3A_284 = arith.constant 0 : i32
    %add3A_285 = arith.addi %mul3A_2, %add3A_284 : i32
    "tpu.region"() ({
      %run_scoped3A = tpu.sem_alloc : memref<!tpu.dma_semaphore, #tpu.memory_space<semaphore_mem>>
      %dma_start3A = arith.constant 0 : i32
      %dma_start3A_299 = arith.constant 0 : i32
      %dma_start3A_300 = tpu.memref_slice %arg12[%dma_start3A, %dma_start3A_299] : memref<256x128xf32, #tpu.memory_space<vmem>> -> memref<256x128xf32, #tpu.memory_space<vmem>>
      %dma_start3A_301 = arith.constant 0 : i32
      %dma_start3A_302 = tpu.memref_slice %arg14[%add3A_285, %dma_start3A_301] : memref<10240x128xf32, #tpu.memory_space<vmem_shared>> -> memref<256x128xf32, #tpu.memory_space<vmem_shared>>
      %dma_start3A_303 = arith.constant 0 : i32
      %dma_start3A_304 = arith.constant 0 : i32
      %dma_start3A_305 = tpu.memref_slice %arg12[%dma_start3A_303, %dma_start3A_304] : memref<256x128xf32, #tpu.memory_space<vmem>> -> memref<256x128xf32, #tpu.memory_space<vmem>>
      %dma_start3A_306 = arith.constant 0 : i32
      %dma_start3A_307 = tpu.memref_slice %arg14[%add3A_285, %dma_start3A_306] : memref<10240x128xf32, #tpu.memory_space<vmem_shared>> -> memref<256x128xf32, #tpu.memory_space<vmem_shared>>
      tpu.enqueue_dma source(%dma_start3A_307 : memref<256x128xf32, #tpu.memory_space<vmem_shared>>) target(%dma_start3A_305 : memref<256x128xf32, #tpu.memory_space<vmem>>) target_semaphore(%run_scoped3A : memref<!tpu.dma_semaphore, #tpu.memory_space<semaphore_mem>>)
      %dma_wait3A = arith.constant 0 : i32
      %dma_wait3A_308 = arith.constant 0 : i32
      %dma_wait3A_309 = tpu.memref_slice %arg12[%dma_wait3A, %dma_wait3A_308] : memref<256x128xf32, #tpu.memory_space<vmem>> -> memref<256x128xf32, #tpu.memory_space<vmem>>
      %dma_wait3A_310 = arith.constant 0 : i32
      %dma_wait3A_311 = tpu.memref_slice %arg14[%add3A_285, %dma_wait3A_310] : memref<10240x128xf32, #tpu.memory_space<vmem_shared>> -> memref<256x128xf32, #tpu.memory_space<vmem_shared>>
      %dma_wait3A_312 = arith.constant 0 : i32
      %dma_wait3A_313 = arith.constant 0 : i32
      %dma_wait3A_314 = tpu.memref_slice %arg12[%dma_wait3A_312, %dma_wait3A_313] : memref<256x128xf32, #tpu.memory_space<vmem>> -> memref<256x128xf32, #tpu.memory_space<vmem>>
      %dma_wait3A_315 = arith.constant 0 : i32
      %dma_wait3A_316 = tpu.memref_slice %arg14[%add3A_285, %dma_wait3A_315] : memref<10240x128xf32, #tpu.memory_space<vmem_shared>> -> memref<256x128xf32, #tpu.memory_space<vmem_shared>>
      tpu.wait_dma2 semaphore(%run_scoped3A : memref<!tpu.dma_semaphore, #tpu.memory_space<semaphore_mem>>) src(%dma_wait3A_316 : memref<256x128xf32, #tpu.memory_space<vmem_shared>>) dst(%dma_wait3A_314 : memref<256x128xf32, #tpu.memory_space<vmem>>)
      tpu.yield
    }) : () -> ()
    %add3A_286 = arith.constant 0 : i32
    %add3A_287 = arith.addi %mul3A_2, %add3A_286 : i32
    "tpu.region"() ({
      %run_scoped3A = tpu.sem_alloc : memref<!tpu.dma_semaphore, #tpu.memory_space<semaphore_mem>>
      %dma_start3A = arith.constant 0 : i32
      %dma_start3A_299 = arith.constant 0 : i32
      %dma_start3A_300 = tpu.memref_slice %arg12[%dma_start3A, %dma_start3A_299] : memref<256x128xf32, #tpu.memory_space<vmem>> -> memref<256x128xf32, #tpu.memory_space<vmem>>
      %dma_start3A_301 = arith.constant 0 : i32
      %dma_start3A_302 = tpu.memref_slice %arg7[%arg0, %add3A_287, %dma_start3A_301] : memref<2x10240x128xf32, #tpu.memory_space<hbm>> -> memref<1x256x128xf32, #tpu.memory_space<hbm>>
      %dma_start3A_303 = tpu.memref_squeeze %dma_start3A_302 : memref<1x256x128xf32, #tpu.memory_space<hbm>> -> memref<256x128xf32, #tpu.memory_space<hbm>>
      %dma_start3A_304 = arith.constant 0 : i32
      %dma_start3A_305 = tpu.memref_slice %arg7[%arg0, %add3A_287, %dma_start3A_304] : memref<2x10240x128xf32, #tpu.memory_space<hbm>> -> memref<1x256x128xf32, #tpu.memory_space<hbm>>
      %dma_start3A_306 = tpu.memref_squeeze %dma_start3A_305 : memref<1x256x128xf32, #tpu.memory_space<hbm>> -> memref<256x128xf32, #tpu.memory_space<hbm>>
      %dma_start3A_307 = arith.constant 0 : i32
      %dma_start3A_308 = arith.constant 0 : i32
      %dma_start3A_309 = tpu.memref_slice %arg12[%dma_start3A_307, %dma_start3A_308] : memref<256x128xf32, #tpu.memory_space<vmem>> -> memref<256x128xf32, #tpu.memory_space<vmem>>
      tpu.enqueue_dma source(%dma_start3A_309 : memref<256x128xf32, #tpu.memory_space<vmem>>) target(%dma_start3A_306 : memref<256x128xf32, #tpu.memory_space<hbm>>) target_semaphore(%run_scoped3A : memref<!tpu.dma_semaphore, #tpu.memory_space<semaphore_mem>>)
      %dma_wait3A = arith.constant 0 : i32
      %dma_wait3A_310 = arith.constant 0 : i32
      %dma_wait3A_311 = tpu.memref_slice %arg12[%dma_wait3A, %dma_wait3A_310] : memref<256x128xf32, #tpu.memory_space<vmem>> -> memref<256x128xf32, #tpu.memory_space<vmem>>
      %dma_wait3A_312 = arith.constant 0 : i32
      %dma_wait3A_313 = tpu.memref_slice %arg7[%arg0, %add3A_287, %dma_wait3A_312] : memref<2x10240x128xf32, #tpu.memory_space<hbm>> -> memref<1x256x128xf32, #tpu.memory_space<hbm>>
      %dma_wait3A_314 = tpu.memref_squeeze %dma_wait3A_313 : memref<1x256x128xf32, #tpu.memory_space<hbm>> -> memref<256x128xf32, #tpu.memory_space<hbm>>
      %dma_wait3A_315 = arith.constant 0 : i32
      %dma_wait3A_316 = tpu.memref_slice %arg7[%arg0, %add3A_287, %dma_wait3A_315] : memref<2x10240x128xf32, #tpu.memory_space<hbm>> -> memref<1x256x128xf32, #tpu.memory_space<hbm>>
      %dma_wait3A_317 = tpu.memref_squeeze %dma_wait3A_316 : memref<1x256x128xf32, #tpu.memory_space<hbm>> -> memref<256x128xf32, #tpu.memory_space<hbm>>
      %dma_wait3A_318 = arith.constant 0 : i32
      %dma_wait3A_319 = arith.constant 0 : i32
      %dma_wait3A_320 = tpu.memref_slice %arg12[%dma_wait3A_318, %dma_wait3A_319] : memref<256x128xf32, #tpu.memory_space<vmem>> -> memref<256x128xf32, #tpu.memory_space<vmem>>
      tpu.wait_dma2 semaphore(%run_scoped3A : memref<!tpu.dma_semaphore, #tpu.memory_space<semaphore_mem>>) src(%dma_wait3A_320 : memref<256x128xf32, #tpu.memory_space<vmem>>) dst(%dma_wait3A_317 : memref<256x128xf32, #tpu.memory_space<hbm>>)
      tpu.yield
    }) : () -> ()
    %add3A_288 = arith.constant 256 : i32
    %add3A_289 = arith.addi %mul3A_2, %add3A_288 : i32
    "tpu.region"() ({
      %run_scoped3A = tpu.sem_alloc : memref<!tpu.dma_semaphore, #tpu.memory_space<semaphore_mem>>
      %dma_start3A = arith.constant 0 : i32
      %dma_start3A_299 = arith.constant 0 : i32
      %dma_start3A_300 = tpu.memref_slice %arg12[%dma_start3A, %dma_start3A_299] : memref<256x128xf32, #tpu.memory_space<vmem>> -> memref<256x128xf32, #tpu.memory_space<vmem>>
      %dma_start3A_301 = arith.constant 0 : i32
      %dma_start3A_302 = tpu.memref_slice %arg14[%add3A_289, %dma_start3A_301] : memref<10240x128xf32, #tpu.memory_space<vmem_shared>> -> memref<256x128xf32, #tpu.memory_space<vmem_shared>>
      %dma_start3A_303 = arith.constant 0 : i32
      %dma_start3A_304 = arith.constant 0 : i32
      %dma_start3A_305 = tpu.memref_slice %arg12[%dma_start3A_303, %dma_start3A_304] : memref<256x128xf32, #tpu.memory_space<vmem>> -> memref<256x128xf32, #tpu.memory_space<vmem>>
      %dma_start3A_306 = arith.constant 0 : i32
      %dma_start3A_307 = tpu.memref_slice %arg14[%add3A_289, %dma_start3A_306] : memref<10240x128xf32, #tpu.memory_space<vmem_shared>> -> memref<256x128xf32, #tpu.memory_space<vmem_shared>>
      tpu.enqueue_dma source(%dma_start3A_307 : memref<256x128xf32, #tpu.memory_space<vmem_shared>>) target(%dma_start3A_305 : memref<256x128xf32, #tpu.memory_space<vmem>>) target_semaphore(%run_scoped3A : memref<!tpu.dma_semaphore, #tpu.memory_space<semaphore_mem>>)
      %dma_wait3A = arith.constant 0 : i32
      %dma_wait3A_308 = arith.constant 0 : i32
      %dma_wait3A_309 = tpu.memref_slice %arg12[%dma_wait3A, %dma_wait3A_308] : memref<256x128xf32, #tpu.memory_space<vmem>> -> memref<256x128xf32, #tpu.memory_space<vmem>>
      %dma_wait3A_310 = arith.constant 0 : i32
      %dma_wait3A_311 = tpu.memref_slice %arg14[%add3A_289, %dma_wait3A_310] : memref<10240x128xf32, #tpu.memory_space<vmem_shared>> -> memref<256x128xf32, #tpu.memory_space<vmem_shared>>
      %dma_wait3A_312 = arith.constant 0 : i32
      %dma_wait3A_313 = arith.constant 0 : i32
      %dma_wait3A_314 = tpu.memref_slice %arg12[%dma_wait3A_312, %dma_wait3A_313] : memref<256x128xf32, #tpu.memory_space<vmem>> -> memref<256x128xf32, #tpu.memory_space<vmem>>
      %dma_wait3A_315 = arith.constant 0 : i32
      %dma_wait3A_316 = tpu.memref_slice %arg14[%add3A_289, %dma_wait3A_315] : memref<10240x128xf32, #tpu.memory_space<vmem_shared>> -> memref<256x128xf32, #tpu.memory_space<vmem_shared>>
      tpu.wait_dma2 semaphore(%run_scoped3A : memref<!tpu.dma_semaphore, #tpu.memory_space<semaphore_mem>>) src(%dma_wait3A_316 : memref<256x128xf32, #tpu.memory_space<vmem_shared>>) dst(%dma_wait3A_314 : memref<256x128xf32, #tpu.memory_space<vmem>>)
      tpu.yield
    }) : () -> ()
    %add3A_290 = arith.constant 256 : i32
    %add3A_291 = arith.addi %mul3A_2, %add3A_290 : i32
    "tpu.region"() ({
      %run_scoped3A = tpu.sem_alloc : memref<!tpu.dma_semaphore, #tpu.memory_space<semaphore_mem>>
      %dma_start3A = arith.constant 0 : i32
      %dma_start3A_299 = arith.constant 0 : i32
      %dma_start3A_300 = tpu.memref_slice %arg12[%dma_start3A, %dma_start3A_299] : memref<256x128xf32, #tpu.memory_space<vmem>> -> memref<256x128xf32, #tpu.memory_space<vmem>>
      %dma_start3A_301 = arith.constant 0 : i32
      %dma_start3A_302 = tpu.memref_slice %arg7[%arg0, %add3A_291, %dma_start3A_301] : memref<2x10240x128xf32, #tpu.memory_space<hbm>> -> memref<1x256x128xf32, #tpu.memory_space<hbm>>
      %dma_start3A_303 = tpu.memref_squeeze %dma_start3A_302 : memref<1x256x128xf32, #tpu.memory_space<hbm>> -> memref<256x128xf32, #tpu.memory_space<hbm>>
      %dma_start3A_304 = arith.constant 0 : i32
      %dma_start3A_305 = tpu.memref_slice %arg7[%arg0, %add3A_291, %dma_start3A_304] : memref<2x10240x128xf32, #tpu.memory_space<hbm>> -> memref<1x256x128xf32, #tpu.memory_space<hbm>>
      %dma_start3A_306 = tpu.memref_squeeze %dma_start3A_305 : memref<1x256x128xf32, #tpu.memory_space<hbm>> -> memref<256x128xf32, #tpu.memory_space<hbm>>
      %dma_start3A_307 = arith.constant 0 : i32
      %dma_start3A_308 = arith.constant 0 : i32
      %dma_start3A_309 = tpu.memref_slice %arg12[%dma_start3A_307, %dma_start3A_308] : memref<256x128xf32, #tpu.memory_space<vmem>> -> memref<256x128xf32, #tpu.memory_space<vmem>>
      tpu.enqueue_dma source(%dma_start3A_309 : memref<256x128xf32, #tpu.memory_space<vmem>>) target(%dma_start3A_306 : memref<256x128xf32, #tpu.memory_space<hbm>>) target_semaphore(%run_scoped3A : memref<!tpu.dma_semaphore, #tpu.memory_space<semaphore_mem>>)
      %dma_wait3A = arith.constant 0 : i32
      %dma_wait3A_310 = arith.constant 0 : i32
      %dma_wait3A_311 = tpu.memref_slice %arg12[%dma_wait3A, %dma_wait3A_310] : memref<256x128xf32, #tpu.memory_space<vmem>> -> memref<256x128xf32, #tpu.memory_space<vmem>>
      %dma_wait3A_312 = arith.constant 0 : i32
      %dma_wait3A_313 = tpu.memref_slice %arg7[%arg0, %add3A_291, %dma_wait3A_312] : memref<2x10240x128xf32, #tpu.memory_space<hbm>> -> memref<1x256x128xf32, #tpu.memory_space<hbm>>
      %dma_wait3A_314 = tpu.memref_squeeze %dma_wait3A_313 : memref<1x256x128xf32, #tpu.memory_space<hbm>> -> memref<256x128xf32, #tpu.memory_space<hbm>>
      %dma_wait3A_315 = arith.constant 0 : i32
      %dma_wait3A_316 = tpu.memref_slice %arg7[%arg0, %add3A_291, %dma_wait3A_315] : memref<2x10240x128xf32, #tpu.memory_space<hbm>> -> memref<1x256x128xf32, #tpu.memory_space<hbm>>
      %dma_wait3A_317 = tpu.memref_squeeze %dma_wait3A_316 : memref<1x256x128xf32, #tpu.memory_space<hbm>> -> memref<256x128xf32, #tpu.memory_space<hbm>>
      %dma_wait3A_318 = arith.constant 0 : i32
      %dma_wait3A_319 = arith.constant 0 : i32
      %dma_wait3A_320 = tpu.memref_slice %arg12[%dma_wait3A_318, %dma_wait3A_319] : memref<256x128xf32, #tpu.memory_space<vmem>> -> memref<256x128xf32, #tpu.memory_space<vmem>>
      tpu.wait_dma2 semaphore(%run_scoped3A : memref<!tpu.dma_semaphore, #tpu.memory_space<semaphore_mem>>) src(%dma_wait3A_320 : memref<256x128xf32, #tpu.memory_space<vmem>>) dst(%dma_wait3A_317 : memref<256x128xf32, #tpu.memory_space<hbm>>)
      tpu.yield
    }) : () -> ()
    %add3A_292 = arith.constant 512 : i32
    %add3A_293 = arith.addi %mul3A_2, %add3A_292 : i32
    "tpu.region"() ({
      %run_scoped3A = tpu.sem_alloc : memref<!tpu.dma_semaphore, #tpu.memory_space<semaphore_mem>>
      %dma_start3A = arith.constant 0 : i32
      %dma_start3A_299 = arith.constant 0 : i32
      %dma_start3A_300 = tpu.memref_slice %arg12[%dma_start3A, %dma_start3A_299] : memref<256x128xf32, #tpu.memory_space<vmem>> -> memref<128x128xf32, #tpu.memory_space<vmem>>
      %dma_start3A_301 = arith.constant 0 : i32
      %dma_start3A_302 = tpu.memref_slice %arg14[%add3A_293, %dma_start3A_301] : memref<10240x128xf32, #tpu.memory_space<vmem_shared>> -> memref<128x128xf32, #tpu.memory_space<vmem_shared>>
      %dma_start3A_303 = arith.constant 0 : i32
      %dma_start3A_304 = arith.constant 0 : i32
      %dma_start3A_305 = tpu.memref_slice %arg12[%dma_start3A_303, %dma_start3A_304] : memref<256x128xf32, #tpu.memory_space<vmem>> -> memref<128x128xf32, #tpu.memory_space<vmem>>
      %dma_start3A_306 = arith.constant 0 : i32
      %dma_start3A_307 = tpu.memref_slice %arg14[%add3A_293, %dma_start3A_306] : memref<10240x128xf32, #tpu.memory_space<vmem_shared>> -> memref<128x128xf32, #tpu.memory_space<vmem_shared>>
      tpu.enqueue_dma source(%dma_start3A_307 : memref<128x128xf32, #tpu.memory_space<vmem_shared>>) target(%dma_start3A_305 : memref<128x128xf32, #tpu.memory_space<vmem>>) target_semaphore(%run_scoped3A : memref<!tpu.dma_semaphore, #tpu.memory_space<semaphore_mem>>)
      %dma_wait3A = arith.constant 0 : i32
      %dma_wait3A_308 = arith.constant 0 : i32
      %dma_wait3A_309 = tpu.memref_slice %arg12[%dma_wait3A, %dma_wait3A_308] : memref<256x128xf32, #tpu.memory_space<vmem>> -> memref<128x128xf32, #tpu.memory_space<vmem>>
      %dma_wait3A_310 = arith.constant 0 : i32
      %dma_wait3A_311 = tpu.memref_slice %arg14[%add3A_293, %dma_wait3A_310] : memref<10240x128xf32, #tpu.memory_space<vmem_shared>> -> memref<128x128xf32, #tpu.memory_space<vmem_shared>>
      %dma_wait3A_312 = arith.constant 0 : i32
      %dma_wait3A_313 = arith.constant 0 : i32
      %dma_wait3A_314 = tpu.memref_slice %arg12[%dma_wait3A_312, %dma_wait3A_313] : memref<256x128xf32, #tpu.memory_space<vmem>> -> memref<128x128xf32, #tpu.memory_space<vmem>>
      %dma_wait3A_315 = arith.constant 0 : i32
      %dma_wait3A_316 = tpu.memref_slice %arg14[%add3A_293, %dma_wait3A_315] : memref<10240x128xf32, #tpu.memory_space<vmem_shared>> -> memref<128x128xf32, #tpu.memory_space<vmem_shared>>
      tpu.wait_dma2 semaphore(%run_scoped3A : memref<!tpu.dma_semaphore, #tpu.memory_space<semaphore_mem>>) src(%dma_wait3A_316 : memref<128x128xf32, #tpu.memory_space<vmem_shared>>) dst(%dma_wait3A_314 : memref<128x128xf32, #tpu.memory_space<vmem>>)
      tpu.yield
    }) : () -> ()
    %add3A_294 = arith.constant 512 : i32
    %add3A_295 = arith.addi %mul3A_2, %add3A_294 : i32
    "tpu.region"() ({
      %run_scoped3A = tpu.sem_alloc : memref<!tpu.dma_semaphore, #tpu.memory_space<semaphore_mem>>
      %dma_start3A = arith.constant 0 : i32
      %dma_start3A_299 = arith.constant 0 : i32
      %dma_start3A_300 = tpu.memref_slice %arg12[%dma_start3A, %dma_start3A_299] : memref<256x128xf32, #tpu.memory_space<vmem>> -> memref<128x128xf32, #tpu.memory_space<vmem>>
      %dma_start3A_301 = arith.constant 0 : i32
      %dma_start3A_302 = tpu.memref_slice %arg7[%arg0, %add3A_295, %dma_start3A_301] : memref<2x10240x128xf32, #tpu.memory_space<hbm>> -> memref<1x128x128xf32, #tpu.memory_space<hbm>>
      %dma_start3A_303 = tpu.memref_squeeze %dma_start3A_302 : memref<1x128x128xf32, #tpu.memory_space<hbm>> -> memref<128x128xf32, #tpu.memory_space<hbm>>
      %dma_start3A_304 = arith.constant 0 : i32
      %dma_start3A_305 = tpu.memref_slice %arg7[%arg0, %add3A_295, %dma_start3A_304] : memref<2x10240x128xf32, #tpu.memory_space<hbm>> -> memref<1x128x128xf32, #tpu.memory_space<hbm>>
      %dma_start3A_306 = tpu.memref_squeeze %dma_start3A_305 : memref<1x128x128xf32, #tpu.memory_space<hbm>> -> memref<128x128xf32, #tpu.memory_space<hbm>>
      %dma_start3A_307 = arith.constant 0 : i32
      %dma_start3A_308 = arith.constant 0 : i32
      %dma_start3A_309 = tpu.memref_slice %arg12[%dma_start3A_307, %dma_start3A_308] : memref<256x128xf32, #tpu.memory_space<vmem>> -> memref<128x128xf32, #tpu.memory_space<vmem>>
      tpu.enqueue_dma source(%dma_start3A_309 : memref<128x128xf32, #tpu.memory_space<vmem>>) target(%dma_start3A_306 : memref<128x128xf32, #tpu.memory_space<hbm>>) target_semaphore(%run_scoped3A : memref<!tpu.dma_semaphore, #tpu.memory_space<semaphore_mem>>)
      %dma_wait3A = arith.constant 0 : i32
      %dma_wait3A_310 = arith.constant 0 : i32
      %dma_wait3A_311 = tpu.memref_slice %arg12[%dma_wait3A, %dma_wait3A_310] : memref<256x128xf32, #tpu.memory_space<vmem>> -> memref<128x128xf32, #tpu.memory_space<vmem>>
      %dma_wait3A_312 = arith.constant 0 : i32
      %dma_wait3A_313 = tpu.memref_slice %arg7[%arg0, %add3A_295, %dma_wait3A_312] : memref<2x10240x128xf32, #tpu.memory_space<hbm>> -> memref<1x128x128xf32, #tpu.memory_space<hbm>>
      %dma_wait3A_314 = tpu.memref_squeeze %dma_wait3A_313 : memref<1x128x128xf32, #tpu.memory_space<hbm>> -> memref<128x128xf32, #tpu.memory_space<hbm>>
      %dma_wait3A_315 = arith.constant 0 : i32
      %dma_wait3A_316 = tpu.memref_slice %arg7[%arg0, %add3A_295, %dma_wait3A_315] : memref<2x10240x128xf32, #tpu.memory_space<hbm>> -> memref<1x128x128xf32, #tpu.memory_space<hbm>>
      %dma_wait3A_317 = tpu.memref_squeeze %dma_wait3A_316 : memref<1x128x128xf32, #tpu.memory_space<hbm>> -> memref<128x128xf32, #tpu.memory_space<hbm>>
      %dma_wait3A_318 = arith.constant 0 : i32
      %dma_wait3A_319 = arith.constant 0 : i32
      %dma_wait3A_320 = tpu.memref_slice %arg12[%dma_wait3A_318, %dma_wait3A_319] : memref<256x128xf32, #tpu.memory_space<vmem>> -> memref<128x128xf32, #tpu.memory_space<vmem>>
      tpu.wait_dma2 semaphore(%run_scoped3A : memref<!tpu.dma_semaphore, #tpu.memory_space<semaphore_mem>>) src(%dma_wait3A_320 : memref<128x128xf32, #tpu.memory_space<vmem>>) dst(%dma_wait3A_317 : memref<128x128xf32, #tpu.memory_space<hbm>>)
      tpu.yield
    }) : () -> ()
    "tpu.region"() ({
      %run_scoped3A = tpu.sem_alloc : memref<!tpu.dma_semaphore, #tpu.memory_space<semaphore_mem>>
      %dma_start3A = arith.constant 0 : i32
      %dma_start3A_299 = tpu.memref_slice %arg13[%dma_start3A] : memref<640xf32, #tpu.memory_space<vmem>> -> memref<640xf32, #tpu.memory_space<vmem>>
      %dma_start3A_300 = tpu.memref_slice %arg15[%mul3A_2] : memref<10240xf32, #tpu.memory_space<vmem_shared>> -> memref<640xf32, #tpu.memory_space<vmem_shared>>
      %dma_start3A_301 = arith.constant 0 : i32
      %dma_start3A_302 = tpu.memref_slice %arg13[%dma_start3A_301] : memref<640xf32, #tpu.memory_space<vmem>> -> memref<640xf32, #tpu.memory_space<vmem>>
      %dma_start3A_303 = tpu.memref_slice %arg15[%mul3A_2] : memref<10240xf32, #tpu.memory_space<vmem_shared>> -> memref<640xf32, #tpu.memory_space<vmem_shared>>
      tpu.enqueue_dma source(%dma_start3A_303 : memref<640xf32, #tpu.memory_space<vmem_shared>>) target(%dma_start3A_302 : memref<640xf32, #tpu.memory_space<vmem>>) target_semaphore(%run_scoped3A : memref<!tpu.dma_semaphore, #tpu.memory_space<semaphore_mem>>)
      %dma_wait3A = arith.constant 0 : i32
      %dma_wait3A_304 = tpu.memref_slice %arg13[%dma_wait3A] : memref<640xf32, #tpu.memory_space<vmem>> -> memref<640xf32, #tpu.memory_space<vmem>>
      %dma_wait3A_305 = tpu.memref_slice %arg15[%mul3A_2] : memref<10240xf32, #tpu.memory_space<vmem_shared>> -> memref<640xf32, #tpu.memory_space<vmem_shared>>
      %dma_wait3A_306 = arith.constant 0 : i32
      %dma_wait3A_307 = tpu.memref_slice %arg13[%dma_wait3A_306] : memref<640xf32, #tpu.memory_space<vmem>> -> memref<640xf32, #tpu.memory_space<vmem>>
      %dma_wait3A_308 = tpu.memref_slice %arg15[%mul3A_2] : memref<10240xf32, #tpu.memory_space<vmem_shared>> -> memref<640xf32, #tpu.memory_space<vmem_shared>>
      tpu.wait_dma2 semaphore(%run_scoped3A : memref<!tpu.dma_semaphore, #tpu.memory_space<semaphore_mem>>) src(%dma_wait3A_308 : memref<640xf32, #tpu.memory_space<vmem_shared>>) dst(%dma_wait3A_307 : memref<640xf32, #tpu.memory_space<vmem>>)
      tpu.yield
    }) : () -> ()
    %mul3A_296 = arith.constant 10240 : i32
    %mul3A_297 = arith.muli %arg0, %mul3A_296 : i32
    %add3A_298 = arith.addi %mul3A_297, %mul3A_2 : i32
    "tpu.region"() ({
      %run_scoped3A = tpu.sem_alloc : memref<!tpu.dma_semaphore, #tpu.memory_space<semaphore_mem>>
      %dma_start3A = arith.constant 0 : i32
      %dma_start3A_299 = tpu.memref_slice %arg13[%dma_start3A] : memref<640xf32, #tpu.memory_space<vmem>> -> memref<640xf32, #tpu.memory_space<vmem>>
      %dma_start3A_300 = tpu.memref_slice %arg8[%add3A_298] : memref<20480xf32, #tpu.memory_space<hbm>> -> memref<640xf32, #tpu.memory_space<hbm>>
      %dma_start3A_301 = tpu.memref_slice %arg8[%add3A_298] : memref<20480xf32, #tpu.memory_space<hbm>> -> memref<640xf32, #tpu.memory_space<hbm>>
      %dma_start3A_302 = arith.constant 0 : i32
      %dma_start3A_303 = tpu.memref_slice %arg13[%dma_start3A_302] : memref<640xf32, #tpu.memory_space<vmem>> -> memref<640xf32, #tpu.memory_space<vmem>>
      tpu.enqueue_dma source(%dma_start3A_303 : memref<640xf32, #tpu.memory_space<vmem>>) target(%dma_start3A_301 : memref<640xf32, #tpu.memory_space<hbm>>) target_semaphore(%run_scoped3A : memref<!tpu.dma_semaphore, #tpu.memory_space<semaphore_mem>>)
      %dma_wait3A = arith.constant 0 : i32
      %dma_wait3A_304 = tpu.memref_slice %arg13[%dma_wait3A] : memref<640xf32, #tpu.memory_space<vmem>> -> memref<640xf32, #tpu.memory_space<vmem>>
      %dma_wait3A_305 = tpu.memref_slice %arg8[%add3A_298] : memref<20480xf32, #tpu.memory_space<hbm>> -> memref<640xf32, #tpu.memory_space<hbm>>
      %dma_wait3A_306 = tpu.memref_slice %arg8[%add3A_298] : memref<20480xf32, #tpu.memory_space<hbm>> -> memref<640xf32, #tpu.memory_space<hbm>>
      %dma_wait3A_307 = arith.constant 0 : i32
      %dma_wait3A_308 = tpu.memref_slice %arg13[%dma_wait3A_307] : memref<640xf32, #tpu.memory_space<vmem>> -> memref<640xf32, #tpu.memory_space<vmem>>
      tpu.wait_dma2 semaphore(%run_scoped3A : memref<!tpu.dma_semaphore, #tpu.memory_space<semaphore_mem>>) src(%dma_wait3A_308 : memref<640xf32, #tpu.memory_space<vmem>>) dst(%dma_wait3A_306 : memref<640xf32, #tpu.memory_space<hbm>>)
      tpu.yield
    }) : () -> ()
    return
  }
}

</mosaic_0001>

<sc_bundles>
// kernel: _sc_aggregate.3.cloned.1.call-start
scs
__scs_entry_jumppad:
0x0: {  	(pc) =	sbr.rel $0x88, $3  }
0x1: {  	(tag) =	ssettag $0x0;
	lr =	simm.s32 $0x1  }
0x2: {  	[smem:$0x3F9C] =	sst lr;
	_ =	strace $0xD0000000  }
0x3: {  	_ = 	snop  }
0x4: {  	_ = 	snop  }
0x5: {  	_ = 	snop  }
0x6: {  	_ = 	snop  }
0x7: {  	_ = 	snop  }
__scs_overlays_trampoline_lowered:
0x8: {  	[smem:$0x3FAB] =	sst s0  }
0x9: {  	[smem:$0x3FAC] =	sst s1  }
0xa: {  	[smem:$0x3FAD] =	sst s2  }
0xb: {  	[smem:$0x3FAE] =	sst s3  }
0xc: {  	[smem:$0x3FAF] =	sst s4  }
0xd: {  	[smem:$0x3FB0] =	sst s5  }
0xe: {  	[smem:$0x3FB1] =	sst s6  }
0xf: {  	[smem:$0x3FB2] =	sst s7  }
0x10: {  	[smem:$0x3FB3] =	sst s8  }
0x11: {  	[smem:$0x3FB4] =	sst s9;
	s0 =	simm.s32 @!p0 $0x0  }
0x12: {  	s1 =	sld [smem:$0x3F9A];
	s0 =	simm.s32 @p0 $0x1  }
0x13: {  	[smem:$0x3FB5] =	sst s0;
	s0 =	simm.s32 @!p1 $0x0  }
0x14: {  	s2 =	sld [smem:$0x3F99];
	s0 =	simm.s32 @p1 $0x1  }
0x15: {  	[smem:$0x3FB6] =	sst s0;
	s0 =	simm.s32 @!p2 $0x0  }
0x16: {  	s3 =	sld [smem:$0x3FDB];
	s0 =	simm.s32 @p2 $0x1  }
0x17: {  	s4 =	simm.s32 $0x1BF5;
	[smem:$0x3FB8] =	sst s0  }
0x18: {  	s0 =	sld [smem:$0x3F9B];
	_ =	swait.ge [sflag:s4], $0x0  }
0x19: {  	s7 =	sld [smem:$0x3F9C]  }
0x1a: {  	s8 =	sadd.s32 $0xFFFFE003, lr  }
0x1b: {  	s9 =	sadd.s32 $0xFFFFFEF7, lr;
	s5 =	simm.s32 $0xFFFFFFFF;
	p2 =	slt.u32 s8, $0xFFFFF086  }
0x1c: {  	p1 =	slt.u32 s9, $0xF7A;
	s5 =	simm.s32 @!p2 $0x0  }
0x1d: {  	s5 =	simm.s32 @p1 $0x1;
	p0 =	seq.s32 s7, s2  }
0x1e: {  	s7 =	smul.u32 @!p0 $0xF7A, s2;
	p2 =	seq.s32 @!p0 s5, $0x0  }
0x1f: {  	s9 =	smul.u32 $0xF7A, s1;
	s8 =	simm.s32 @!p0 $0x1BF5;
	p2 =	por !p2, p0  }
0x20: {  	[sflag:s8] =	ssyncset.s32 @!p0 $0xFFFFF086;
	s6 =	sadd.s32 @!p0 s3, s7;
	s7 =	simm.s32 @!p0 $0x108  }
0x21: {  	s3 =	sadd.s32 s3, s9;
	s6 =	sadd.s32 @!p0 $0x88, s6;
	s7 =	simm.s32 @p2 $0x1082  }
0x22: {  	[simem:s7], [sflag:s8] =	dma.local @!p0 [hbm:s6], $0xF7A  }
0x23: {  	s9 =	sor.u32 $0xD0000000, s2;
	s6 =	simm.s32 $0x108;
	_ =	swait.ge @!p0 [sflag:s8], $0x0  }
0x24: {  	s3 =	sadd.s32 $0x88, s3;
	s6 =	simm.s32 @!p1 $0x1082;
	[sflag:s4] =	ssyncset.s32 $0xFFFFF086  }
0x25: {  	[simem:s6], [sflag:s4] =	dma.local [hbm:s3], $0xF7A  }
0x26: {  	[smem:$0x3F9C] =	sst s1;
	(tag) =	ssettag s2;
	_ =	strace s9  }
0x27: {  	s1 =	sld [smem:$0x3FAC]  }
0x28: {  	s2 =	sld [smem:$0x3FAD]  }
0x29: {  	s4 =	sld [smem:$0x3FAF]  }
0x2a: {  	p0 =	seq.s32 s5, $0x0;
	s5 =	sld [smem:$0x3FB0]  }
0x2b: {  	s6 =	sld [smem:$0x3FB1]  }
0x2c: {  	s7 =	sld [smem:$0x3FB2]  }
0x2d: {  	s3 =	simm.s32 $0x108;
	s8 =	sld [smem:$0x3FB3]  }
0x2e: {  	s3 =	simm.s32 @!p0 $0x1082;
	s9 =	sld [smem:$0x3FB4]  }
0x2f: {  	lr =	sadd.s32 s0, s3;
	s0 =	sld [smem:$0x3FAB]  }
0x30: {  	s3 =	sld [smem:$0x3FAE]  }
0x31: {  	[smem:$0x3FB7] =	sst s10  }
0x32: {  	s10 =	sld [smem:$0x3FB5];
	_ =	sdelay $0x3  }
0x33: {  	p0 =	seq.s32 s10, $0x1;
	s10 =	sld [smem:$0x3FB7];
	_ =	sdelay $0x3  }
0x34: {  	[smem:$0x3FB7] =	sst s10  }
0x35: {  	s10 =	sld [smem:$0x3FB6];
	_ =	sdelay $0x3  }
0x36: {  	p1 =	seq.s32 s10, $0x1;
	s10 =	sld [smem:$0x3FB7];
	_ =	sdelay $0x3  }
0x37: {  	[smem:$0x3FB7] =	sst s10  }
0x38: {  	s10 =	sld [smem:$0x3FB8]  }
0x39: {  	_ = 	snop;
	(pc) =	sbr.ind lr, $3  }
0x3a: {  	_ = 	snop  }
0x3b: {  	_ = 	snop  }
0x3c: {  	p2 =	seq.s32 s10, $0x1;
	s10 =	sld [smem:$0x3FB7]  }
0x3d: {  	_ =	shalt  }
0x3e: {  	_ =	shalt  }
0x3f: {  	_ =	shalt  }
0x40: {  	_ =	shalt  }
0x41: {  	_ =	shalt  }
0x42: {  	_ =	shalt  }
0x43: {  	_ =	shalt  }
0x44: {  	_ =	shalt  }
0x45: {  	_ =	shalt  }
0x46: {  	_ =	shalt  }
0x47: {  	_ =	shalt  }
0x48: {  	_ =	shalt  }
0x49: {  	_ =	shalt  }
0x4a: {  	_ =	shalt  }
0x4b: {  	_ =	shalt  }
0x4c: {  	_ =	shalt  }
0x4d: {  	_ =	shalt  }
0x4e: {  	_ =	shalt  }
0x4f: {  	_ =	shalt  }
0x50: {  	_ =	shalt  }
0x51: {  	_ =	shalt  }
0x52: {  	_ =	shalt  }
0x53: {  	_ =	shalt  }
0x54: {  	_ =	shalt  }
0x55: {  	_ =	shalt  }
0x56: {  	_ =	shalt  }
0x57: {  	_ =	shalt  }
0x58: {  	_ =	shalt  }
0x59: {  	_ =	shalt  }
0x5a: {  	_ =	shalt  }
0x5b: {  	_ =	shalt  }
0x5c: {  	_ =	shalt  }
0x5d: {  	_ =	shalt  }
0x5e: {  	_ =	shalt  }
0x5f: {  	_ =	shalt  }
0x60: {  	_ =	shalt  }
0x61: {  	_ =	shalt  }
0x62: {  	_ =	shalt  }
0x63: {  	_ =	shalt  }
0x64: {  	_ =	shalt  }
0x65: {  	_ =	shalt  }
0x66: {  	_ =	shalt  }
0x67: {  	_ =	shalt  }
0x68: {  	_ =	shalt  }
0x69: {  	_ =	shalt  }
0x6a: {  	_ =	shalt  }
0x6b: {  	_ =	shalt  }
0x6c: {  	_ =	shalt  }
0x6d: {  	_ =	shalt  }
0x6e: {  	_ =	shalt  }
0x6f: {  	_ =	shalt  }
0x70: {  	_ =	shalt  }
0x71: {  	_ =	shalt  }
0x72: {  	_ =	shalt  }
0x73: {  	_ =	shalt  }
0x74: {  	_ =	shalt  }
0x75: {  	_ =	shalt  }
0x76: {  	_ =	shalt  }
0x77: {  	_ =	shalt  }
0x78: {  	_ =	shalt  }
0x79: {  	_ =	shalt  }
0x7a: {  	_ =	shalt  }
0x7b: {  	_ =	shalt  }
0x7c: {  	_ =	shalt  }
0x7d: {  	_ =	shalt  }
0x7e: {  	_ =	shalt  }
0x7f: {  	_ =	shalt  }
0x80: {  	_ =	shalt  }
0x81: {  	_ =	shalt  }
0x82: {  	_ =	shalt  }
0x83: {  	_ =	shalt  }
0x84: {  	_ =	shalt  }
0x85: {  	_ =	shalt  }
0x86: {  	_ =	shalt  }
0x87: {  	_ =	shalt  }
.Lfunc_end0:
.L_simem_size_0:
called_computation_lowered:
.L_overlay_start_0:
0x88: {  	s2 =	sld [smem:$0x3FD9]  }
0x89: {  	s3 =	sld [smem:$0x3FFE];
	_ =	sdelay $0x1  }
0x8a: {  	s1 =	srdreg.scid  }
0x8b: {  	s0 =	sand.u32 $0x1, s1  }
0x8c: {  	s17 =	sshll.u32 s0, $0xA;
	s2 =	sadd.s32 s3, s2  }
0x8d: {  	s2 =	sadd.s32 s2, s17  }
0x8e: {  	[smem:$0x3FC3] =	sst s2  }
0x8f: {  	_ = 	snop  }
0x90: {  	s2 =	sld [smem:$0x3FC9]  }
0x91: {  	s18 =	sld [smem:$0x3FC8]  }
0x92: {  	s4 =	sld [smem:$0x3FC7]  }
0x93: {  	s5 =	sld [smem:$0x3FC6]  }
0x94: {  	s6 =	sld [smem:$0x3FC5];
	(tm) =	ssettm $0x1  }
0x95: {  	s7 =	sld [smem:$0x3FFB];
	_ =	sdelay $0x3  }
0x96: {  	_ =	strace s7  }
0x97: {  	s7 =	sld [smem:$0x3FFC];
	_ =	sdelay $0x3  }
0x98: {  	_ =	strace s7  }
0x99: {  	s7 =	sld [smem:$0x3FFD];
	_ =	sdelay $0x3  }
0x9a: {  	_ =	strace s7  }
0x9b: {  	_ =	strace $0x8FFFFFFF  }
0x9c: {  	s19 =	sld [smem:$0x3FDB];
	_ =	sdelay $0x1  }
0x9d: {  	s8 =	simm.s32 $_scs_section_size  }
0x9e: {  	s9 =	simm.s32 $_size__tile_overlayer_lowered;
	s10 =	simm.s32 $_tile_overlayer_lowered  }
0x9f: {  	s22 =	simm.s32 $0x1BFF;
	s21 =	sshll.u32 s10, $0x1;
	s7 =	sadd.s32 s8, s19  }
0xa0: {  	s11 =	simm.s32 $0x0;
	s20 =	sshll.u32 s9, $0x1;
	s9 =	sadd.s32 s21, s7  }
0xa1: {  	[timem:s11], [sflag:s22] =	dma.local [hbm:s9], s20  }
0xa2: {  	_ =	swait.ge [sflag:s22], s20  }
0xa3: {  	s8 =	ssub.s32 $0x0, s20;
	[sflag:s22] =	ssyncset.done $0x0  }
0xa4: {  	[sflag:s22] =	ssyncadd.s32 s8;
	_ =	sdelay $0x1  }
0xa5: {  	s23 =	simm.s32 $0x1B8B  }
0xa6: {  	_ =	swait.ge [sflag:s23], $0x1  }
0xa7: {  	[sflag:s23] =	ssyncset.done $0x0  }
0xa8: {  	s25 =	simm.s32 $0x1B8E;
	s24 =	sld [smem:$0x3FFE];
	[sflag:s23] =	ssyncadd.s32 $0xFFFFFFFF  }
0xa9: {  	s26 =	simm.s32 $execute0_lowered;
	[smem:$0x3FD2] =	sst s25  }
0xaa: {  	s9 =	sshll.u32 s26, $0x1;
	_ =	strace $0x80000046;
	[dreg:$0x1] =	wrdreg $0xFFFFFFFF  }
0xab: {  	s28 =	simm.s32 $_size_execute0_lowered;
	s7 =	sadd.s32 s7, s9;
	[dreg:$0x0] =	wrdreg $0x0  }
0xac: {  	s9 =	sshll.u32 s28, $0x1;
	[dreg:$0x2] =	wrdreg s7  }
0xad: {  	[dreg:$0x3] =	wrdreg s9  }
0xae: {  	[dreg:$0x4] =	wrdreg $0xC0  }
0xaf: {  	_ =	task [dreg:s11], $0x5FFFF  }
0xb0: {  	[dreg:$0x1] =	wrdreg $0xFFFFFFFF  }
0xb1: {  	[dreg:$0x0] =	wrdreg $0x60  }
0xb2: {  	[dreg:$0x2] =	wrdreg s2  }
0xb3: {  	[dreg:$0x3] =	wrdreg s18  }
0xb4: {  	[dreg:$0x4] =	wrdreg s4  }
0xb5: {  	[dreg:$0x5] =	wrdreg s5  }
0xb6: {  	[dreg:$0x6] =	wrdreg s6  }
0xb7: {  	[dreg:$0x7] =	wrdreg s24  }
0xb8: {  	[dreg:$0x8] =	wrdreg $0x85800  }
0xb9: {  	[dreg:$0x9] =	wrdreg $0x1C5800  }
0xba: {  	[dreg:$0xa] =	wrdreg $0x9  }
0xbb: {  	_ =	task.clear_ibuf [dreg:s11], $0xBFFFF;
	_ =	strace $0x90000046  }
0xbc: {  	s29 =	simm.s32 $0x9;
	_ =	strace $0x80000048  }
0xbd: {  	_ =	swait.ge [sflag:s29], $0x1  }
0xbe: {  	[sflag:s29] =	ssyncadd.s32 $0xFFFFFFFF  }
0xbf: {  	_ =	strace $0x90000048  }
0xc0: {  	_ =	sfence  }
0xc1: {  	s30 =	sld [smem:$0x0];
	_ =	sdelay $0x2  }
0xc2: {  	s31 =	sshll.u32 s1, $0xD;
	s1 =	sshrl.u32 s1, $0x2  }
0xc3: {  	s3 =	sand.u32 $0x4000, s31;
	s1 =	sadd.s32 s1, s30  }
0xc4: {  	s0 =	sor.u32 s3, s0;
	s1 =	sshll.u32 s1, $0x11  }
0xc5: {  	s0 =	sor.u32 s1, s0  }
0xc6: {  	s0 =	sadd.s32 $0x8F2B, s0  }
0xc7: {  	[sflag:s0] =	ssyncadd.remote.s32 $0x1  }
0xc8: {  	_ =	sfence.sel $0xFFFF  }
0xc9: {  	[dreg:$0x0] =	wrdreg $0xFFFFFFFF;
	(pc) =	sbr.abs _section_cstart, $3  }
0xca: {  	[dreg:$0x1] =	wrdreg $0xFFFFFFFF  }
0xcb: {  	_ =	task.clear_ibuf [dreg:s11], $0x2FFFF;
	_ =	strace $0x9FFFFFFF  }
0xcc: {  	(tm) =	ssettm $0x7FFFFFFF  }
0xcd: {  	_ =	shalt  }
tec
execute0_lowered:
.L_overlay_start_1:
0x0: {  	(tag) =	ssettag $0x1  }
0x1: {  	s0 =	rddreg [dreg:$0x0]  }
0x2: {  	s1 =	rddreg [dreg:$0x1]  }
0x3: {  	s2 =	rddreg [dreg:$0x2]  }
0x4: {  	s3 =	rddreg [dreg:$0x3]  }
0x5: {  	s4 =	rddreg [dreg:$0x4]  }
0x6: {  	s5 =	rddreg [dreg:$0x5]  }
0x7: {  	s6 =	rddreg [dreg:$0x6]  }
0x8: {  	s8 =	srdreg.scid;
	s16 =	stileid.u32  }
0x9: {  	s7 =	rddreg [dreg:$0x7];
	s20 =	simm.s32 $0x4;
	s28 =	simm.s32 $0x80  }
0xa: {  	s29 =	simm.s32 $0x4300;
	s30 =	simm.s32 $0x2;
	s13 =	smul.u32 $0x280, s16  }
0xb: {  	s31 =	simm.s32 $0x3;
	s9 =	sand.u32 $0x1, s8;
	s23 =	smul.u32 $0x50000, s16  }
0xc: {  	s8 =	simm.s32 $0x0;
	s22 =	sshll.u32 s16, $0x2;
	s16 =	smul.u32 $0x14000, s16  }
0xd: {  	s14 =	sadd.s32 $0xA00, s5;
	s10 =	smul.u32 $0x2800, s9;
	[smem:$0x7FF] =	sst s8  }
0xe: {  	s11 =	ssub.s32 $0x2, s9;
	s21 =	sshll.u32 s9, $0x1;
	s9 =	smul.u32 $0x140000, s9  }
0xf: {  	_ =	strace $0x80000047;
	s12 =	sshrl.u32 s11, $0x1;
	s4 =	sadd.s32 s4, s21  }
0x10: {  	s24 =	sshll.u32 s13, $0x7;
	s21 =	simm.s32 $0x1;
	s10 =	sadd.s32 s13, s10  }
0x11: {  	s18 =	ssub.s32 s11, s12;
	s4 =	sadd.s32 s22, s4;
	s15 =	sadd.s32 $0x8000, s24  }
0x12: {  	s13 =	sadd.s32 s13, s7;
	s16 =	sadd.s32 s16, s9;
	s22 =	simm.s32 $0x300  }
0x13: {  	s10 =	sshrl.u32 s10, $0x3;
	[dreg:$0x9] =	wrdreg s4;
	s11 =	sadd.s32 s15, s6  }
0x14: {  	s4 =	sadd.s32 $0x10000, s24;
	s16 =	sshrl.u32 s16, $0x3;
	s15 =	sadd.s32 s9, s15  }
0x15: {  	s18 =	smax.u32 s18, $0x1;
	s24 =	simm.s32 $0x200;
	s5 =	sadd.s32 s10, s5  }
0x16: {  	s10 =	sshrl.u32 s23, $0x2;
	s12 =	sadd.s32 s4, s6;
	s4 =	sadd.s32 s9, s4  }
.Ltmp0:
0x17: {  	s25 =	sadd.s32 s14, s16;
	s26 =	sshrl.u32 s15, $0x3;
	(pc) =	sbr.rel .LBB2_1-.Ltmp0, $4  }
0x18: {  	v8 =	vlaneseq.u32;
	s23 =	simm.s32 $0x8300;
	s10 =	sadd.s32 s10, s6;
	[dreg:$0xa] =	wrdreg s25  }
0x19: {  	v0 =	vimm.f32 $0.0e+00;
	v1 =	vor.u32 $0x2710, v8;
	v2 =	vor.u32 $0x2720, v8;
	s4 =	sshrl.u32 s4, $0x3;
	s9 =	sadd.s32 s14, s26;
	s17 =	sadd.s32 $0x50A00, s5  }
0x1a: {  	v3 =	vor.u32 $0x2730, v8;
	v4 =	vor.u32 $0x2740, v8;
	v5 =	vor.u32 $0x2750, v8;
	s25 =	simm.s32 $0x100;
	s26 =	simm.s32 $0x180;
	s5 =	simm.s32 $0x280  }
0x1b: {  	v6 =	vor.u32 $0x2760, v8;
	v7 =	vor.u32 $0x2770, v8;
	v8 =	vor.u32 $0x2780, v8;
	[dreg:$0xb] =	wrdreg s9;
	s16 =	sadd.s32 s14, s4;
	s4 =	simm.s32 $0x0  }
.LBB2_6:
0x1c: {  	v19 =	vld [tilespmem:$0x2C0]  }
0x1d: {  	v20 =	vld [tilespmem:$0x200]  }
0x1e: {  	vm0 =	vgt.f32 v15, $0.0e+00;
	v61 =	vld [tilespmem:$0x100]  }
0x1f: {  	[tilespmem:$0x140] =	vst v18;
	vm1 =	vgt.f32 v14, $0.0e+00;
	v62 =	vld [tilespmem:$0x230];
	v13 =	vsel vm0, v13, v8  }
0x20: {  	vm11 =	vgt.f32 v17, $0.0e+00;
	v63 =	vld [tilespmem:$0x130];
	v10 =	vsel vm1, v10, v3;
	[tilespmem:$0x1F0] =	vst v13  }
0x21: {  	vm13 =	vgt.f32 v16, $0.0e+00;
	v11 =	vsel vm11, v11, v7;
	[tilespmem:$0x120] =	vst v10  }
0x22: {  	[tilespmem:$0x1E0] =	vst v11;
	v10 =	vsel vm13, v12, v2;
	vm12 =	vgt.f32 v19, $0.0e+00  }
0x23: {  	[tilespmem:$0x110] =	vst v10;
	vm14 =	vgt.f32 v20, $0.0e+00;
	v9 =	vsel vm12, v9, v5  }
0x24: {  	vm15 =	vgt.f32 v62, $0.0e+00;
	[tilespmem:$0x1C0] =	vst v9;
	v9 =	vsel vm14, v61, v1  }
0x25: {  	[tilespmem:$0x100] =	vst v9;
	v9 =	vsel vm15, v63, v4  }
0x26: {  	[tilespmem:$0x130] =	vst v9  }
0x27: {  	_ =	swait.ge [sflag:s31], $0x4000  }
0x28: {  	[sflag:s31] =	ssyncset.done $0x0  }
0x29: {  	[sflag:s31] =	ssyncadd.s32 $0xFFFFC000  }
0x2a: {  	[spmem:s6] =	stream.indirect.scatter.add.f32 [tilespmem:s22], [sflag:$0x4], $0x80, s25, s28, $0xb8;
	[tilespmem:$0x1C880] =	vst v63  }
0x2b: {  	_ =	swait.ge [sflag:s20], $0x4000  }
0x2c: {  	[sflag:s20] =	ssyncset.done $0x0  }
0x2d: {  	[sflag:s20] =	ssyncadd.s32 $0xFFFFC000  }
0x2e: {  	[spmem:s7] =	stream.indirect.scatter.add.f32 [tilespmem:s24], [sflag:$0x4], $0x1, s25, s28, $0xb8;
	[tilespmem:$0x1C880] =	vst v63  }
0x2f: {  	_ =	swait.ge [sflag:s20], $0x80  }
0x30: {  	[sflag:s20] =	ssyncset.done $0x0  }
0x31: {  	[sflag:s20] =	ssyncadd.s32 $0xFFFFFF80  }
0x32: {  	_ =	swait.ge [sflag:s31], $0x4000  }
0x33: {  	[sflag:s31] =	ssyncset.done $0x0  }
0x34: {  	[sflag:s31] =	ssyncadd.s32 $0xFFFFC000  }
0x35: {  	[spmem:s6] =	stream.indirect.scatter.add.f32 [tilespmem:s29], [sflag:$0x4], $0x80, s26, s28, $0xb8;
	[tilespmem:$0x1C880] =	vst v63  }
0x36: {  	_ =	swait.ge [sflag:s20], $0x4000  }
0x37: {  	[sflag:s20] =	ssyncset.done $0x0  }
0x38: {  	[sflag:s20] =	ssyncadd.s32 $0xFFFFC000  }
0x39: {  	[spmem:s7] =	stream.indirect.scatter.add.f32 [tilespmem:s5], [sflag:$0x4], $0x1, s26, s28, $0xb8;
	[tilespmem:$0x1C880] =	vst v63  }
0x3a: {  	_ =	swait.ge [sflag:s20], $0x80  }
0x3b: {  	[sflag:s20] =	ssyncset.done $0x0  }
0x3c: {  	[sflag:s20] =	ssyncadd.s32 $0xFFFFFF80  }
.LBB2_7:
0x3d: {  	[bflag:$0x0] =	sbarrier.arrive $0xFFFF  }
0x3e: {  	[tilespmem:s22], [sflag:$0x4] =	stream.linear.gather [spmem:s10], $0x8000, $0x38;
	[tilespmem:$0x1C880] =	vst v63  }
0x3f: {  	_ =	swait.ge [sflag:s20], $0x8000  }
0x40: {  	[sflag:s20] =	ssyncset.done $0x0  }
0x41: {  	s9 =	rddreg [dreg:$0xa];
	[sflag:s20] =	ssyncadd.s32 $0xFFFF8000  }
0x42: {  	[hbm4b:s9+s8] =	stream.linear.scatter [tilespmem:s22], [sflag:$0x4], $0x8000, $0x38;
	[tilespmem:$0x1C880] =	vst v63  }
0x43: {  	_ =	swait.ge [sflag:s20], $0x8000  }
0x44: {  	[sflag:s20] =	ssyncset.done $0x0  }
0x45: {  	[sflag:s20] =	ssyncadd.s32 $0xFFFF8000  }
0x46: {  	[tilespmem:s22], [sflag:$0x4] =	stream.linear.gather [spmem:s11], $0x8000, $0x38;
	[tilespmem:$0x1C880] =	vst v63  }
0x47: {  	_ =	swait.ge [sflag:s20], $0x8000  }
0x48: {  	[sflag:s20] =	ssyncset.done $0x0  }
0x49: {  	s19 =	rddreg [dreg:$0xb];
	[sflag:s20] =	ssyncadd.s32 $0xFFFF8000  }
0x4a: {  	[hbm4b:s19+s8] =	stream.linear.scatter [tilespmem:s22], [sflag:$0x4], $0x8000, $0x38;
	[tilespmem:$0x1C880] =	vst v63  }
0x4b: {  	_ =	swait.ge [sflag:s20], $0x8000  }
0x4c: {  	[sflag:s20] =	ssyncset.done $0x0  }
0x4d: {  	[sflag:s20] =	ssyncadd.s32 $0xFFFF8000  }
0x4e: {  	[tilespmem:s22], [sflag:$0x4] =	stream.linear.gather [spmem:s12], $0x4000, $0x38;
	[tilespmem:$0x1C880] =	vst v63  }
0x4f: {  	_ =	swait.ge [sflag:s20], $0x4000  }
0x50: {  	[sflag:s20] =	ssyncset.done $0x0  }
0x51: {  	[sflag:s20] =	ssyncadd.s32 $0xFFFFC000  }
0x52: {  	[hbm4b:s16+s8] =	stream.linear.scatter [tilespmem:s22], [sflag:$0x4], $0x4000, $0x38;
	[tilespmem:$0x1C880] =	vst v63  }
0x53: {  	_ =	swait.ge [sflag:s20], $0x4000  }
0x54: {  	[sflag:s20] =	ssyncset.done $0x0  }
0x55: {  	[sflag:s20] =	ssyncadd.s32 $0xFFFFC000  }
0x56: {  	[tilespmem:s23], [sflag:$0x4] =	stream.linear.gather [spmem:s13], $0x280, $0x38;
	[tilespmem:$0x1C880] =	vst v63  }
0x57: {  	s4 =	sadd.s32 $0x1, s4;
	_ =	swait.ge [sflag:s20], $0x280  }
0x58: {  	p0 =	sne.s32 s4, s18;
	[sflag:s20] =	ssyncset.done $0x0  }
.Ltmp1:
0x59: {  	[sflag:s20] =	ssyncadd.s32 $0xFFFFFD80;
	(pc) =	sbr.rel @!p0 .LBB2_8-.Ltmp1, $4  }
0x5a: {  	[hbm4b:s17+s8] =	stream.linear.scatter [tilespmem:s23], [sflag:$0x4], $0x280, $0x38;
	[tilespmem:$0x1C880] =	vst v63  }
0x5b: {  	_ =	swait.ge [sflag:s20], $0x280  }
0x5c: {  	[sflag:s20] =	ssyncset.done $0x0  }
0x5d: {  	[sflag:s20] =	ssyncadd.s32 $0xFFFFFD80  }
.LBB2_1:
0x5e: {  	s9 =	rddreg [dreg:$0x9];
	s14 =	simm.s32 $0x1C800  }
0x5f: {  	[tilespmem:s14], [sflag:$0x4] =	stream.linear.gather [hbm4b:s9+s8], $0x10, $0x38;
	[tilespmem:$0x1C880] =	vst v63  }
0x60: {  	_ =	swait.ge [sflag:s20], $0x10  }
0x61: {  	[sflag:s20] =	ssyncset.done $0x0  }
0x62: {  	[sflag:s20] =	ssyncadd.s32 $0xFFFFFFF0  }
0x63: {  	v9 =	vld [tilespmem:$0x1C800];
	_ =	sdelay $0x4  }
0x64: {  	(v2sf) =	vpush v9, $0x1;
	_ =	sdelay $0xe  }
0x65: {  	s9 =	simm.s32 $0x0;
	s14 =	simm.s32 $0x200;
	s19 =	spop (v2sf)  }
.LBB2_2:
0x66: {  	p0 =	sne.s32 s14, $0x1FE00;
	[tilespmem:s9+$0x370] =	vst v0  }
0x67: {  	[tilespmem:s9+$0x300] =	vst v0  }
0x68: {  	[tilespmem:s9+$0x310] =	vst v0  }
.Ltmp2:
0x69: {  	[tilespmem:s9+$0x320] =	vst v0;
	(pc) =	sbr.rel @p0 .LBB2_2-.Ltmp2, $4  }
0x6a: {  	[tilespmem:s9+$0x330] =	vst v0  }
0x6b: {  	[tilespmem:s9+$0x340] =	vst v0  }
0x6c: {  	[tilespmem:s9+$0x350] =	vst v0  }
0x6d: {  	[tilespmem:s9+$0x360] =	vst v0;
	s9 =	sshra.s32 s14, $0x2;
	s14 =	sadd.s32 $0x200, s14  }
0x6e: {  	[tilespmem:s9+$0x370] =	vst v0  }
0x6f: {  	[tilespmem:s9+$0x300] =	vst v0  }
0x70: {  	[tilespmem:s9+$0x310] =	vst v0  }
0x71: {  	[tilespmem:s9+$0x320] =	vst v0  }
0x72: {  	[tilespmem:s9+$0x330] =	vst v0  }
0x73: {  	[tilespmem:s9+$0x340] =	vst v0  }
0x74: {  	[tilespmem:s9+$0x350] =	vst v0  }
0x75: {  	[tilespmem:s9+$0x360] =	vst v0  }
0x76: {  	[tilespmem:$0x8300] =	vst v0  }
0x77: {  	[tilespmem:$0x8310] =	vst v0  }
0x78: {  	[tilespmem:$0x8320] =	vst v0  }
0x79: {  	[tilespmem:$0x8330] =	vst v0  }
0x7a: {  	[tilespmem:$0x8340] =	vst v0  }
0x7b: {  	[tilespmem:$0x8350] =	vst v0  }
0x7c: {  	[tilespmem:$0x8360] =	vst v0  }
0x7d: {  	[tilespmem:$0x8370] =	vst v0  }
0x7e: {  	[tilespmem:$0x8380] =	vst v0  }
0x7f: {  	[tilespmem:$0x8390] =	vst v0  }
0x80: {  	[tilespmem:$0x83A0] =	vst v0  }
0x81: {  	[tilespmem:$0x83B0] =	vst v0  }
0x82: {  	[tilespmem:$0x83C0] =	vst v0  }
0x83: {  	[tilespmem:$0x83D0] =	vst v0  }
0x84: {  	[tilespmem:$0x83E0] =	vst v0  }
0x85: {  	[tilespmem:$0x83F0] =	vst v0  }
0x86: {  	[tilespmem:$0x8400] =	vst v0  }
0x87: {  	[tilespmem:$0x8410] =	vst v0  }
0x88: {  	[tilespmem:$0x8420] =	vst v0  }
0x89: {  	[tilespmem:$0x8430] =	vst v0  }
0x8a: {  	[tilespmem:$0x8440] =	vst v0  }
0x8b: {  	[tilespmem:$0x8450] =	vst v0  }
0x8c: {  	[tilespmem:$0x8460] =	vst v0  }
0x8d: {  	[tilespmem:$0x8470] =	vst v0  }
0x8e: {  	[tilespmem:$0x8480] =	vst v0  }
0x8f: {  	[tilespmem:$0x8490] =	vst v0  }
0x90: {  	(v2sf) =	vpush v9, $0x0;
	[tilespmem:$0x84A0] =	vst v0  }
0x91: {  	[tilespmem:$0x84B0] =	vst v0  }
0x92: {  	[tilespmem:$0x84C0] =	vst v0  }
0x93: {  	[tilespmem:$0x84D0] =	vst v0  }
0x94: {  	[tilespmem:$0x84E0] =	vst v0  }
0x95: {  	[tilespmem:$0x84F0] =	vst v0  }
0x96: {  	[tilespmem:$0x8500] =	vst v0  }
0x97: {  	[tilespmem:$0x8510] =	vst v0  }
0x98: {  	[tilespmem:$0x8520] =	vst v0  }
0x99: {  	[tilespmem:$0x8530] =	vst v0  }
0x9a: {  	[tilespmem:$0x8540] =	vst v0  }
0x9b: {  	[tilespmem:$0x8550] =	vst v0  }
0x9c: {  	[tilespmem:$0x8560] =	vst v0  }
0x9d: {  	[tilespmem:$0x8570] =	vst v0  }
0x9e: {  	[spmem:s10] =	stream.linear.scatter [tilespmem:s22], [sflag:$0x4], $0x8000, $0x38;
	[tilespmem:$0x1C880] =	vst v63  }
0x9f: {  	s14 =	spop (v2sf)  }
0xa0: {  	_ =	swait.ge [sflag:s20], $0x8000;
	s9 =	sadd.s32 $0xFF, s14  }
0xa1: {  	[sflag:s20] =	ssyncset.done $0x0;
	s14 =	sand.u32 $0xFF, s9  }
0xa2: {  	s15 =	sshra.s32 s9, $0x1F;
	p1 =	slt.s32 s9, $0x1;
	[sflag:s20] =	ssyncadd.s32 $0xFFFF8000  }
0xa3: {  	[spmem:s11] =	stream.linear.scatter [tilespmem:s22], [sflag:$0x4], $0x8000, $0x38;
	[tilespmem:$0x1C880] =	vst v63  }
0xa4: {  	p0 =	sne.s32 s14, $0x0;
	s14 =	sshrl.u32 s15, $0x18;
	_ =	swait.ge [sflag:s20], $0x8000  }
0xa5: {  	s9 =	sadd.s32 s14, s9;
	p0 =	por !p1, !p0;
	[sflag:s20] =	ssyncset.done $0x0  }
0xa6: {  	s14 =	simm.s32 $0x1;
	p0 =	por !p0, !p0;
	[sflag:s20] =	ssyncadd.s32 $0xFFFF8000  }
0xa7: {  	[spmem:s12] =	stream.linear.scatter [tilespmem:s22], [sflag:$0x4], $0x4000, $0x38;
	[tilespmem:$0x1C880] =	vst v63  }
0xa8: {  	s9 =	sshra.s32 s9, $0x8;
	s14 =	simm.s32 @!p0 $0x0;
	_ =	swait.ge [sflag:s20], $0x4000  }
0xa9: {  	s9 =	ssub.s32 s9, s14;
	[sflag:s20] =	ssyncset.done $0x0  }
0xaa: {  	p0 =	slt.s32 s9, $0x1;
	[sflag:s20] =	ssyncadd.s32 $0xFFFFC000  }
0xab: {  	[spmem:s13] =	stream.linear.scatter [tilespmem:s23], [sflag:$0x4], $0x280, $0x38;
	[tilespmem:$0x1C880] =	vst v63  }
.Ltmp3:
0xac: {  	_ =	swait.ge [sflag:s20], $0x280;
	(pc) =	sbr.rel @p0 .LBB2_7-.Ltmp3, $3  }
0xad: {  	[sflag:s20] =	ssyncset.done $0x0  }
0xae: {  	[sflag:s20] =	ssyncadd.s32 $0xFFFFFD80  }
0xaf: {  	[bflag:$0x0] =	sbarrier.arrive $0xFFFF;
	_ =	sdelay $0x1  }
0xb0: {  	s14 =	sshrl.u32 s19, $0x3  }
0xb1: {  	s15 =	sadd.s32 s1, s14  }
0xb2: {  	[tilespmem:s8], [sflag:$0x1] =	stream.linear.gather [hbm4b:s15+s8], $0x100, $0x38;
	[tilespmem:$0x1C880] =	vst v63  }
0xb3: {  	s15 =	sadd.s32 s3, s14  }
0xb4: {  	[tilespmem:s24], [sflag:$0x2] =	stream.linear.gather [hbm4b:s15+s8], $0x100, $0x38;
	[tilespmem:$0x1C880] =	vst v63  }
0xb5: {  	s15 =	sadd.s32 $0x80, s19  }
0xb6: {  	s14 =	sadd.s32 s2, s14;
	s15 =	sshrl.u32 s15, $0x3  }
0xb7: {  	[tilespmem:s25], [sflag:$0x2] =	stream.linear.gather [hbm4b:s14+s8], $0x80, $0x38;
	[tilespmem:$0x1C880] =	vst v63  }
0xb8: {  	s14 =	sadd.s32 s2, s15  }
0xb9: {  	[tilespmem:s26], [sflag:$0x2] =	stream.linear.gather [hbm4b:s14+s8], $0x80, $0x38;
	[tilespmem:$0x1C880] =	vst v63  }
0xba: {  	_ =	swait.ge [sflag:s21], $0x100  }
0xbb: {  	[sflag:s21] =	ssyncset.done $0x0  }
0xbc: {  	[sflag:s21] =	ssyncadd.s32 $0xFFFFFF00  }
0xbd: {  	[tilespmem:s22], [sflag:$0x3] =	stream.indirect.gather [hbm4b:s0+s28], $0x80, s8, s28, $0xb8;
	[tilespmem:$0x1C880] =	vst v63  }
0xbe: {  	_ = 	snop  }
0xbf: {  	[tilespmem:s29], [sflag:$0x3] =	stream.indirect.gather [hbm4b:s0+s28], $0x80, s28, s28, $0xb8;
	[tilespmem:$0x1C880] =	vst v63  }
0xc0: {  	_ =	swait.ge [sflag:s30], $0x100  }
0xc1: {  	[sflag:s30] =	ssyncset.done $0x0  }
0xc2: {  	[sflag:s30] =	ssyncadd.s32 $0xFFFFFF00  }
0xc3: {  	_ =	swait.ge [sflag:s30], $0x80  }
0xc4: {  	[sflag:s30] =	ssyncset.done $0x0  }
0xc5: {  	[sflag:s30] =	ssyncadd.s32 $0xFFFFFF80  }
0xc6: {  	_ =	swait.ge [sflag:s30], $0x80  }
0xc7: {  	[sflag:s30] =	ssyncset.done $0x0  }
0xc8: {  	[sflag:s30] =	ssyncadd.s32 $0xFFFFFF80  }
0xc9: {  	v16 =	vld [tilespmem:$0x1D0]  }
0xca: {  	v9 =	vld [tilespmem:$0x1C0]  }
0xcb: {  	v11 =	vld [tilespmem:$0x2B0]  }
0xcc: {  	v17 =	vld [tilespmem:$0x2D0]  }
0xcd: {  	v12 =	vld [tilespmem:$0x1B0]  }
0xce: {  	v10 =	vld [tilespmem:$0x1A0]  }
0xcf: {  	v13 =	vld [tilespmem:$0x190]  }
0xd0: {  	v14 =	vld [tilespmem:$0x180]  }
0xd1: {  	v15 =	vld [tilespmem:$0x2A0]  }
0xd2: {  	v18 =	vld [tilespmem:$0x170]  }
0xd3: {  	v19 =	vld [tilespmem:$0x290]  }
0xd4: {  	v20 =	vld [tilespmem:$0x160]  }
0xd5: {  	v21 =	vld [tilespmem:$0x280]  }
0xd6: {  	v22 =	vld [tilespmem:$0x150]  }
0xd7: {  	v23 =	vld [tilespmem:$0x270]  }
0xd8: {  	v24 =	vld [tilespmem:$0x140]  }
0xd9: {  	v25 =	vld [tilespmem:$0x260]  }
0xda: {  	vm0 =	vgt.f32 v15, $0.0e+00;
	v15 =	vld [tilespmem:$0x250]  }
0xdb: {  	vm1 =	vgt.f32 v19, $0.0e+00;
	vm9 =	vgt.f32 v11, $0.0e+00;
	v11 =	vld [tilespmem:$0x1E0];
	v19 =	vsel vm0, v10, v3  }
0xdc: {  	vm14 =	vgt.f32 v17, $0.0e+00;
	v17 =	vld [tilespmem:$0x2E0];
	v13 =	vsel vm1, v13, v2;
	[tilespmem:$0x1A0] =	vst v19  }
0xdd: {  	vm10 =	vgt.f32 v21, $0.0e+00;
	v12 =	vsel vm9, v12, v4;
	v19 =	vld [tilespmem:$0x240];
	[tilespmem:$0x190] =	vst v13  }
0xde: {  	p0 =	sne.s32 s9, $0x1;
	vm11 =	vgt.f32 v23, $0.0e+00;
	v10 =	vld [tilespmem:$0x120];
	v14 =	vsel vm10, v14, v1;
	[tilespmem:$0x1B0] =	vst v12  }
.Ltmp4:
0xdf: {  	vm12 =	vgt.f32 v25, $0.0e+00;
	v18 =	vsel vm11, v18, v8;
	v13 =	vld [tilespmem:$0x1F0];
	[tilespmem:$0x180] =	vst v14;
	(pc) =	sbr.rel @!p0 .LBB2_6-.Ltmp4, $4  }
0xe0: {  	[tilespmem:$0x170] =	vst v18;
	v18 =	vsel vm12, v20, v7;
	vm13 =	vgt.f32 v15, $0.0e+00;
	v15 =	vld [tilespmem:$0x2F0]  }
0xe1: {  	v14 =	vld [tilespmem:$0x220];
	[tilespmem:$0x160] =	vst v18;
	v20 =	vsel vm13, v22, v6  }
0xe2: {  	v12 =	vld [tilespmem:$0x110];
	vm15 =	vgt.f32 v19, $0.0e+00;
	[tilespmem:$0x150] =	vst v20;
	v19 =	vsel vm14, v16, v6  }
0xe3: {  	s9 =	sadd.s32 $0xFFFFFFFF, s9;
	v16 =	vld [tilespmem:$0x210];
	v18 =	vsel vm15, v24, v5;
	[tilespmem:$0x1D0] =	vst v19  }
.LBB2_5:
0xe4: {  	p0 =	sne.s32 s9, $0x1;
	s9 =	sadd.s32 $0xFFFFFFFF, s9;
	[tilespmem:$0x140] =	vst v18;
	v18 =	vld [tilespmem:$0x2C0];
	s19 =	sadd.s32 $0x100, s19  }
0xe5: {  	vm0 =	vgt.f32 v15, $0.0e+00;
	v19 =	vld [tilespmem:$0x200]  }
0xe6: {  	vm1 =	vgt.f32 v14, $0.0e+00;
	v13 =	vsel vm0, v13, v8;
	v15 =	vld [tilespmem:$0x100]  }
0xe7: {  	v10 =	vsel vm1, v10, v3;
	vm0 =	vgt.f32 v17, $0.0e+00;
	v14 =	vld [tilespmem:$0x230];
	[tilespmem:$0x1F0] =	vst v13  }
0xe8: {  	vm1 =	vgt.f32 v16, $0.0e+00;
	v11 =	vsel vm0, v11, v7  }
0xe9: {  	v12 =	vsel vm1, v12, v2;
	[tilespmem:$0x120] =	vst v10;
	v10 =	vld [tilespmem:$0x130];
	vm0 =	vgt.f32 v18, $0.0e+00  }
0xea: {  	vm1 =	vgt.f32 v19, $0.0e+00;
	v9 =	vsel vm0, v9, v5;
	[tilespmem:$0x1E0] =	vst v11  }
0xeb: {  	v11 =	vsel vm1, v15, v1;
	[tilespmem:$0x1C0] =	vst v9  }
0xec: {  	[tilespmem:$0x110] =	vst v12  }
0xed: {  	vm0 =	vgt.f32 v14, $0.0e+00;
	[tilespmem:$0x100] =	vst v11  }
0xee: {  	v9 =	vsel vm0, v10, v4  }
0xef: {  	[tilespmem:$0x130] =	vst v9  }
0xf0: {  	_ =	swait.ge [sflag:s31], $0x4000  }
0xf1: {  	[sflag:s31] =	ssyncset.done $0x0  }
0xf2: {  	[sflag:s31] =	ssyncadd.s32 $0xFFFFC000  }
0xf3: {  	[spmem:s6] =	stream.indirect.scatter.add.f32 [tilespmem:s22], [sflag:$0x4], $0x80, s25, s28, $0xb8;
	[tilespmem:$0x1C880] =	vst v63  }
0xf4: {  	_ =	swait.ge [sflag:s20], $0x4000  }
0xf5: {  	[sflag:s20] =	ssyncset.done $0x0  }
0xf6: {  	[sflag:s20] =	ssyncadd.s32 $0xFFFFC000  }
0xf7: {  	[spmem:s7] =	stream.indirect.scatter.add.f32 [tilespmem:s24], [sflag:$0x4], $0x1, s25, s28, $0xb8;
	[tilespmem:$0x1C880] =	vst v63  }
0xf8: {  	_ =	swait.ge [sflag:s20], $0x80  }
0xf9: {  	[sflag:s20] =	ssyncset.done $0x0  }
0xfa: {  	[sflag:s20] =	ssyncadd.s32 $0xFFFFFF80  }
0xfb: {  	_ =	swait.ge [sflag:s31], $0x4000  }
0xfc: {  	[sflag:s31] =	ssyncset.done $0x0  }
0xfd: {  	[sflag:s31] =	ssyncadd.s32 $0xFFFFC000  }
0xfe: {  	[spmem:s6] =	stream.indirect.scatter.add.f32 [tilespmem:s29], [sflag:$0x4], $0x80, s26, s28, $0xb8;
	[tilespmem:$0x1C880] =	vst v63  }
0xff: {  	_ =	swait.ge [sflag:s20], $0x4000  }
0x100: {  	[sflag:s20] =	ssyncset.done $0x0  }
0x101: {  	[sflag:s20] =	ssyncadd.s32 $0xFFFFC000  }
0x102: {  	[spmem:s7] =	stream.indirect.scatter.add.f32 [tilespmem:s5], [sflag:$0x4], $0x1, s26, s28, $0xb8;
	[tilespmem:$0x1C880] =	vst v63  }
0x103: {  	s14 =	sshrl.u32 s19, $0x3;
	_ =	swait.ge [sflag:s20], $0x80  }
0x104: {  	s15 =	sadd.s32 s1, s14;
	[sflag:s20] =	ssyncset.done $0x0  }
0x105: {  	[sflag:s20] =	ssyncadd.s32 $0xFFFFFF80  }
0x106: {  	[tilespmem:s8], [sflag:$0x1] =	stream.linear.gather [hbm4b:s15+s8], $0x100, $0x38;
	[tilespmem:$0x1C880] =	vst v63  }
0x107: {  	s15 =	sadd.s32 s3, s14  }
0x108: {  	[tilespmem:s24], [sflag:$0x2] =	stream.linear.gather [hbm4b:s15+s8], $0x100, $0x38;
	[tilespmem:$0x1C880] =	vst v63  }
0x109: {  	s14 =	sadd.s32 s2, s14;
	s15 =	sadd.s32 $0x80, s19  }
0x10a: {  	[tilespmem:s25], [sflag:$0x2] =	stream.linear.gather [hbm4b:s14+s8], $0x80, $0x38;
	[tilespmem:$0x1C880] =	vst v63  }
0x10b: {  	s14 =	sshrl.u32 s15, $0x3  }
0x10c: {  	s14 =	sadd.s32 s2, s14  }
0x10d: {  	[tilespmem:s26], [sflag:$0x2] =	stream.linear.gather [hbm4b:s14+s8], $0x80, $0x38;
	[tilespmem:$0x1C880] =	vst v63  }
0x10e: {  	_ =	swait.ge [sflag:s21], $0x100  }
0x10f: {  	[sflag:s21] =	ssyncset.done $0x0  }
0x110: {  	[sflag:s21] =	ssyncadd.s32 $0xFFFFFF00  }
0x111: {  	[tilespmem:s22], [sflag:$0x3] =	stream.indirect.gather [hbm4b:s0+s28], $0x80, s8, s28, $0xb8;
	[tilespmem:$0x1C880] =	vst v63  }
0x112: {  	_ = 	snop  }
0x113: {  	[tilespmem:s29], [sflag:$0x3] =	stream.indirect.gather [hbm4b:s0+s28], $0x80, s28, s28, $0xb8;
	[tilespmem:$0x1C880] =	vst v63  }
0x114: {  	_ =	swait.ge [sflag:s30], $0x100  }
0x115: {  	[sflag:s30] =	ssyncset.done $0x0  }
0x116: {  	[sflag:s30] =	ssyncadd.s32 $0xFFFFFF00  }
0x117: {  	_ =	swait.ge [sflag:s30], $0x80  }
0x118: {  	[sflag:s30] =	ssyncset.done $0x0  }
0x119: {  	[sflag:s30] =	ssyncadd.s32 $0xFFFFFF80  }
0x11a: {  	_ =	swait.ge [sflag:s30], $0x80  }
0x11b: {  	[sflag:s30] =	ssyncset.done $0x0  }
0x11c: {  	[sflag:s30] =	ssyncadd.s32 $0xFFFFFF80  }
0x11d: {  	v16 =	vld [tilespmem:$0x1D0]  }
0x11e: {  	v9 =	vld [tilespmem:$0x1C0]  }
0x11f: {  	v10 =	vld [tilespmem:$0x2B0]  }
0x120: {  	v17 =	vld [tilespmem:$0x2D0]  }
0x121: {  	v11 =	vld [tilespmem:$0x1B0]  }
0x122: {  	v12 =	vld [tilespmem:$0x1A0]  }
0x123: {  	v13 =	vld [tilespmem:$0x190]  }
0x124: {  	v14 =	vld [tilespmem:$0x180]  }
0x125: {  	v15 =	vld [tilespmem:$0x2A0]  }
0x126: {  	v18 =	vld [tilespmem:$0x170]  }
0x127: {  	v19 =	vld [tilespmem:$0x290]  }
0x128: {  	v20 =	vld [tilespmem:$0x160]  }
0x129: {  	v21 =	vld [tilespmem:$0x280]  }
0x12a: {  	v22 =	vld [tilespmem:$0x150]  }
0x12b: {  	vm0 =	vgt.f32 v15, $0.0e+00;
	v23 =	vld [tilespmem:$0x270]  }
0x12c: {  	v12 =	vsel vm0, v12, v3;
	v24 =	vld [tilespmem:$0x140];
	vm1 =	vgt.f32 v19, $0.0e+00  }
0x12d: {  	v15 =	vld [tilespmem:$0x260];
	v13 =	vsel vm1, v13, v2  }
0x12e: {  	vm1 =	vgt.f32 v10, $0.0e+00;
	v19 =	vld [tilespmem:$0x250];
	vm0 =	vgt.f32 v21, $0.0e+00;
	[tilespmem:$0x1A0] =	vst v12  }
0x12f: {  	v11 =	vsel vm1, v11, v4;
	v10 =	vld [tilespmem:$0x120];
	v12 =	vsel vm0, v14, v1;
	[tilespmem:$0x190] =	vst v13  }
0x130: {  	v21 =	vld [tilespmem:$0x240];
	vm0 =	vgt.f32 v23, $0.0e+00;
	[tilespmem:$0x1B0] =	vst v11  }
0x131: {  	v13 =	vsel vm0, v18, v8;
	[tilespmem:$0x180] =	vst v12;
	v11 =	vld [tilespmem:$0x1E0]  }
0x132: {  	vm0 =	vgt.f32 v15, $0.0e+00;
	[tilespmem:$0x170] =	vst v13;
	v13 =	vld [tilespmem:$0x1F0]  }
.Ltmp5:
0x133: {  	v12 =	vld [tilespmem:$0x110];
	vm1 =	vgt.f32 v19, $0.0e+00;
	v18 =	vsel vm0, v20, v7;
	(pc) =	sbr.rel @p0 .LBB2_5-.Ltmp5, $4  }
0x134: {  	v19 =	vsel vm1, v22, v6;
	v15 =	vld [tilespmem:$0x2F0]  }
0x135: {  	vm1 =	vgt.f32 v17, $0.0e+00;
	v14 =	vld [tilespmem:$0x220];
	vm0 =	vgt.f32 v21, $0.0e+00;
	[tilespmem:$0x160] =	vst v18  }
0x136: {  	v18 =	vsel vm0, v24, v5;
	[tilespmem:$0x150] =	vst v19;
	v19 =	vsel vm1, v16, v6;
	v17 =	vld [tilespmem:$0x2E0]  }
0x137: {  	v16 =	vld [tilespmem:$0x210];
	[tilespmem:$0x1D0] =	vst v19  }
.Ltmp6:
0x138: {  	_ = 	snop;
	(pc) =	sbr.rel .LBB2_6-.Ltmp6, $1  }
0x139: {  	_ =	sdelay $0x3  }
.LBB2_8:
0x13a: {  	_ =	sfence.sel $0x180000  }
0x13b: {  	[bflag:$0x0] =	sbarrier.arrive $0xFFFF  }
0x13c: {  	_ =	strace $0x90000047  }
0x13d: {  	s0 =	stileid.u32;
	[bflag:$0x2] =	sbarrier.arrive $0xFFFF  }
0x13e: {  	p0 =	sne.s32 s0, $0x0;
	s0 =	rddreg [dreg:$0x8]  }
0x13f: {  	s0 =	sadd.s32 @!p0 $0x100000, s0  }
0x140: {  	[sflag:s0] =	ssyncadd.tile.s32 @!p0 $0x1;
	_ =	shalt  }
.Lfunc_end2:
_tile_overlayer_lowered:
.L_overlay_start_2:
0x141: {  	(tag) =	ssettag $0x2  }
0x142: {  	s0 =	rddreg [dreg:$0x0];
	s2 =	stileid.u32  }
0x143: {  	s1 =	rddreg [dreg:$0x1];
	p0 =	sne.s32 s2, $0x0  }
0x144: {  	s3 =	rddreg [dreg:$0x2];
	[bflag:$0x3] =	sbarrier.arrive $0xFFFF;
	s2 =	simm.s32 @!p0 $0x1C04  }
0x145: {  	[timem:s3], [sflag:s2] =	dma.local @!p0 [hbm:s0], s1  }
0x146: {  	s0 =	simm.s32 @!p0 $0x4  }
0x147: {  	_ =	swait.ge @!p0 [sflag:s0], s1  }
0x148: {  	s1 =	ssub.s32 @!p0 $0x0, s1;
	[sflag:s0] =	ssyncset.done @!p0 $0x0  }
0x149: {  	[sflag:s0] =	ssyncadd.s32 @!p0 s1  }
0x14a: {  	[bflag:$0x3] =	sbarrier.arrive $0xFFFF  }
0x14b: {  	_ =	shalt  }

</sc_bundles>
